<compile_context>
chip_gen: v7x
topology: tpu7x:2x2x1
jax: 0.10.2.dev20260603
libtpu: 0.0.44.dev20260713+nightly
codegen_flags: <defaults>
</compile_context>

<pallas_src>
import functools

import jax
import jax.numpy as jnp
from jax import lax
from jax.experimental import pallas as pl
from jax.experimental.pallas import tpu as pltpu
from jax.experimental.pallas import tpu_sc as plsc

N1, N2, N3 = 100000, 25000, 6250
C = 128
O = 128

_PACKED = 64


def _pack_bf16(y):
    lo = lax.bitcast_convert_type(
        y[:, :64].astype(jnp.bfloat16), jnp.uint16).astype(jnp.uint32)
    hi = lax.bitcast_convert_type(
        y[:, 64:].astype(jnp.bfloat16), jnp.uint16).astype(jnp.uint32)
    return lax.bitcast_convert_type(lo | (hi << 16), jnp.int32)


def _unpack_bf16(p):
    u = lax.bitcast_convert_type(p, jnp.uint32)
    lo = lax.bitcast_convert_type((u & 0xFFFF).astype(jnp.uint16),
                                  jnp.bfloat16)
    hi = lax.bitcast_convert_type((u >> 16).astype(jnp.uint16),
                                  jnp.bfloat16)
    return jnp.concatenate([lo, hi], axis=1)



def _l3_body(x_ref, w_ref, out_ref):
    out_ref[...] = _pack_bf16(
        jnp.dot(x_ref[...], w_ref[...], preferred_element_type=jnp.float32))


def _compress_l3(x3, W3, n_out):
    x3p = jnp.concatenate(
        [x3, jnp.zeros((n_out - x3.shape[0], C), jnp.float32)])
    return pl.pallas_call(
        _l3_body,
        in_specs=[pl.BlockSpec((n_out, C), lambda: (0, 0)),
                  pl.BlockSpec((C, O), lambda: (0, 0))],
        out_specs=pl.BlockSpec((n_out, _PACKED), lambda: (0, 0)),
        out_shape=jax.ShapeDtypeStruct((n_out, _PACKED), jnp.int32),
    )(x3p, W3)


def _masked_body(pack_out, g_ref, off_ref, x_ref, w_ref, wt_ref, out_ref):
    g = _unpack_bf16(g_ref[...])
    bm = g.shape[0]
    offc = jnp.transpose(off_ref[0].astype(jnp.bfloat16), (1, 0))
    offb = jnp.broadcast_to(offc, (bm, O))
    gm = jnp.concatenate(
        [jnp.where(offb == float(k), g, 0) for k in range(8)],
        axis=1)
    y = jnp.dot(gm, wt_ref[...], preferred_element_type=jnp.float32)
    y = y + jnp.dot(x_ref[...], w_ref[...],
                    preferred_element_type=jnp.float32)
    out_ref[...] = _pack_bf16(y) if pack_out else y


def _masked_level(g, off, x, W, Wt, pack_out, bm, n_out=None):
    n = x.shape[0]
    nm = n // bm
    n_out = n_out or n
    wt_cat = Wt.astype(jnp.bfloat16).reshape(8 * O, O)
    out_shape = (jax.ShapeDtypeStruct((n_out, _PACKED), jnp.int32)
                 if pack_out else jax.ShapeDtypeStruct((n, O), jnp.float32))
    ow = _PACKED if pack_out else O
    return pl.pallas_call(
        functools.partial(_masked_body, pack_out),
        grid=(nm,),
        in_specs=[
            pl.BlockSpec((bm, _PACKED), lambda i: (i, 0)),
            pl.BlockSpec((1, 1, bm), lambda i: (i, 0, 0)),
            pl.BlockSpec((bm, C), lambda i: (i, 0)),
            pl.BlockSpec((C, O), lambda i: (0, 0)),
            pl.BlockSpec((8 * O, O), lambda i: (0, 0)),
        ],
        out_specs=pl.BlockSpec((bm, ow), lambda i: (i, 0)),
        out_shape=out_shape,
    )(g, off.reshape(nm, 1, bm), x, W, wt_cat)



def _sc_gather(table, parent, br, nbuf, depth):
    info = plsc.get_sparse_core_info()
    nw = info.num_cores * info.num_subcores
    ns = info.num_subcores
    n = parent.shape[0]
    pw = br * -(-n // (br * nw))
    n_pad = pw * nw
    nk = pw // br

    vp = table.shape[0]
    assert vp % 128 == 0
    vs = vp // ns
    parent_p = jnp.concatenate([parent, jnp.zeros((n_pad - n,), jnp.int32)])

    mesh = plsc.VectorSubcoreMesh(core_axis_name="c", subcore_axis_name="s")

    @functools.partial(
        pl.kernel,
        out_type=jax.ShapeDtypeStruct((n_pad, _PACKED), jnp.int32),
        mesh=mesh,
        compiler_params=pltpu.CompilerParams(use_tc_tiling_on_sc=False),
        scratch_types=[
            pltpu.VMEM_SHARED((vp, _PACKED), jnp.int32),
            pltpu.VMEM((pw,), jnp.int32),
            pltpu.VMEM((nbuf, br, _PACKED), jnp.int32),
            pltpu.SemaphoreType.DMA,
            pltpu.SemaphoreType.DMA,
        ],
    )
    def gather(table_hbm, par_hbm, out_hbm,
               spmem, idx_v, bufs, sem_g, sem_s):
        sid = lax.axis_index("s")
        wid = sid * info.num_cores + lax.axis_index("c")
        base = wid * pw
        pltpu.sync_copy(table_hbm.at[pl.ds(sid * vs, vs)],
                        spmem.at[pl.ds(sid * vs, vs)])
        pltpu.sync_copy(par_hbm.at[pl.ds(base, pw)], idx_v)
        plsc.subcore_barrier()
        g_copies = [None] * nk
        s_copies = [None] * nk
        dp = min(depth, nk)
        for j in range(nk + dp):
            if j < nk:
                if j >= nbuf:
                    s_copies[j - nbuf].wait()
                g_copies[j] = pltpu.async_copy(
                    spmem.at[idx_v.at[pl.ds(j * br, br)]],
                    bufs.at[j % nbuf], sem_g)
            t = j - dp
            if t >= 0:
                g_copies[t].wait()
                s_copies[t] = pltpu.async_copy(
                    bufs.at[t % nbuf],
                    out_hbm.at[pl.ds(base + t * br, br)],
                    sem_s)
        for t in range(max(0, nk - nbuf), nk):
            s_copies[t].wait()

    return gather(table, parent_p)



def kernel(x1, x2, x3, parent1, offset1, parent2, offset2,
           W1, W2, W3, Wt2, Wt3):
    parent1 = parent1.astype(jnp.int32)
    offset1 = offset1.astype(jnp.int32)
    parent2 = parent2.astype(jnp.int32)
    offset2 = offset2.astype(jnp.int32)

    vp3 = 128 * -(-N3 // 128)
    vp2 = 128 * -(-N2 // 128)
    y3p = _compress_l3(x3, W3, vp3)
    g3 = _sc_gather(y3p, parent2, 128, 6, 4)
    y2p = _masked_level(g3, offset2, x2, W2, Wt3,
                        pack_out=True, bm=5000, n_out=vp2)
    g2 = _sc_gather(y2p, parent1, 128, 2, 1)
    return _masked_level(g2, offset1, x1, W1, Wt2,
                         pack_out=False, bm=5000)

# --- scband reference (transcript-rebuilt; emitter-appended) ---
"""Pipeline reference for scband-mink-head-64707977281696 (READ-ONLY COPY).

The authoritative reference and input builder live on the scoring server;
editing this copy changes nothing except your own understanding.
"""

import jax, jax.numpy as jnp
import numpy as np

N1, N2, N3 = 100000, 25000, 6250
C = 128
O = 128


def setup_inputs(seed: int = 0) -> dict:
    key = jax.random.key(seed)
    ks = jax.random.split(key, 12)
    x1 = jax.random.normal(ks[0], (N1, C), dtype=jnp.float32)
    x2 = jax.random.normal(ks[1], (N2, C), dtype=jnp.float32)
    x3 = jax.random.normal(ks[2], (N3, C), dtype=jnp.float32)
    parent1 = jax.random.randint(ks[3], (N1,), 0, N2)
    offset1 = jax.random.randint(ks[4], (N1,), 0, 8)
    parent2 = jax.random.randint(ks[5], (N2,), 0, N3)
    offset2 = jax.random.randint(ks[6], (N2,), 0, 8)
    # conv1x1 weights (ME conv bias=False by default)
    W1 = jax.random.normal(ks[7], (C, O), dtype=jnp.float32) * 0.05
    W2 = jax.random.normal(ks[8], (C, O), dtype=jnp.float32) * 0.05
    W3 = jax.random.normal(ks[9], (C, O), dtype=jnp.float32) * 0.05
    # transpose-conv kernel_size=2 stride=2 in 3D -> 8 kernel offsets, each [O, O]
    Wt2 = jax.random.normal(ks[10], (8, O, O), dtype=jnp.float32) * 0.05  # level 2 -> 1
    Wt3 = jax.random.normal(ks[11], (8, O, O), dtype=jnp.float32) * 0.05  # level 3 -> 2
    return {"x1": x1, "x2": x2, "x3": x3,
            "parent1": parent1, "offset1": offset1,
            "parent2": parent2, "offset2": offset2,
            "W1": W1, "W2": W2, "W3": W3, "Wt2": Wt2, "Wt3": Wt3}


def _tconv(y_coarse, parent_idx, offset_idx, Wt):
    # Minkowski transpose conv k=2 s=2: each fine voxel pulls from its unique
    # parent voxel, with the weight selected by the fine voxel's octant offset.
    g = jnp.take(y_coarse, parent_idx, axis=0)
    out = jnp.zeros((g.shape[0], Wt.shape[2]), dtype=g.dtype)
    for k in range(8):
        mask = (offset_idx == k).astype(g.dtype)[:, None]
        out = out + mask * (g @ Wt[k])
    return out


def reference(x1, x2, x3, parent1, offset1, parent2, offset2, W1, W2, W3, Wt2, Wt3):
    # y = conv1x1[max_level](x[max_level])
    y = x3 @ W3
    # level 2: y = tconv['3'](y) + conv1x1['2'](x2)
    y = _tconv(y, parent2, offset2, Wt3) + x2 @ W2
    # level 1: y = tconv['2'](y) + conv1x1['1'](x1)
    y = _tconv(y, parent1, offset1, Wt2) + x1 @ W1
    return y

if __name__ == "__main__":
    import jax
    _d = setup_inputs()
    print(jax.jit(kernel)(*tuple(_d.values())))

</pallas_src>

<mosaic_0001>
#map = affine_map<(d0, d1) -> (0, 0)>
#map1 = affine_map<(d0, d1) -> (0)>
module attributes {stable_mosaic.version = 14 : i64} {
  func.func @gather(%arg0: i32, %arg1: i32, %arg2: memref<25088x64xi32, #tpu.memory_space<hbm>>, %arg3: memref<102400xi32, #tpu.memory_space<hbm>>, %arg4: memref<102400x64xi32, #tpu.memory_space<hbm>>, %arg5: memref<25088x64xi32, #tpu.memory_space<vmem_shared>>, %arg6: memref<3200xi32, #tpu.memory_space<vmem>>, %arg7: memref<2x128x64xi32, #tpu.memory_space<vmem>>, %arg8: memref<!tpu.dma_semaphore, #tpu.memory_space<semaphore_mem>>, %arg9: memref<!tpu.dma_semaphore, #tpu.memory_space<semaphore_mem>>) attributes {dimension_semantics = [#tpu.dimension_semantics<core_parallel>, #tpu.dimension_semantics<subcore_parallel>], iteration_bounds = array<i64: 2, 16>, scalar_prefetch = 0 : i64, scratch_operands = 5 : i64, tpu.core_type = #tpu.core_type<sc_vector_subcore>, window_params = [{transform_indices = #map}, {transform_indices = #map1}, {transform_indices = #map}]} {
    %mul3A = arith.constant 2 : i32
    %mul3A_0 = arith.muli %arg1, %mul3A : i32
    %add3A = arith.addi %mul3A_0, %arg0 : i32
    %mul3A_1 = arith.constant 3200 : i32
    %mul3A_2 = arith.muli %add3A, %mul3A_1 : i32
    %mul3A_3 = arith.constant 1568 : i32
    %mul3A_4 = arith.muli %arg1, %mul3A_3 : i32
    %mul3A_5 = arith.constant 1568 : i32
    %mul3A_6 = arith.muli %arg1, %mul3A_5 : i32
    "tpu.region"() ({
      %run_scoped3A = tpu.sem_alloc : memref<!tpu.dma_semaphore, #tpu.memory_space<semaphore_mem>>
      %dma_start3A_1205 = arith.constant 0 : i32
      %dma_start3A_1206 = tpu.memref_slice %arg5[%mul3A_6, %dma_start3A_1205] : memref<25088x64xi32, #tpu.memory_space<vmem_shared>> -> memref<1568x64xi32, #tpu.memory_space<vmem_shared>>
      %dma_start3A_1207 = arith.constant 0 : i32
      %dma_start3A_1208 = tpu.memref_slice %arg2[%mul3A_4, %dma_start3A_1207] : memref<25088x64xi32, #tpu.memory_space<hbm>> -> memref<1568x64xi32, #tpu.memory_space<hbm>>
      tpu.enqueue_dma source(%dma_start3A_1208 : memref<1568x64xi32, #tpu.memory_space<hbm>>) target(%dma_start3A_1206 : memref<1568x64xi32, #tpu.memory_space<vmem_shared>>) target_semaphore(%run_scoped3A : memref<!tpu.dma_semaphore, #tpu.memory_space<semaphore_mem>>)
      %dma_wait3A_1209 = arith.constant 0 : i32
      %dma_wait3A_1210 = tpu.memref_slice %arg5[%mul3A_6, %dma_wait3A_1209] : memref<25088x64xi32, #tpu.memory_space<vmem_shared>> -> memref<1568x64xi32, #tpu.memory_space<vmem_shared>>
      %dma_wait3A_1211 = arith.constant 0 : i32
      %dma_wait3A_1212 = tpu.memref_slice %arg2[%mul3A_4, %dma_wait3A_1211] : memref<25088x64xi32, #tpu.memory_space<hbm>> -> memref<1568x64xi32, #tpu.memory_space<hbm>>
      tpu.wait_dma2 semaphore(%run_scoped3A : memref<!tpu.dma_semaphore, #tpu.memory_space<semaphore_mem>>) src(%dma_wait3A_1212 : memref<1568x64xi32, #tpu.memory_space<hbm>>) dst(%dma_wait3A_1210 : memref<1568x64xi32, #tpu.memory_space<vmem_shared>>)
      tpu.yield
    }) : () -> ()
    "tpu.region"() ({
      %run_scoped3A = tpu.sem_alloc : memref<!tpu.dma_semaphore, #tpu.memory_space<semaphore_mem>>
      %dma_start3A_1205 = tpu.memref_slice %arg3[%mul3A_2] : memref<102400xi32, #tpu.memory_space<hbm>> -> memref<3200xi32, #tpu.memory_space<hbm>>
      %dma_start3A_1206 = tpu.memref_slice %arg3[%mul3A_2] : memref<102400xi32, #tpu.memory_space<hbm>> -> memref<3200xi32, #tpu.memory_space<hbm>>
      tpu.enqueue_dma source(%dma_start3A_1206 : memref<3200xi32, #tpu.memory_space<hbm>>) target(%arg6 : memref<3200xi32, #tpu.memory_space<vmem>>) target_semaphore(%run_scoped3A : memref<!tpu.dma_semaphore, #tpu.memory_space<semaphore_mem>>)
      %dma_wait3A_1207 = tpu.memref_slice %arg3[%mul3A_2] : memref<102400xi32, #tpu.memory_space<hbm>> -> memref<3200xi32, #tpu.memory_space<hbm>>
      %dma_wait3A_1208 = tpu.memref_slice %arg3[%mul3A_2] : memref<102400xi32, #tpu.memory_space<hbm>> -> memref<3200xi32, #tpu.memory_space<hbm>>
      tpu.wait_dma2 semaphore(%run_scoped3A : memref<!tpu.dma_semaphore, #tpu.memory_space<semaphore_mem>>) src(%dma_wait3A_1208 : memref<3200xi32, #tpu.memory_space<hbm>>) dst(%arg6 : memref<3200xi32, #tpu.memory_space<vmem>>)
      tpu.yield
    }) : () -> ()
    %barrier3A = arith.constant 0 : index
    tpu.barrier barrier_id(%barrier3A)
    %dma_start3A = arith.constant 0 : i32
    %dma_start3A_7 = arith.constant 0 : i32
    %dma_start3A_8 = arith.constant 0 : i32
    %dma_start3A_9 = tpu.memref_slice %arg7[%dma_start3A, %dma_start3A_7, %dma_start3A_8] : memref<2x128x64xi32, #tpu.memory_space<vmem>> -> memref<1x128x64xi32, #tpu.memory_space<vmem>>
    %dma_start3A_10 = tpu.memref_squeeze %dma_start3A_9 : memref<1x128x64xi32, #tpu.memory_space<vmem>> -> memref<128x64xi32, #tpu.memory_space<vmem>>
    %dma_start3A_11 = arith.constant 0 : i32
    %dma_start3A_12 = tpu.memref_slice %arg6[%dma_start3A_11] : memref<3200xi32, #tpu.memory_space<vmem>> -> memref<128xi32, #tpu.memory_space<vmem>>
    %dma_start3A_13 = arith.constant 0 : i32
    %dma_start3A_14 = arith.constant 0 : i32
    %dma_start3A_15 = tpu.memref_slice %arg5[%dma_start3A_13, %dma_start3A_14] : memref<25088x64xi32, #tpu.memory_space<vmem_shared>> -> memref<25088x64xi32, #tpu.memory_space<vmem_shared>>
    tpu.enqueue_indirect_dma source(%dma_start3A_15 : memref<25088x64xi32, #tpu.memory_space<vmem_shared>>) target(%dma_start3A_10 : memref<128x64xi32, #tpu.memory_space<vmem>>) offsets(%dma_start3A_12 : memref<128xi32, #tpu.memory_space<vmem>>) semaphore(%arg8 : memref<!tpu.dma_semaphore, #tpu.memory_space<semaphore_mem>>)
    %dma_start3A_16 = arith.constant 1 : i32
    %dma_start3A_17 = arith.constant 0 : i32
    %dma_start3A_18 = arith.constant 0 : i32
    %dma_start3A_19 = tpu.memref_slice %arg7[%dma_start3A_16, %dma_start3A_17, %dma_start3A_18] : memref<2x128x64xi32, #tpu.memory_space<vmem>> -> memref<1x128x64xi32, #tpu.memory_space<vmem>>
    %dma_start3A_20 = tpu.memref_squeeze %dma_start3A_19 : memref<1x128x64xi32, #tpu.memory_space<vmem>> -> memref<128x64xi32, #tpu.memory_space<vmem>>
    %dma_start3A_21 = arith.constant 128 : i32
    %dma_start3A_22 = tpu.memref_slice %arg6[%dma_start3A_21] : memref<3200xi32, #tpu.memory_space<vmem>> -> memref<128xi32, #tpu.memory_space<vmem>>
    %dma_start3A_23 = arith.constant 0 : i32
    %dma_start3A_24 = arith.constant 0 : i32
    %dma_start3A_25 = tpu.memref_slice %arg5[%dma_start3A_23, %dma_start3A_24] : memref<25088x64xi32, #tpu.memory_space<vmem_shared>> -> memref<25088x64xi32, #tpu.memory_space<vmem_shared>>
    tpu.enqueue_indirect_dma source(%dma_start3A_25 : memref<25088x64xi32, #tpu.memory_space<vmem_shared>>) target(%dma_start3A_20 : memref<128x64xi32, #tpu.memory_space<vmem>>) offsets(%dma_start3A_22 : memref<128xi32, #tpu.memory_space<vmem>>) semaphore(%arg8 : memref<!tpu.dma_semaphore, #tpu.memory_space<semaphore_mem>>)
    %dma_wait3A = arith.constant 0 : i32
    %dma_wait3A_26 = arith.constant 0 : i32
    %dma_wait3A_27 = arith.constant 0 : i32
    %dma_wait3A_28 = tpu.memref_slice %arg7[%dma_wait3A, %dma_wait3A_26, %dma_wait3A_27] : memref<2x128x64xi32, #tpu.memory_space<vmem>> -> memref<1x128x64xi32, #tpu.memory_space<vmem>>
    %dma_wait3A_29 = tpu.memref_squeeze %dma_wait3A_28 : memref<1x128x64xi32, #tpu.memory_space<vmem>> -> memref<128x64xi32, #tpu.memory_space<vmem>>
    %dma_wait3A_30 = arith.constant 0 : i32
    %dma_wait3A_31 = tpu.memref_slice %arg6[%dma_wait3A_30] : memref<3200xi32, #tpu.memory_space<vmem>> -> memref<128xi32, #tpu.memory_space<vmem>>
    %dma_wait3A_32 = arith.constant 0 : i32
    %dma_wait3A_33 = arith.constant 0 : i32
    %dma_wait3A_34 = tpu.memref_slice %arg5[%dma_wait3A_32, %dma_wait3A_33] : memref<25088x64xi32, #tpu.memory_space<vmem_shared>> -> memref<25088x64xi32, #tpu.memory_space<vmem_shared>>
    tpu.wait_indirect_dma semaphore(%arg8 : memref<!tpu.dma_semaphore, #tpu.memory_space<semaphore_mem>>) src(%dma_wait3A_34 : memref<25088x64xi32, #tpu.memory_space<vmem_shared>>) dst(%dma_wait3A_29 : memref<128x64xi32, #tpu.memory_space<vmem>>)
    %add3A_35 = arith.constant 0 : i32
    %add3A_36 = arith.addi %mul3A_2, %add3A_35 : i32
    %dma_start3A_37 = arith.constant 0 : i32
    %dma_start3A_38 = arith.constant 0 : i32
    %dma_start3A_39 = arith.constant 0 : i32
    %dma_start3A_40 = tpu.memref_slice %arg7[%dma_start3A_37, %dma_start3A_38, %dma_start3A_39] : memref<2x128x64xi32, #tpu.memory_space<vmem>> -> memref<1x128x64xi32, #tpu.memory_space<vmem>>
    %dma_start3A_41 = tpu.memref_squeeze %dma_start3A_40 : memref<1x128x64xi32, #tpu.memory_space<vmem>> -> memref<128x64xi32, #tpu.memory_space<vmem>>
    %dma_start3A_42 = arith.constant 0 : i32
    %dma_start3A_43 = tpu.memref_slice %arg4[%add3A_36, %dma_start3A_42] : memref<102400x64xi32, #tpu.memory_space<hbm>> -> memref<128x64xi32, #tpu.memory_space<hbm>>
    %dma_start3A_44 = arith.constant 0 : i32
    %dma_start3A_45 = tpu.memref_slice %arg4[%add3A_36, %dma_start3A_44] : memref<102400x64xi32, #tpu.memory_space<hbm>> -> memref<128x64xi32, #tpu.memory_space<hbm>>
    %dma_start3A_46 = arith.constant 0 : i32
    %dma_start3A_47 = arith.constant 0 : i32
    %dma_start3A_48 = tpu.memref_slice %arg7[%dma_start3A_37, %dma_start3A_46, %dma_start3A_47] : memref<2x128x64xi32, #tpu.memory_space<vmem>> -> memref<1x128x64xi32, #tpu.memory_space<vmem>>
    %dma_start3A_49 = tpu.memref_squeeze %dma_start3A_48 : memref<1x128x64xi32, #tpu.memory_space<vmem>> -> memref<128x64xi32, #tpu.memory_space<vmem>>
    tpu.enqueue_dma source(%dma_start3A_49 : memref<128x64xi32, #tpu.memory_space<vmem>>) target(%dma_start3A_45 : memref<128x64xi32, #tpu.memory_space<hbm>>) target_semaphore(%arg9 : memref<!tpu.dma_semaphore, #tpu.memory_space<semaphore_mem>>)
    %dma_wait3A_50 = arith.constant 0 : i32
    %dma_wait3A_51 = arith.constant 0 : i32
    %dma_wait3A_52 = arith.constant 0 : i32
    %dma_wait3A_53 = tpu.memref_slice %arg7[%dma_wait3A_50, %dma_wait3A_51, %dma_wait3A_52] : memref<2x128x64xi32, #tpu.memory_space<vmem>> -> memref<1x128x64xi32, #tpu.memory_space<vmem>>
    %dma_wait3A_54 = tpu.memref_squeeze %dma_wait3A_53 : memref<1x128x64xi32, #tpu.memory_space<vmem>> -> memref<128x64xi32, #tpu.memory_space<vmem>>
    %dma_wait3A_55 = arith.constant 0 : i32
    %dma_wait3A_56 = tpu.memref_slice %arg4[%add3A_36, %dma_wait3A_55] : memref<102400x64xi32, #tpu.memory_space<hbm>> -> memref<128x64xi32, #tpu.memory_space<hbm>>
    %dma_wait3A_57 = arith.constant 0 : i32
    %dma_wait3A_58 = tpu.memref_slice %arg4[%add3A_36, %dma_wait3A_57] : memref<102400x64xi32, #tpu.memory_space<hbm>> -> memref<128x64xi32, #tpu.memory_space<hbm>>
    %dma_wait3A_59 = arith.constant 0 : i32
    %dma_wait3A_60 = arith.constant 0 : i32
    %dma_wait3A_61 = tpu.memref_slice %arg7[%dma_wait3A_50, %dma_wait3A_59, %dma_wait3A_60] : memref<2x128x64xi32, #tpu.memory_space<vmem>> -> memref<1x128x64xi32, #tpu.memory_space<vmem>>
    %dma_wait3A_62 = tpu.memref_squeeze %dma_wait3A_61 : memref<1x128x64xi32, #tpu.memory_space<vmem>> -> memref<128x64xi32, #tpu.memory_space<vmem>>
    tpu.wait_dma2 semaphore(%arg9 : memref<!tpu.dma_semaphore, #tpu.memory_space<semaphore_mem>>) src(%dma_wait3A_62 : memref<128x64xi32, #tpu.memory_space<vmem>>) dst(%dma_wait3A_58 : memref<128x64xi32, #tpu.memory_space<hbm>>)
    %dma_start3A_63 = arith.constant 0 : i32
    %dma_start3A_64 = arith.constant 0 : i32
    %dma_start3A_65 = arith.constant 0 : i32
    %dma_start3A_66 = tpu.memref_slice %arg7[%dma_start3A_63, %dma_start3A_64, %dma_start3A_65] : memref<2x128x64xi32, #tpu.memory_space<vmem>> -> memref<1x128x64xi32, #tpu.memory_space<vmem>>
    %dma_start3A_67 = tpu.memref_squeeze %dma_start3A_66 : memref<1x128x64xi32, #tpu.memory_space<vmem>> -> memref<128x64xi32, #tpu.memory_space<vmem>>
    %dma_start3A_68 = arith.constant 256 : i32
    %dma_start3A_69 = tpu.memref_slice %arg6[%dma_start3A_68] : memref<3200xi32, #tpu.memory_space<vmem>> -> memref<128xi32, #tpu.memory_space<vmem>>
    %dma_start3A_70 = arith.constant 0 : i32
    %dma_start3A_71 = arith.constant 0 : i32
    %dma_start3A_72 = tpu.memref_slice %arg5[%dma_start3A_70, %dma_start3A_71] : memref<25088x64xi32, #tpu.memory_space<vmem_shared>> -> memref<25088x64xi32, #tpu.memory_space<vmem_shared>>
    tpu.enqueue_indirect_dma source(%dma_start3A_72 : memref<25088x64xi32, #tpu.memory_space<vmem_shared>>) target(%dma_start3A_67 : memref<128x64xi32, #tpu.memory_space<vmem>>) offsets(%dma_start3A_69 : memref<128xi32, #tpu.memory_space<vmem>>) semaphore(%arg8 : memref<!tpu.dma_semaphore, #tpu.memory_space<semaphore_mem>>)
    %dma_wait3A_73 = arith.constant 1 : i32
    %dma_wait3A_74 = arith.constant 0 : i32
    %dma_wait3A_75 = arith.constant 0 : i32
    %dma_wait3A_76 = tpu.memref_slice %arg7[%dma_wait3A_73, %dma_wait3A_74, %dma_wait3A_75] : memref<2x128x64xi32, #tpu.memory_space<vmem>> -> memref<1x128x64xi32, #tpu.memory_space<vmem>>
    %dma_wait3A_77 = tpu.memref_squeeze %dma_wait3A_76 : memref<1x128x64xi32, #tpu.memory_space<vmem>> -> memref<128x64xi32, #tpu.memory_space<vmem>>
    %dma_wait3A_78 = arith.constant 128 : i32
    %dma_wait3A_79 = tpu.memref_slice %arg6[%dma_wait3A_78] : memref<3200xi32, #tpu.memory_space<vmem>> -> memref<128xi32, #tpu.memory_space<vmem>>
    %dma_wait3A_80 = arith.constant 0 : i32
    %dma_wait3A_81 = arith.constant 0 : i32
    %dma_wait3A_82 = tpu.memref_slice %arg5[%dma_wait3A_80, %dma_wait3A_81] : memref<25088x64xi32, #tpu.memory_space<vmem_shared>> -> memref<25088x64xi32, #tpu.memory_space<vmem_shared>>
    tpu.wait_indirect_dma semaphore(%arg8 : memref<!tpu.dma_semaphore, #tpu.memory_space<semaphore_mem>>) src(%dma_wait3A_82 : memref<25088x64xi32, #tpu.memory_space<vmem_shared>>) dst(%dma_wait3A_77 : memref<128x64xi32, #tpu.memory_space<vmem>>)
    %add3A_83 = arith.constant 128 : i32
    %add3A_84 = arith.addi %mul3A_2, %add3A_83 : i32
    %dma_start3A_85 = arith.constant 1 : i32
    %dma_start3A_86 = arith.constant 0 : i32
    %dma_start3A_87 = arith.constant 0 : i32
    %dma_start3A_88 = tpu.memref_slice %arg7[%dma_start3A_85, %dma_start3A_86, %dma_start3A_87] : memref<2x128x64xi32, #tpu.memory_space<vmem>> -> memref<1x128x64xi32, #tpu.memory_space<vmem>>
    %dma_start3A_89 = tpu.memref_squeeze %dma_start3A_88 : memref<1x128x64xi32, #tpu.memory_space<vmem>> -> memref<128x64xi32, #tpu.memory_space<vmem>>
    %dma_start3A_90 = arith.constant 0 : i32
    %dma_start3A_91 = tpu.memref_slice %arg4[%add3A_84, %dma_start3A_90] : memref<102400x64xi32, #tpu.memory_space<hbm>> -> memref<128x64xi32, #tpu.memory_space<hbm>>
    %dma_start3A_92 = arith.constant 0 : i32
    %dma_start3A_93 = tpu.memref_slice %arg4[%add3A_84, %dma_start3A_92] : memref<102400x64xi32, #tpu.memory_space<hbm>> -> memref<128x64xi32, #tpu.memory_space<hbm>>
    %dma_start3A_94 = arith.constant 0 : i32
    %dma_start3A_95 = arith.constant 0 : i32
    %dma_start3A_96 = tpu.memref_slice %arg7[%dma_start3A_85, %dma_start3A_94, %dma_start3A_95] : memref<2x128x64xi32, #tpu.memory_space<vmem>> -> memref<1x128x64xi32, #tpu.memory_space<vmem>>
    %dma_start3A_97 = tpu.memref_squeeze %dma_start3A_96 : memref<1x128x64xi32, #tpu.memory_space<vmem>> -> memref<128x64xi32, #tpu.memory_space<vmem>>
    tpu.enqueue_dma source(%dma_start3A_97 : memref<128x64xi32, #tpu.memory_space<vmem>>) target(%dma_start3A_93 : memref<128x64xi32, #tpu.memory_space<hbm>>) target_semaphore(%arg9 : memref<!tpu.dma_semaphore, #tpu.memory_space<semaphore_mem>>)
    %dma_wait3A_98 = arith.constant 1 : i32
    %dma_wait3A_99 = arith.constant 0 : i32
    %dma_wait3A_100 = arith.constant 0 : i32
    %dma_wait3A_101 = tpu.memref_slice %arg7[%dma_wait3A_98, %dma_wait3A_99, %dma_wait3A_100] : memref<2x128x64xi32, #tpu.memory_space<vmem>> -> memref<1x128x64xi32, #tpu.memory_space<vmem>>
    %dma_wait3A_102 = tpu.memref_squeeze %dma_wait3A_101 : memref<1x128x64xi32, #tpu.memory_space<vmem>> -> memref<128x64xi32, #tpu.memory_space<vmem>>
    %dma_wait3A_103 = arith.constant 0 : i32
    %dma_wait3A_104 = tpu.memref_slice %arg4[%add3A_84, %dma_wait3A_103] : memref<102400x64xi32, #tpu.memory_space<hbm>> -> memref<128x64xi32, #tpu.memory_space<hbm>>
    %dma_wait3A_105 = arith.constant 0 : i32
    %dma_wait3A_106 = tpu.memref_slice %arg4[%add3A_84, %dma_wait3A_105] : memref<102400x64xi32, #tpu.memory_space<hbm>> -> memref<128x64xi32, #tpu.memory_space<hbm>>
    %dma_wait3A_107 = arith.constant 0 : i32
    %dma_wait3A_108 = arith.constant 0 : i32
    %dma_wait3A_109 = tpu.memref_slice %arg7[%dma_wait3A_98, %dma_wait3A_107, %dma_wait3A_108] : memref<2x128x64xi32, #tpu.memory_space<vmem>> -> memref<1x128x64xi32, #tpu.memory_space<vmem>>
    %dma_wait3A_110 = tpu.memref_squeeze %dma_wait3A_109 : memref<1x128x64xi32, #tpu.memory_space<vmem>> -> memref<128x64xi32, #tpu.memory_space<vmem>>
    tpu.wait_dma2 semaphore(%arg9 : memref<!tpu.dma_semaphore, #tpu.memory_space<semaphore_mem>>) src(%dma_wait3A_110 : memref<128x64xi32, #tpu.memory_space<vmem>>) dst(%dma_wait3A_106 : memref<128x64xi32, #tpu.memory_space<hbm>>)
    %dma_start3A_111 = arith.constant 1 : i32
    %dma_start3A_112 = arith.constant 0 : i32
    %dma_start3A_113 = arith.constant 0 : i32
    %dma_start3A_114 = tpu.memref_slice %arg7[%dma_start3A_111, %dma_start3A_112, %dma_start3A_113] : memref<2x128x64xi32, #tpu.memory_space<vmem>> -> memref<1x128x64xi32, #tpu.memory_space<vmem>>
    %dma_start3A_115 = tpu.memref_squeeze %dma_start3A_114 : memref<1x128x64xi32, #tpu.memory_space<vmem>> -> memref<128x64xi32, #tpu.memory_space<vmem>>
    %dma_start3A_116 = arith.constant 384 : i32
    %dma_start3A_117 = tpu.memref_slice %arg6[%dma_start3A_116] : memref<3200xi32, #tpu.memory_space<vmem>> -> memref<128xi32, #tpu.memory_space<vmem>>
    %dma_start3A_118 = arith.constant 0 : i32
    %dma_start3A_119 = arith.constant 0 : i32
    %dma_start3A_120 = tpu.memref_slice %arg5[%dma_start3A_118, %dma_start3A_119] : memref<25088x64xi32, #tpu.memory_space<vmem_shared>> -> memref<25088x64xi32, #tpu.memory_space<vmem_shared>>
    tpu.enqueue_indirect_dma source(%dma_start3A_120 : memref<25088x64xi32, #tpu.memory_space<vmem_shared>>) target(%dma_start3A_115 : memref<128x64xi32, #tpu.memory_space<vmem>>) offsets(%dma_start3A_117 : memref<128xi32, #tpu.memory_space<vmem>>) semaphore(%arg8 : memref<!tpu.dma_semaphore, #tpu.memory_space<semaphore_mem>>)
    %dma_wait3A_121 = arith.constant 0 : i32
    %dma_wait3A_122 = arith.constant 0 : i32
    %dma_wait3A_123 = arith.constant 0 : i32
    %dma_wait3A_124 = tpu.memref_slice %arg7[%dma_wait3A_121, %dma_wait3A_122, %dma_wait3A_123] : memref<2x128x64xi32, #tpu.memory_space<vmem>> -> memref<1x128x64xi32, #tpu.memory_space<vmem>>
    %dma_wait3A_125 = tpu.memref_squeeze %dma_wait3A_124 : memref<1x128x64xi32, #tpu.memory_space<vmem>> -> memref<128x64xi32, #tpu.memory_space<vmem>>
    %dma_wait3A_126 = arith.constant 256 : i32
    %dma_wait3A_127 = tpu.memref_slice %arg6[%dma_wait3A_126] : memref<3200xi32, #tpu.memory_space<vmem>> -> memref<128xi32, #tpu.memory_space<vmem>>
    %dma_wait3A_128 = arith.constant 0 : i32
    %dma_wait3A_129 = arith.constant 0 : i32
    %dma_wait3A_130 = tpu.memref_slice %arg5[%dma_wait3A_128, %dma_wait3A_129] : memref<25088x64xi32, #tpu.memory_space<vmem_shared>> -> memref<25088x64xi32, #tpu.memory_space<vmem_shared>>
    tpu.wait_indirect_dma semaphore(%arg8 : memref<!tpu.dma_semaphore, #tpu.memory_space<semaphore_mem>>) src(%dma_wait3A_130 : memref<25088x64xi32, #tpu.memory_space<vmem_shared>>) dst(%dma_wait3A_125 : memref<128x64xi32, #tpu.memory_space<vmem>>)
    %add3A_131 = arith.constant 256 : i32
    %add3A_132 = arith.addi %mul3A_2, %add3A_131 : i32
    %dma_start3A_133 = arith.constant 0 : i32
    %dma_start3A_134 = arith.constant 0 : i32
    %dma_start3A_135 = arith.constant 0 : i32
    %dma_start3A_136 = tpu.memref_slice %arg7[%dma_start3A_133, %dma_start3A_134, %dma_start3A_135] : memref<2x128x64xi32, #tpu.memory_space<vmem>> -> memref<1x128x64xi32, #tpu.memory_space<vmem>>
    %dma_start3A_137 = tpu.memref_squeeze %dma_start3A_136 : memref<1x128x64xi32, #tpu.memory_space<vmem>> -> memref<128x64xi32, #tpu.memory_space<vmem>>
    %dma_start3A_138 = arith.constant 0 : i32
    %dma_start3A_139 = tpu.memref_slice %arg4[%add3A_132, %dma_start3A_138] : memref<102400x64xi32, #tpu.memory_space<hbm>> -> memref<128x64xi32, #tpu.memory_space<hbm>>
    %dma_start3A_140 = arith.constant 0 : i32
    %dma_start3A_141 = tpu.memref_slice %arg4[%add3A_132, %dma_start3A_140] : memref<102400x64xi32, #tpu.memory_space<hbm>> -> memref<128x64xi32, #tpu.memory_space<hbm>>
    %dma_start3A_142 = arith.constant 0 : i32
    %dma_start3A_143 = arith.constant 0 : i32
    %dma_start3A_144 = tpu.memref_slice %arg7[%dma_start3A_133, %dma_start3A_142, %dma_start3A_143] : memref<2x128x64xi32, #tpu.memory_space<vmem>> -> memref<1x128x64xi32, #tpu.memory_space<vmem>>
    %dma_start3A_145 = tpu.memref_squeeze %dma_start3A_144 : memref<1x128x64xi32, #tpu.memory_space<vmem>> -> memref<128x64xi32, #tpu.memory_space<vmem>>
    tpu.enqueue_dma source(%dma_start3A_145 : memref<128x64xi32, #tpu.memory_space<vmem>>) target(%dma_start3A_141 : memref<128x64xi32, #tpu.memory_space<hbm>>) target_semaphore(%arg9 : memref<!tpu.dma_semaphore, #tpu.memory_space<semaphore_mem>>)
    %dma_wait3A_146 = arith.constant 0 : i32
    %dma_wait3A_147 = arith.constant 0 : i32
    %dma_wait3A_148 = arith.constant 0 : i32
    %dma_wait3A_149 = tpu.memref_slice %arg7[%dma_wait3A_146, %dma_wait3A_147, %dma_wait3A_148] : memref<2x128x64xi32, #tpu.memory_space<vmem>> -> memref<1x128x64xi32, #tpu.memory_space<vmem>>
    %dma_wait3A_150 = tpu.memref_squeeze %dma_wait3A_149 : memref<1x128x64xi32, #tpu.memory_space<vmem>> -> memref<128x64xi32, #tpu.memory_space<vmem>>
    %dma_wait3A_151 = arith.constant 0 : i32
    %dma_wait3A_152 = tpu.memref_slice %arg4[%add3A_132, %dma_wait3A_151] : memref<102400x64xi32, #tpu.memory_space<hbm>> -> memref<128x64xi32, #tpu.memory_space<hbm>>
    %dma_wait3A_153 = arith.constant 0 : i32
    %dma_wait3A_154 = tpu.memref_slice %arg4[%add3A_132, %dma_wait3A_153] : memref<102400x64xi32, #tpu.memory_space<hbm>> -> memref<128x64xi32, #tpu.memory_space<hbm>>
    %dma_wait3A_155 = arith.constant 0 : i32
    %dma_wait3A_156 = arith.constant 0 : i32
    %dma_wait3A_157 = tpu.memref_slice %arg7[%dma_wait3A_146, %dma_wait3A_155, %dma_wait3A_156] : memref<2x128x64xi32, #tpu.memory_space<vmem>> -> memref<1x128x64xi32, #tpu.memory_space<vmem>>
    %dma_wait3A_158 = tpu.memref_squeeze %dma_wait3A_157 : memref<1x128x64xi32, #tpu.memory_space<vmem>> -> memref<128x64xi32, #tpu.memory_space<vmem>>
    tpu.wait_dma2 semaphore(%arg9 : memref<!tpu.dma_semaphore, #tpu.memory_space<semaphore_mem>>) src(%dma_wait3A_158 : memref<128x64xi32, #tpu.memory_space<vmem>>) dst(%dma_wait3A_154 : memref<128x64xi32, #tpu.memory_space<hbm>>)
    %dma_start3A_159 = arith.constant 0 : i32
    %dma_start3A_160 = arith.constant 0 : i32
    %dma_start3A_161 = arith.constant 0 : i32
    %dma_start3A_162 = tpu.memref_slice %arg7[%dma_start3A_159, %dma_start3A_160, %dma_start3A_161] : memref<2x128x64xi32, #tpu.memory_space<vmem>> -> memref<1x128x64xi32, #tpu.memory_space<vmem>>
    %dma_start3A_163 = tpu.memref_squeeze %dma_start3A_162 : memref<1x128x64xi32, #tpu.memory_space<vmem>> -> memref<128x64xi32, #tpu.memory_space<vmem>>
    %dma_start3A_164 = arith.constant 512 : i32
    %dma_start3A_165 = tpu.memref_slice %arg6[%dma_start3A_164] : memref<3200xi32, #tpu.memory_space<vmem>> -> memref<128xi32, #tpu.memory_space<vmem>>
    %dma_start3A_166 = arith.constant 0 : i32
    %dma_start3A_167 = arith.constant 0 : i32
    %dma_start3A_168 = tpu.memref_slice %arg5[%dma_start3A_166, %dma_start3A_167] : memref<25088x64xi32, #tpu.memory_space<vmem_shared>> -> memref<25088x64xi32, #tpu.memory_space<vmem_shared>>
    tpu.enqueue_indirect_dma source(%dma_start3A_168 : memref<25088x64xi32, #tpu.memory_space<vmem_shared>>) target(%dma_start3A_163 : memref<128x64xi32, #tpu.memory_space<vmem>>) offsets(%dma_start3A_165 : memref<128xi32, #tpu.memory_space<vmem>>) semaphore(%arg8 : memref<!tpu.dma_semaphore, #tpu.memory_space<semaphore_mem>>)
    %dma_wait3A_169 = arith.constant 1 : i32
    %dma_wait3A_170 = arith.constant 0 : i32
    %dma_wait3A_171 = arith.constant 0 : i32
    %dma_wait3A_172 = tpu.memref_slice %arg7[%dma_wait3A_169, %dma_wait3A_170, %dma_wait3A_171] : memref<2x128x64xi32, #tpu.memory_space<vmem>> -> memref<1x128x64xi32, #tpu.memory_space<vmem>>
    %dma_wait3A_173 = tpu.memref_squeeze %dma_wait3A_172 : memref<1x128x64xi32, #tpu.memory_space<vmem>> -> memref<128x64xi32, #tpu.memory_space<vmem>>
    %dma_wait3A_174 = arith.constant 384 : i32
    %dma_wait3A_175 = tpu.memref_slice %arg6[%dma_wait3A_174] : memref<3200xi32, #tpu.memory_space<vmem>> -> memref<128xi32, #tpu.memory_space<vmem>>
    %dma_wait3A_176 = arith.constant 0 : i32
    %dma_wait3A_177 = arith.constant 0 : i32
    %dma_wait3A_178 = tpu.memref_slice %arg5[%dma_wait3A_176, %dma_wait3A_177] : memref<25088x64xi32, #tpu.memory_space<vmem_shared>> -> memref<25088x64xi32, #tpu.memory_space<vmem_shared>>
    tpu.wait_indirect_dma semaphore(%arg8 : memref<!tpu.dma_semaphore, #tpu.memory_space<semaphore_mem>>) src(%dma_wait3A_178 : memref<25088x64xi32, #tpu.memory_space<vmem_shared>>) dst(%dma_wait3A_173 : memref<128x64xi32, #tpu.memory_space<vmem>>)
    %add3A_179 = arith.constant 384 : i32
    %add3A_180 = arith.addi %mul3A_2, %add3A_179 : i32
    %dma_start3A_181 = arith.constant 1 : i32
    %dma_start3A_182 = arith.constant 0 : i32
    %dma_start3A_183 = arith.constant 0 : i32
    %dma_start3A_184 = tpu.memref_slice %arg7[%dma_start3A_181, %dma_start3A_182, %dma_start3A_183] : memref<2x128x64xi32, #tpu.memory_space<vmem>> -> memref<1x128x64xi32, #tpu.memory_space<vmem>>
    %dma_start3A_185 = tpu.memref_squeeze %dma_start3A_184 : memref<1x128x64xi32, #tpu.memory_space<vmem>> -> memref<128x64xi32, #tpu.memory_space<vmem>>
    %dma_start3A_186 = arith.constant 0 : i32
    %dma_start3A_187 = tpu.memref_slice %arg4[%add3A_180, %dma_start3A_186] : memref<102400x64xi32, #tpu.memory_space<hbm>> -> memref<128x64xi32, #tpu.memory_space<hbm>>
    %dma_start3A_188 = arith.constant 0 : i32
    %dma_start3A_189 = tpu.memref_slice %arg4[%add3A_180, %dma_start3A_188] : memref<102400x64xi32, #tpu.memory_space<hbm>> -> memref<128x64xi32, #tpu.memory_space<hbm>>
    %dma_start3A_190 = arith.constant 0 : i32
    %dma_start3A_191 = arith.constant 0 : i32
    %dma_start3A_192 = tpu.memref_slice %arg7[%dma_start3A_181, %dma_start3A_190, %dma_start3A_191] : memref<2x128x64xi32, #tpu.memory_space<vmem>> -> memref<1x128x64xi32, #tpu.memory_space<vmem>>
    %dma_start3A_193 = tpu.memref_squeeze %dma_start3A_192 : memref<1x128x64xi32, #tpu.memory_space<vmem>> -> memref<128x64xi32, #tpu.memory_space<vmem>>
    tpu.enqueue_dma source(%dma_start3A_193 : memref<128x64xi32, #tpu.memory_space<vmem>>) target(%dma_start3A_189 : memref<128x64xi32, #tpu.memory_space<hbm>>) target_semaphore(%arg9 : memref<!tpu.dma_semaphore, #tpu.memory_space<semaphore_mem>>)
    %dma_wait3A_194 = arith.constant 1 : i32
    %dma_wait3A_195 = arith.constant 0 : i32
    %dma_wait3A_196 = arith.constant 0 : i32
    %dma_wait3A_197 = tpu.memref_slice %arg7[%dma_wait3A_194, %dma_wait3A_195, %dma_wait3A_196] : memref<2x128x64xi32, #tpu.memory_space<vmem>> -> memref<1x128x64xi32, #tpu.memory_space<vmem>>
    %dma_wait3A_198 = tpu.memref_squeeze %dma_wait3A_197 : memref<1x128x64xi32, #tpu.memory_space<vmem>> -> memref<128x64xi32, #tpu.memory_space<vmem>>
    %dma_wait3A_199 = arith.constant 0 : i32
    %dma_wait3A_200 = tpu.memref_slice %arg4[%add3A_180, %dma_wait3A_199] : memref<102400x64xi32, #tpu.memory_space<hbm>> -> memref<128x64xi32, #tpu.memory_space<hbm>>
    %dma_wait3A_201 = arith.constant 0 : i32
    %dma_wait3A_202 = tpu.memref_slice %arg4[%add3A_180, %dma_wait3A_201] : memref<102400x64xi32, #tpu.memory_space<hbm>> -> memref<128x64xi32, #tpu.memory_space<hbm>>
    %dma_wait3A_203 = arith.constant 0 : i32
    %dma_wait3A_204 = arith.constant 0 : i32
    %dma_wait3A_205 = tpu.memref_slice %arg7[%dma_wait3A_194, %dma_wait3A_203, %dma_wait3A_204] : memref<2x128x64xi32, #tpu.memory_space<vmem>> -> memref<1x128x64xi32, #tpu.memory_space<vmem>>
    %dma_wait3A_206 = tpu.memref_squeeze %dma_wait3A_205 : memref<1x128x64xi32, #tpu.memory_space<vmem>> -> memref<128x64xi32, #tpu.memory_space<vmem>>
    tpu.wait_dma2 semaphore(%arg9 : memref<!tpu.dma_semaphore, #tpu.memory_space<semaphore_mem>>) src(%dma_wait3A_206 : memref<128x64xi32, #tpu.memory_space<vmem>>) dst(%dma_wait3A_202 : memref<128x64xi32, #tpu.memory_space<hbm>>)
    %dma_start3A_207 = arith.constant 1 : i32
    %dma_start3A_208 = arith.constant 0 : i32
    %dma_start3A_209 = arith.constant 0 : i32
    %dma_start3A_210 = tpu.memref_slice %arg7[%dma_start3A_207, %dma_start3A_208, %dma_start3A_209] : memref<2x128x64xi32, #tpu.memory_space<vmem>> -> memref<1x128x64xi32, #tpu.memory_space<vmem>>
    %dma_start3A_211 = tpu.memref_squeeze %dma_start3A_210 : memref<1x128x64xi32, #tpu.memory_space<vmem>> -> memref<128x64xi32, #tpu.memory_space<vmem>>
    %dma_start3A_212 = arith.constant 640 : i32
    %dma_start3A_213 = tpu.memref_slice %arg6[%dma_start3A_212] : memref<3200xi32, #tpu.memory_space<vmem>> -> memref<128xi32, #tpu.memory_space<vmem>>
    %dma_start3A_214 = arith.constant 0 : i32
    %dma_start3A_215 = arith.constant 0 : i32
    %dma_start3A_216 = tpu.memref_slice %arg5[%dma_start3A_214, %dma_start3A_215] : memref<25088x64xi32, #tpu.memory_space<vmem_shared>> -> memref<25088x64xi32, #tpu.memory_space<vmem_shared>>
    tpu.enqueue_indirect_dma source(%dma_start3A_216 : memref<25088x64xi32, #tpu.memory_space<vmem_shared>>) target(%dma_start3A_211 : memref<128x64xi32, #tpu.memory_space<vmem>>) offsets(%dma_start3A_213 : memref<128xi32, #tpu.memory_space<vmem>>) semaphore(%arg8 : memref<!tpu.dma_semaphore, #tpu.memory_space<semaphore_mem>>)
    %dma_wait3A_217 = arith.constant 0 : i32
    %dma_wait3A_218 = arith.constant 0 : i32
    %dma_wait3A_219 = arith.constant 0 : i32
    %dma_wait3A_220 = tpu.memref_slice %arg7[%dma_wait3A_217, %dma_wait3A_218, %dma_wait3A_219] : memref<2x128x64xi32, #tpu.memory_space<vmem>> -> memref<1x128x64xi32, #tpu.memory_space<vmem>>
    %dma_wait3A_221 = tpu.memref_squeeze %dma_wait3A_220 : memref<1x128x64xi32, #tpu.memory_space<vmem>> -> memref<128x64xi32, #tpu.memory_space<vmem>>
    %dma_wait3A_222 = arith.constant 512 : i32
    %dma_wait3A_223 = tpu.memref_slice %arg6[%dma_wait3A_222] : memref<3200xi32, #tpu.memory_space<vmem>> -> memref<128xi32, #tpu.memory_space<vmem>>
    %dma_wait3A_224 = arith.constant 0 : i32
    %dma_wait3A_225 = arith.constant 0 : i32
    %dma_wait3A_226 = tpu.memref_slice %arg5[%dma_wait3A_224, %dma_wait3A_225] : memref<25088x64xi32, #tpu.memory_space<vmem_shared>> -> memref<25088x64xi32, #tpu.memory_space<vmem_shared>>
    tpu.wait_indirect_dma semaphore(%arg8 : memref<!tpu.dma_semaphore, #tpu.memory_space<semaphore_mem>>) src(%dma_wait3A_226 : memref<25088x64xi32, #tpu.memory_space<vmem_shared>>) dst(%dma_wait3A_221 : memref<128x64xi32, #tpu.memory_space<vmem>>)
    %add3A_227 = arith.constant 512 : i32
    %add3A_228 = arith.addi %mul3A_2, %add3A_227 : i32
    %dma_start3A_229 = arith.constant 0 : i32
    %dma_start3A_230 = arith.constant 0 : i32
    %dma_start3A_231 = arith.constant 0 : i32
    %dma_start3A_232 = tpu.memref_slice %arg7[%dma_start3A_229, %dma_start3A_230, %dma_start3A_231] : memref<2x128x64xi32, #tpu.memory_space<vmem>> -> memref<1x128x64xi32, #tpu.memory_space<vmem>>
    %dma_start3A_233 = tpu.memref_squeeze %dma_start3A_232 : memref<1x128x64xi32, #tpu.memory_space<vmem>> -> memref<128x64xi32, #tpu.memory_space<vmem>>
    %dma_start3A_234 = arith.constant 0 : i32
    %dma_start3A_235 = tpu.memref_slice %arg4[%add3A_228, %dma_start3A_234] : memref<102400x64xi32, #tpu.memory_space<hbm>> -> memref<128x64xi32, #tpu.memory_space<hbm>>
    %dma_start3A_236 = arith.constant 0 : i32
    %dma_start3A_237 = tpu.memref_slice %arg4[%add3A_228, %dma_start3A_236] : memref<102400x64xi32, #tpu.memory_space<hbm>> -> memref<128x64xi32, #tpu.memory_space<hbm>>
    %dma_start3A_238 = arith.constant 0 : i32
    %dma_start3A_239 = arith.constant 0 : i32
    %dma_start3A_240 = tpu.memref_slice %arg7[%dma_start3A_229, %dma_start3A_238, %dma_start3A_239] : memref<2x128x64xi32, #tpu.memory_space<vmem>> -> memref<1x128x64xi32, #tpu.memory_space<vmem>>
    %dma_start3A_241 = tpu.memref_squeeze %dma_start3A_240 : memref<1x128x64xi32, #tpu.memory_space<vmem>> -> memref<128x64xi32, #tpu.memory_space<vmem>>
    tpu.enqueue_dma source(%dma_start3A_241 : memref<128x64xi32, #tpu.memory_space<vmem>>) target(%dma_start3A_237 : memref<128x64xi32, #tpu.memory_space<hbm>>) target_semaphore(%arg9 : memref<!tpu.dma_semaphore, #tpu.memory_space<semaphore_mem>>)
    %dma_wait3A_242 = arith.constant 0 : i32
    %dma_wait3A_243 = arith.constant 0 : i32
    %dma_wait3A_244 = arith.constant 0 : i32
    %dma_wait3A_245 = tpu.memref_slice %arg7[%dma_wait3A_242, %dma_wait3A_243, %dma_wait3A_244] : memref<2x128x64xi32, #tpu.memory_space<vmem>> -> memref<1x128x64xi32, #tpu.memory_space<vmem>>
    %dma_wait3A_246 = tpu.memref_squeeze %dma_wait3A_245 : memref<1x128x64xi32, #tpu.memory_space<vmem>> -> memref<128x64xi32, #tpu.memory_space<vmem>>
    %dma_wait3A_247 = arith.constant 0 : i32
    %dma_wait3A_248 = tpu.memref_slice %arg4[%add3A_228, %dma_wait3A_247] : memref<102400x64xi32, #tpu.memory_space<hbm>> -> memref<128x64xi32, #tpu.memory_space<hbm>>
    %dma_wait3A_249 = arith.constant 0 : i32
    %dma_wait3A_250 = tpu.memref_slice %arg4[%add3A_228, %dma_wait3A_249] : memref<102400x64xi32, #tpu.memory_space<hbm>> -> memref<128x64xi32, #tpu.memory_space<hbm>>
    %dma_wait3A_251 = arith.constant 0 : i32
    %dma_wait3A_252 = arith.constant 0 : i32
    %dma_wait3A_253 = tpu.memref_slice %arg7[%dma_wait3A_242, %dma_wait3A_251, %dma_wait3A_252] : memref<2x128x64xi32, #tpu.memory_space<vmem>> -> memref<1x128x64xi32, #tpu.memory_space<vmem>>
    %dma_wait3A_254 = tpu.memref_squeeze %dma_wait3A_253 : memref<1x128x64xi32, #tpu.memory_space<vmem>> -> memref<128x64xi32, #tpu.memory_space<vmem>>
    tpu.wait_dma2 semaphore(%arg9 : memref<!tpu.dma_semaphore, #tpu.memory_space<semaphore_mem>>) src(%dma_wait3A_254 : memref<128x64xi32, #tpu.memory_space<vmem>>) dst(%dma_wait3A_250 : memref<128x64xi32, #tpu.memory_space<hbm>>)
    %dma_start3A_255 = arith.constant 0 : i32
    %dma_start3A_256 = arith.constant 0 : i32
    %dma_start3A_257 = arith.constant 0 : i32
    %dma_start3A_258 = tpu.memref_slice %arg7[%dma_start3A_255, %dma_start3A_256, %dma_start3A_257] : memref<2x128x64xi32, #tpu.memory_space<vmem>> -> memref<1x128x64xi32, #tpu.memory_space<vmem>>
    %dma_start3A_259 = tpu.memref_squeeze %dma_start3A_258 : memref<1x128x64xi32, #tpu.memory_space<vmem>> -> memref<128x64xi32, #tpu.memory_space<vmem>>
    %dma_start3A_260 = arith.constant 768 : i32
    %dma_start3A_261 = tpu.memref_slice %arg6[%dma_start3A_260] : memref<3200xi32, #tpu.memory_space<vmem>> -> memref<128xi32, #tpu.memory_space<vmem>>
    %dma_start3A_262 = arith.constant 0 : i32
    %dma_start3A_263 = arith.constant 0 : i32
    %dma_start3A_264 = tpu.memref_slice %arg5[%dma_start3A_262, %dma_start3A_263] : memref<25088x64xi32, #tpu.memory_space<vmem_shared>> -> memref<25088x64xi32, #tpu.memory_space<vmem_shared>>
    tpu.enqueue_indirect_dma source(%dma_start3A_264 : memref<25088x64xi32, #tpu.memory_space<vmem_shared>>) target(%dma_start3A_259 : memref<128x64xi32, #tpu.memory_space<vmem>>) offsets(%dma_start3A_261 : memref<128xi32, #tpu.memory_space<vmem>>) semaphore(%arg8 : memref<!tpu.dma_semaphore, #tpu.memory_space<semaphore_mem>>)
    %dma_wait3A_265 = arith.constant 1 : i32
    %dma_wait3A_266 = arith.constant 0 : i32
    %dma_wait3A_267 = arith.constant 0 : i32
    %dma_wait3A_268 = tpu.memref_slice %arg7[%dma_wait3A_265, %dma_wait3A_266, %dma_wait3A_267] : memref<2x128x64xi32, #tpu.memory_space<vmem>> -> memref<1x128x64xi32, #tpu.memory_space<vmem>>
    %dma_wait3A_269 = tpu.memref_squeeze %dma_wait3A_268 : memref<1x128x64xi32, #tpu.memory_space<vmem>> -> memref<128x64xi32, #tpu.memory_space<vmem>>
    %dma_wait3A_270 = arith.constant 640 : i32
    %dma_wait3A_271 = tpu.memref_slice %arg6[%dma_wait3A_270] : memref<3200xi32, #tpu.memory_space<vmem>> -> memref<128xi32, #tpu.memory_space<vmem>>
    %dma_wait3A_272 = arith.constant 0 : i32
    %dma_wait3A_273 = arith.constant 0 : i32
    %dma_wait3A_274 = tpu.memref_slice %arg5[%dma_wait3A_272, %dma_wait3A_273] : memref<25088x64xi32, #tpu.memory_space<vmem_shared>> -> memref<25088x64xi32, #tpu.memory_space<vmem_shared>>
    tpu.wait_indirect_dma semaphore(%arg8 : memref<!tpu.dma_semaphore, #tpu.memory_space<semaphore_mem>>) src(%dma_wait3A_274 : memref<25088x64xi32, #tpu.memory_space<vmem_shared>>) dst(%dma_wait3A_269 : memref<128x64xi32, #tpu.memory_space<vmem>>)
    %add3A_275 = arith.constant 640 : i32
    %add3A_276 = arith.addi %mul3A_2, %add3A_275 : i32
    %dma_start3A_277 = arith.constant 1 : i32
    %dma_start3A_278 = arith.constant 0 : i32
    %dma_start3A_279 = arith.constant 0 : i32
    %dma_start3A_280 = tpu.memref_slice %arg7[%dma_start3A_277, %dma_start3A_278, %dma_start3A_279] : memref<2x128x64xi32, #tpu.memory_space<vmem>> -> memref<1x128x64xi32, #tpu.memory_space<vmem>>
    %dma_start3A_281 = tpu.memref_squeeze %dma_start3A_280 : memref<1x128x64xi32, #tpu.memory_space<vmem>> -> memref<128x64xi32, #tpu.memory_space<vmem>>
    %dma_start3A_282 = arith.constant 0 : i32
    %dma_start3A_283 = tpu.memref_slice %arg4[%add3A_276, %dma_start3A_282] : memref<102400x64xi32, #tpu.memory_space<hbm>> -> memref<128x64xi32, #tpu.memory_space<hbm>>
    %dma_start3A_284 = arith.constant 0 : i32
    %dma_start3A_285 = tpu.memref_slice %arg4[%add3A_276, %dma_start3A_284] : memref<102400x64xi32, #tpu.memory_space<hbm>> -> memref<128x64xi32, #tpu.memory_space<hbm>>
    %dma_start3A_286 = arith.constant 0 : i32
    %dma_start3A_287 = arith.constant 0 : i32
    %dma_start3A_288 = tpu.memref_slice %arg7[%dma_start3A_277, %dma_start3A_286, %dma_start3A_287] : memref<2x128x64xi32, #tpu.memory_space<vmem>> -> memref<1x128x64xi32, #tpu.memory_space<vmem>>
    %dma_start3A_289 = tpu.memref_squeeze %dma_start3A_288 : memref<1x128x64xi32, #tpu.memory_space<vmem>> -> memref<128x64xi32, #tpu.memory_space<vmem>>
    tpu.enqueue_dma source(%dma_start3A_289 : memref<128x64xi32, #tpu.memory_space<vmem>>) target(%dma_start3A_285 : memref<128x64xi32, #tpu.memory_space<hbm>>) target_semaphore(%arg9 : memref<!tpu.dma_semaphore, #tpu.memory_space<semaphore_mem>>)
    %dma_wait3A_290 = arith.constant 1 : i32
    %dma_wait3A_291 = arith.constant 0 : i32
    %dma_wait3A_292 = arith.constant 0 : i32
    %dma_wait3A_293 = tpu.memref_slice %arg7[%dma_wait3A_290, %dma_wait3A_291, %dma_wait3A_292] : memref<2x128x64xi32, #tpu.memory_space<vmem>> -> memref<1x128x64xi32, #tpu.memory_space<vmem>>
    %dma_wait3A_294 = tpu.memref_squeeze %dma_wait3A_293 : memref<1x128x64xi32, #tpu.memory_space<vmem>> -> memref<128x64xi32, #tpu.memory_space<vmem>>
    %dma_wait3A_295 = arith.constant 0 : i32
    %dma_wait3A_296 = tpu.memref_slice %arg4[%add3A_276, %dma_wait3A_295] : memref<102400x64xi32, #tpu.memory_space<hbm>> -> memref<128x64xi32, #tpu.memory_space<hbm>>
    %dma_wait3A_297 = arith.constant 0 : i32
    %dma_wait3A_298 = tpu.memref_slice %arg4[%add3A_276, %dma_wait3A_297] : memref<102400x64xi32, #tpu.memory_space<hbm>> -> memref<128x64xi32, #tpu.memory_space<hbm>>
    %dma_wait3A_299 = arith.constant 0 : i32
    %dma_wait3A_300 = arith.constant 0 : i32
    %dma_wait3A_301 = tpu.memref_slice %arg7[%dma_wait3A_290, %dma_wait3A_299, %dma_wait3A_300] : memref<2x128x64xi32, #tpu.memory_space<vmem>> -> memref<1x128x64xi32, #tpu.memory_space<vmem>>
    %dma_wait3A_302 = tpu.memref_squeeze %dma_wait3A_301 : memref<1x128x64xi32, #tpu.memory_space<vmem>> -> memref<128x64xi32, #tpu.memory_space<vmem>>
    tpu.wait_dma2 semaphore(%arg9 : memref<!tpu.dma_semaphore, #tpu.memory_space<semaphore_mem>>) src(%dma_wait3A_302 : memref<128x64xi32, #tpu.memory_space<vmem>>) dst(%dma_wait3A_298 : memref<128x64xi32, #tpu.memory_space<hbm>>)
    %dma_start3A_303 = arith.constant 1 : i32
    %dma_start3A_304 = arith.constant 0 : i32
    %dma_start3A_305 = arith.constant 0 : i32
    %dma_start3A_306 = tpu.memref_slice %arg7[%dma_start3A_303, %dma_start3A_304, %dma_start3A_305] : memref<2x128x64xi32, #tpu.memory_space<vmem>> -> memref<1x128x64xi32, #tpu.memory_space<vmem>>
    %dma_start3A_307 = tpu.memref_squeeze %dma_start3A_306 : memref<1x128x64xi32, #tpu.memory_space<vmem>> -> memref<128x64xi32, #tpu.memory_space<vmem>>
    %dma_start3A_308 = arith.constant 896 : i32
    %dma_start3A_309 = tpu.memref_slice %arg6[%dma_start3A_308] : memref<3200xi32, #tpu.memory_space<vmem>> -> memref<128xi32, #tpu.memory_space<vmem>>
    %dma_start3A_310 = arith.constant 0 : i32
    %dma_start3A_311 = arith.constant 0 : i32
    %dma_start3A_312 = tpu.memref_slice %arg5[%dma_start3A_310, %dma_start3A_311] : memref<25088x64xi32, #tpu.memory_space<vmem_shared>> -> memref<25088x64xi32, #tpu.memory_space<vmem_shared>>
    tpu.enqueue_indirect_dma source(%dma_start3A_312 : memref<25088x64xi32, #tpu.memory_space<vmem_shared>>) target(%dma_start3A_307 : memref<128x64xi32, #tpu.memory_space<vmem>>) offsets(%dma_start3A_309 : memref<128xi32, #tpu.memory_space<vmem>>) semaphore(%arg8 : memref<!tpu.dma_semaphore, #tpu.memory_space<semaphore_mem>>)
    %dma_wait3A_313 = arith.constant 0 : i32
    %dma_wait3A_314 = arith.constant 0 : i32
    %dma_wait3A_315 = arith.constant 0 : i32
    %dma_wait3A_316 = tpu.memref_slice %arg7[%dma_wait3A_313, %dma_wait3A_314, %dma_wait3A_315] : memref<2x128x64xi32, #tpu.memory_space<vmem>> -> memref<1x128x64xi32, #tpu.memory_space<vmem>>
    %dma_wait3A_317 = tpu.memref_squeeze %dma_wait3A_316 : memref<1x128x64xi32, #tpu.memory_space<vmem>> -> memref<128x64xi32, #tpu.memory_space<vmem>>
    %dma_wait3A_318 = arith.constant 768 : i32
    %dma_wait3A_319 = tpu.memref_slice %arg6[%dma_wait3A_318] : memref<3200xi32, #tpu.memory_space<vmem>> -> memref<128xi32, #tpu.memory_space<vmem>>
    %dma_wait3A_320 = arith.constant 0 : i32
    %dma_wait3A_321 = arith.constant 0 : i32
    %dma_wait3A_322 = tpu.memref_slice %arg5[%dma_wait3A_320, %dma_wait3A_321] : memref<25088x64xi32, #tpu.memory_space<vmem_shared>> -> memref<25088x64xi32, #tpu.memory_space<vmem_shared>>
    tpu.wait_indirect_dma semaphore(%arg8 : memref<!tpu.dma_semaphore, #tpu.memory_space<semaphore_mem>>) src(%dma_wait3A_322 : memref<25088x64xi32, #tpu.memory_space<vmem_shared>>) dst(%dma_wait3A_317 : memref<128x64xi32, #tpu.memory_space<vmem>>)
    %add3A_323 = arith.constant 768 : i32
    %add3A_324 = arith.addi %mul3A_2, %add3A_323 : i32
    %dma_start3A_325 = arith.constant 0 : i32
    %dma_start3A_326 = arith.constant 0 : i32
    %dma_start3A_327 = arith.constant 0 : i32
    %dma_start3A_328 = tpu.memref_slice %arg7[%dma_start3A_325, %dma_start3A_326, %dma_start3A_327] : memref<2x128x64xi32, #tpu.memory_space<vmem>> -> memref<1x128x64xi32, #tpu.memory_space<vmem>>
    %dma_start3A_329 = tpu.memref_squeeze %dma_start3A_328 : memref<1x128x64xi32, #tpu.memory_space<vmem>> -> memref<128x64xi32, #tpu.memory_space<vmem>>
    %dma_start3A_330 = arith.constant 0 : i32
    %dma_start3A_331 = tpu.memref_slice %arg4[%add3A_324, %dma_start3A_330] : memref<102400x64xi32, #tpu.memory_space<hbm>> -> memref<128x64xi32, #tpu.memory_space<hbm>>
    %dma_start3A_332 = arith.constant 0 : i32
    %dma_start3A_333 = tpu.memref_slice %arg4[%add3A_324, %dma_start3A_332] : memref<102400x64xi32, #tpu.memory_space<hbm>> -> memref<128x64xi32, #tpu.memory_space<hbm>>
    %dma_start3A_334 = arith.constant 0 : i32
    %dma_start3A_335 = arith.constant 0 : i32
    %dma_start3A_336 = tpu.memref_slice %arg7[%dma_start3A_325, %dma_start3A_334, %dma_start3A_335] : memref<2x128x64xi32, #tpu.memory_space<vmem>> -> memref<1x128x64xi32, #tpu.memory_space<vmem>>
    %dma_start3A_337 = tpu.memref_squeeze %dma_start3A_336 : memref<1x128x64xi32, #tpu.memory_space<vmem>> -> memref<128x64xi32, #tpu.memory_space<vmem>>
    tpu.enqueue_dma source(%dma_start3A_337 : memref<128x64xi32, #tpu.memory_space<vmem>>) target(%dma_start3A_333 : memref<128x64xi32, #tpu.memory_space<hbm>>) target_semaphore(%arg9 : memref<!tpu.dma_semaphore, #tpu.memory_space<semaphore_mem>>)
    %dma_wait3A_338 = arith.constant 0 : i32
    %dma_wait3A_339 = arith.constant 0 : i32
    %dma_wait3A_340 = arith.constant 0 : i32
    %dma_wait3A_341 = tpu.memref_slice %arg7[%dma_wait3A_338, %dma_wait3A_339, %dma_wait3A_340] : memref<2x128x64xi32, #tpu.memory_space<vmem>> -> memref<1x128x64xi32, #tpu.memory_space<vmem>>
    %dma_wait3A_342 = tpu.memref_squeeze %dma_wait3A_341 : memref<1x128x64xi32, #tpu.memory_space<vmem>> -> memref<128x64xi32, #tpu.memory_space<vmem>>
    %dma_wait3A_343 = arith.constant 0 : i32
    %dma_wait3A_344 = tpu.memref_slice %arg4[%add3A_324, %dma_wait3A_343] : memref<102400x64xi32, #tpu.memory_space<hbm>> -> memref<128x64xi32, #tpu.memory_space<hbm>>
    %dma_wait3A_345 = arith.constant 0 : i32
    %dma_wait3A_346 = tpu.memref_slice %arg4[%add3A_324, %dma_wait3A_345] : memref<102400x64xi32, #tpu.memory_space<hbm>> -> memref<128x64xi32, #tpu.memory_space<hbm>>
    %dma_wait3A_347 = arith.constant 0 : i32
    %dma_wait3A_348 = arith.constant 0 : i32
    %dma_wait3A_349 = tpu.memref_slice %arg7[%dma_wait3A_338, %dma_wait3A_347, %dma_wait3A_348] : memref<2x128x64xi32, #tpu.memory_space<vmem>> -> memref<1x128x64xi32, #tpu.memory_space<vmem>>
    %dma_wait3A_350 = tpu.memref_squeeze %dma_wait3A_349 : memref<1x128x64xi32, #tpu.memory_space<vmem>> -> memref<128x64xi32, #tpu.memory_space<vmem>>
    tpu.wait_dma2 semaphore(%arg9 : memref<!tpu.dma_semaphore, #tpu.memory_space<semaphore_mem>>) src(%dma_wait3A_350 : memref<128x64xi32, #tpu.memory_space<vmem>>) dst(%dma_wait3A_346 : memref<128x64xi32, #tpu.memory_space<hbm>>)
    %dma_start3A_351 = arith.constant 0 : i32
    %dma_start3A_352 = arith.constant 0 : i32
    %dma_start3A_353 = arith.constant 0 : i32
    %dma_start3A_354 = tpu.memref_slice %arg7[%dma_start3A_351, %dma_start3A_352, %dma_start3A_353] : memref<2x128x64xi32, #tpu.memory_space<vmem>> -> memref<1x128x64xi32, #tpu.memory_space<vmem>>
    %dma_start3A_355 = tpu.memref_squeeze %dma_start3A_354 : memref<1x128x64xi32, #tpu.memory_space<vmem>> -> memref<128x64xi32, #tpu.memory_space<vmem>>
    %dma_start3A_356 = arith.constant 1024 : i32
    %dma_start3A_357 = tpu.memref_slice %arg6[%dma_start3A_356] : memref<3200xi32, #tpu.memory_space<vmem>> -> memref<128xi32, #tpu.memory_space<vmem>>
    %dma_start3A_358 = arith.constant 0 : i32
    %dma_start3A_359 = arith.constant 0 : i32
    %dma_start3A_360 = tpu.memref_slice %arg5[%dma_start3A_358, %dma_start3A_359] : memref<25088x64xi32, #tpu.memory_space<vmem_shared>> -> memref<25088x64xi32, #tpu.memory_space<vmem_shared>>
    tpu.enqueue_indirect_dma source(%dma_start3A_360 : memref<25088x64xi32, #tpu.memory_space<vmem_shared>>) target(%dma_start3A_355 : memref<128x64xi32, #tpu.memory_space<vmem>>) offsets(%dma_start3A_357 : memref<128xi32, #tpu.memory_space<vmem>>) semaphore(%arg8 : memref<!tpu.dma_semaphore, #tpu.memory_space<semaphore_mem>>)
    %dma_wait3A_361 = arith.constant 1 : i32
    %dma_wait3A_362 = arith.constant 0 : i32
    %dma_wait3A_363 = arith.constant 0 : i32
    %dma_wait3A_364 = tpu.memref_slice %arg7[%dma_wait3A_361, %dma_wait3A_362, %dma_wait3A_363] : memref<2x128x64xi32, #tpu.memory_space<vmem>> -> memref<1x128x64xi32, #tpu.memory_space<vmem>>
    %dma_wait3A_365 = tpu.memref_squeeze %dma_wait3A_364 : memref<1x128x64xi32, #tpu.memory_space<vmem>> -> memref<128x64xi32, #tpu.memory_space<vmem>>
    %dma_wait3A_366 = arith.constant 896 : i32
    %dma_wait3A_367 = tpu.memref_slice %arg6[%dma_wait3A_366] : memref<3200xi32, #tpu.memory_space<vmem>> -> memref<128xi32, #tpu.memory_space<vmem>>
    %dma_wait3A_368 = arith.constant 0 : i32
    %dma_wait3A_369 = arith.constant 0 : i32
    %dma_wait3A_370 = tpu.memref_slice %arg5[%dma_wait3A_368, %dma_wait3A_369] : memref<25088x64xi32, #tpu.memory_space<vmem_shared>> -> memref<25088x64xi32, #tpu.memory_space<vmem_shared>>
    tpu.wait_indirect_dma semaphore(%arg8 : memref<!tpu.dma_semaphore, #tpu.memory_space<semaphore_mem>>) src(%dma_wait3A_370 : memref<25088x64xi32, #tpu.memory_space<vmem_shared>>) dst(%dma_wait3A_365 : memref<128x64xi32, #tpu.memory_space<vmem>>)
    %add3A_371 = arith.constant 896 : i32
    %add3A_372 = arith.addi %mul3A_2, %add3A_371 : i32
    %dma_start3A_373 = arith.constant 1 : i32
    %dma_start3A_374 = arith.constant 0 : i32
    %dma_start3A_375 = arith.constant 0 : i32
    %dma_start3A_376 = tpu.memref_slice %arg7[%dma_start3A_373, %dma_start3A_374, %dma_start3A_375] : memref<2x128x64xi32, #tpu.memory_space<vmem>> -> memref<1x128x64xi32, #tpu.memory_space<vmem>>
    %dma_start3A_377 = tpu.memref_squeeze %dma_start3A_376 : memref<1x128x64xi32, #tpu.memory_space<vmem>> -> memref<128x64xi32, #tpu.memory_space<vmem>>
    %dma_start3A_378 = arith.constant 0 : i32
    %dma_start3A_379 = tpu.memref_slice %arg4[%add3A_372, %dma_start3A_378] : memref<102400x64xi32, #tpu.memory_space<hbm>> -> memref<128x64xi32, #tpu.memory_space<hbm>>
    %dma_start3A_380 = arith.constant 0 : i32
    %dma_start3A_381 = tpu.memref_slice %arg4[%add3A_372, %dma_start3A_380] : memref<102400x64xi32, #tpu.memory_space<hbm>> -> memref<128x64xi32, #tpu.memory_space<hbm>>
    %dma_start3A_382 = arith.constant 0 : i32
    %dma_start3A_383 = arith.constant 0 : i32
    %dma_start3A_384 = tpu.memref_slice %arg7[%dma_start3A_373, %dma_start3A_382, %dma_start3A_383] : memref<2x128x64xi32, #tpu.memory_space<vmem>> -> memref<1x128x64xi32, #tpu.memory_space<vmem>>
    %dma_start3A_385 = tpu.memref_squeeze %dma_start3A_384 : memref<1x128x64xi32, #tpu.memory_space<vmem>> -> memref<128x64xi32, #tpu.memory_space<vmem>>
    tpu.enqueue_dma source(%dma_start3A_385 : memref<128x64xi32, #tpu.memory_space<vmem>>) target(%dma_start3A_381 : memref<128x64xi32, #tpu.memory_space<hbm>>) target_semaphore(%arg9 : memref<!tpu.dma_semaphore, #tpu.memory_space<semaphore_mem>>)
    %dma_wait3A_386 = arith.constant 1 : i32
    %dma_wait3A_387 = arith.constant 0 : i32
    %dma_wait3A_388 = arith.constant 0 : i32
    %dma_wait3A_389 = tpu.memref_slice %arg7[%dma_wait3A_386, %dma_wait3A_387, %dma_wait3A_388] : memref<2x128x64xi32, #tpu.memory_space<vmem>> -> memref<1x128x64xi32, #tpu.memory_space<vmem>>
    %dma_wait3A_390 = tpu.memref_squeeze %dma_wait3A_389 : memref<1x128x64xi32, #tpu.memory_space<vmem>> -> memref<128x64xi32, #tpu.memory_space<vmem>>
    %dma_wait3A_391 = arith.constant 0 : i32
    %dma_wait3A_392 = tpu.memref_slice %arg4[%add3A_372, %dma_wait3A_391] : memref<102400x64xi32, #tpu.memory_space<hbm>> -> memref<128x64xi32, #tpu.memory_space<hbm>>
    %dma_wait3A_393 = arith.constant 0 : i32
    %dma_wait3A_394 = tpu.memref_slice %arg4[%add3A_372, %dma_wait3A_393] : memref<102400x64xi32, #tpu.memory_space<hbm>> -> memref<128x64xi32, #tpu.memory_space<hbm>>
    %dma_wait3A_395 = arith.constant 0 : i32
    %dma_wait3A_396 = arith.constant 0 : i32
    %dma_wait3A_397 = tpu.memref_slice %arg7[%dma_wait3A_386, %dma_wait3A_395, %dma_wait3A_396] : memref<2x128x64xi32, #tpu.memory_space<vmem>> -> memref<1x128x64xi32, #tpu.memory_space<vmem>>
    %dma_wait3A_398 = tpu.memref_squeeze %dma_wait3A_397 : memref<1x128x64xi32, #tpu.memory_space<vmem>> -> memref<128x64xi32, #tpu.memory_space<vmem>>
    tpu.wait_dma2 semaphore(%arg9 : memref<!tpu.dma_semaphore, #tpu.memory_space<semaphore_mem>>) src(%dma_wait3A_398 : memref<128x64xi32, #tpu.memory_space<vmem>>) dst(%dma_wait3A_394 : memref<128x64xi32, #tpu.memory_space<hbm>>)
    %dma_start3A_399 = arith.constant 1 : i32
    %dma_start3A_400 = arith.constant 0 : i32
    %dma_start3A_401 = arith.constant 0 : i32
    %dma_start3A_402 = tpu.memref_slice %arg7[%dma_start3A_399, %dma_start3A_400, %dma_start3A_401] : memref<2x128x64xi32, #tpu.memory_space<vmem>> -> memref<1x128x64xi32, #tpu.memory_space<vmem>>
    %dma_start3A_403 = tpu.memref_squeeze %dma_start3A_402 : memref<1x128x64xi32, #tpu.memory_space<vmem>> -> memref<128x64xi32, #tpu.memory_space<vmem>>
    %dma_start3A_404 = arith.constant 1152 : i32
    %dma_start3A_405 = tpu.memref_slice %arg6[%dma_start3A_404] : memref<3200xi32, #tpu.memory_space<vmem>> -> memref<128xi32, #tpu.memory_space<vmem>>
    %dma_start3A_406 = arith.constant 0 : i32
    %dma_start3A_407 = arith.constant 0 : i32
    %dma_start3A_408 = tpu.memref_slice %arg5[%dma_start3A_406, %dma_start3A_407] : memref<25088x64xi32, #tpu.memory_space<vmem_shared>> -> memref<25088x64xi32, #tpu.memory_space<vmem_shared>>
    tpu.enqueue_indirect_dma source(%dma_start3A_408 : memref<25088x64xi32, #tpu.memory_space<vmem_shared>>) target(%dma_start3A_403 : memref<128x64xi32, #tpu.memory_space<vmem>>) offsets(%dma_start3A_405 : memref<128xi32, #tpu.memory_space<vmem>>) semaphore(%arg8 : memref<!tpu.dma_semaphore, #tpu.memory_space<semaphore_mem>>)
    %dma_wait3A_409 = arith.constant 0 : i32
    %dma_wait3A_410 = arith.constant 0 : i32
    %dma_wait3A_411 = arith.constant 0 : i32
    %dma_wait3A_412 = tpu.memref_slice %arg7[%dma_wait3A_409, %dma_wait3A_410, %dma_wait3A_411] : memref<2x128x64xi32, #tpu.memory_space<vmem>> -> memref<1x128x64xi32, #tpu.memory_space<vmem>>
    %dma_wait3A_413 = tpu.memref_squeeze %dma_wait3A_412 : memref<1x128x64xi32, #tpu.memory_space<vmem>> -> memref<128x64xi32, #tpu.memory_space<vmem>>
    %dma_wait3A_414 = arith.constant 1024 : i32
    %dma_wait3A_415 = tpu.memref_slice %arg6[%dma_wait3A_414] : memref<3200xi32, #tpu.memory_space<vmem>> -> memref<128xi32, #tpu.memory_space<vmem>>
    %dma_wait3A_416 = arith.constant 0 : i32
    %dma_wait3A_417 = arith.constant 0 : i32
    %dma_wait3A_418 = tpu.memref_slice %arg5[%dma_wait3A_416, %dma_wait3A_417] : memref<25088x64xi32, #tpu.memory_space<vmem_shared>> -> memref<25088x64xi32, #tpu.memory_space<vmem_shared>>
    tpu.wait_indirect_dma semaphore(%arg8 : memref<!tpu.dma_semaphore, #tpu.memory_space<semaphore_mem>>) src(%dma_wait3A_418 : memref<25088x64xi32, #tpu.memory_space<vmem_shared>>) dst(%dma_wait3A_413 : memref<128x64xi32, #tpu.memory_space<vmem>>)
    %add3A_419 = arith.constant 1024 : i32
    %add3A_420 = arith.addi %mul3A_2, %add3A_419 : i32
    %dma_start3A_421 = arith.constant 0 : i32
    %dma_start3A_422 = arith.constant 0 : i32
    %dma_start3A_423 = arith.constant 0 : i32
    %dma_start3A_424 = tpu.memref_slice %arg7[%dma_start3A_421, %dma_start3A_422, %dma_start3A_423] : memref<2x128x64xi32, #tpu.memory_space<vmem>> -> memref<1x128x64xi32, #tpu.memory_space<vmem>>
    %dma_start3A_425 = tpu.memref_squeeze %dma_start3A_424 : memref<1x128x64xi32, #tpu.memory_space<vmem>> -> memref<128x64xi32, #tpu.memory_space<vmem>>
    %dma_start3A_426 = arith.constant 0 : i32
    %dma_start3A_427 = tpu.memref_slice %arg4[%add3A_420, %dma_start3A_426] : memref<102400x64xi32, #tpu.memory_space<hbm>> -> memref<128x64xi32, #tpu.memory_space<hbm>>
    %dma_start3A_428 = arith.constant 0 : i32
    %dma_start3A_429 = tpu.memref_slice %arg4[%add3A_420, %dma_start3A_428] : memref<102400x64xi32, #tpu.memory_space<hbm>> -> memref<128x64xi32, #tpu.memory_space<hbm>>
    %dma_start3A_430 = arith.constant 0 : i32
    %dma_start3A_431 = arith.constant 0 : i32
    %dma_start3A_432 = tpu.memref_slice %arg7[%dma_start3A_421, %dma_start3A_430, %dma_start3A_431] : memref<2x128x64xi32, #tpu.memory_space<vmem>> -> memref<1x128x64xi32, #tpu.memory_space<vmem>>
    %dma_start3A_433 = tpu.memref_squeeze %dma_start3A_432 : memref<1x128x64xi32, #tpu.memory_space<vmem>> -> memref<128x64xi32, #tpu.memory_space<vmem>>
    tpu.enqueue_dma source(%dma_start3A_433 : memref<128x64xi32, #tpu.memory_space<vmem>>) target(%dma_start3A_429 : memref<128x64xi32, #tpu.memory_space<hbm>>) target_semaphore(%arg9 : memref<!tpu.dma_semaphore, #tpu.memory_space<semaphore_mem>>)
    %dma_wait3A_434 = arith.constant 0 : i32
    %dma_wait3A_435 = arith.constant 0 : i32
    %dma_wait3A_436 = arith.constant 0 : i32
    %dma_wait3A_437 = tpu.memref_slice %arg7[%dma_wait3A_434, %dma_wait3A_435, %dma_wait3A_436] : memref<2x128x64xi32, #tpu.memory_space<vmem>> -> memref<1x128x64xi32, #tpu.memory_space<vmem>>
    %dma_wait3A_438 = tpu.memref_squeeze %dma_wait3A_437 : memref<1x128x64xi32, #tpu.memory_space<vmem>> -> memref<128x64xi32, #tpu.memory_space<vmem>>
    %dma_wait3A_439 = arith.constant 0 : i32
    %dma_wait3A_440 = tpu.memref_slice %arg4[%add3A_420, %dma_wait3A_439] : memref<102400x64xi32, #tpu.memory_space<hbm>> -> memref<128x64xi32, #tpu.memory_space<hbm>>
    %dma_wait3A_441 = arith.constant 0 : i32
    %dma_wait3A_442 = tpu.memref_slice %arg4[%add3A_420, %dma_wait3A_441] : memref<102400x64xi32, #tpu.memory_space<hbm>> -> memref<128x64xi32, #tpu.memory_space<hbm>>
    %dma_wait3A_443 = arith.constant 0 : i32
    %dma_wait3A_444 = arith.constant 0 : i32
    %dma_wait3A_445 = tpu.memref_slice %arg7[%dma_wait3A_434, %dma_wait3A_443, %dma_wait3A_444] : memref<2x128x64xi32, #tpu.memory_space<vmem>> -> memref<1x128x64xi32, #tpu.memory_space<vmem>>
    %dma_wait3A_446 = tpu.memref_squeeze %dma_wait3A_445 : memref<1x128x64xi32, #tpu.memory_space<vmem>> -> memref<128x64xi32, #tpu.memory_space<vmem>>
    tpu.wait_dma2 semaphore(%arg9 : memref<!tpu.dma_semaphore, #tpu.memory_space<semaphore_mem>>) src(%dma_wait3A_446 : memref<128x64xi32, #tpu.memory_space<vmem>>) dst(%dma_wait3A_442 : memref<128x64xi32, #tpu.memory_space<hbm>>)
    %dma_start3A_447 = arith.constant 0 : i32
    %dma_start3A_448 = arith.constant 0 : i32
    %dma_start3A_449 = arith.constant 0 : i32
    %dma_start3A_450 = tpu.memref_slice %arg7[%dma_start3A_447, %dma_start3A_448, %dma_start3A_449] : memref<2x128x64xi32, #tpu.memory_space<vmem>> -> memref<1x128x64xi32, #tpu.memory_space<vmem>>
    %dma_start3A_451 = tpu.memref_squeeze %dma_start3A_450 : memref<1x128x64xi32, #tpu.memory_space<vmem>> -> memref<128x64xi32, #tpu.memory_space<vmem>>
    %dma_start3A_452 = arith.constant 1280 : i32
    %dma_start3A_453 = tpu.memref_slice %arg6[%dma_start3A_452] : memref<3200xi32, #tpu.memory_space<vmem>> -> memref<128xi32, #tpu.memory_space<vmem>>
    %dma_start3A_454 = arith.constant 0 : i32
    %dma_start3A_455 = arith.constant 0 : i32
    %dma_start3A_456 = tpu.memref_slice %arg5[%dma_start3A_454, %dma_start3A_455] : memref<25088x64xi32, #tpu.memory_space<vmem_shared>> -> memref<25088x64xi32, #tpu.memory_space<vmem_shared>>
    tpu.enqueue_indirect_dma source(%dma_start3A_456 : memref<25088x64xi32, #tpu.memory_space<vmem_shared>>) target(%dma_start3A_451 : memref<128x64xi32, #tpu.memory_space<vmem>>) offsets(%dma_start3A_453 : memref<128xi32, #tpu.memory_space<vmem>>) semaphore(%arg8 : memref<!tpu.dma_semaphore, #tpu.memory_space<semaphore_mem>>)
    %dma_wait3A_457 = arith.constant 1 : i32
    %dma_wait3A_458 = arith.constant 0 : i32
    %dma_wait3A_459 = arith.constant 0 : i32
    %dma_wait3A_460 = tpu.memref_slice %arg7[%dma_wait3A_457, %dma_wait3A_458, %dma_wait3A_459] : memref<2x128x64xi32, #tpu.memory_space<vmem>> -> memref<1x128x64xi32, #tpu.memory_space<vmem>>
    %dma_wait3A_461 = tpu.memref_squeeze %dma_wait3A_460 : memref<1x128x64xi32, #tpu.memory_space<vmem>> -> memref<128x64xi32, #tpu.memory_space<vmem>>
    %dma_wait3A_462 = arith.constant 1152 : i32
    %dma_wait3A_463 = tpu.memref_slice %arg6[%dma_wait3A_462] : memref<3200xi32, #tpu.memory_space<vmem>> -> memref<128xi32, #tpu.memory_space<vmem>>
    %dma_wait3A_464 = arith.constant 0 : i32
    %dma_wait3A_465 = arith.constant 0 : i32
    %dma_wait3A_466 = tpu.memref_slice %arg5[%dma_wait3A_464, %dma_wait3A_465] : memref<25088x64xi32, #tpu.memory_space<vmem_shared>> -> memref<25088x64xi32, #tpu.memory_space<vmem_shared>>
    tpu.wait_indirect_dma semaphore(%arg8 : memref<!tpu.dma_semaphore, #tpu.memory_space<semaphore_mem>>) src(%dma_wait3A_466 : memref<25088x64xi32, #tpu.memory_space<vmem_shared>>) dst(%dma_wait3A_461 : memref<128x64xi32, #tpu.memory_space<vmem>>)
    %add3A_467 = arith.constant 1152 : i32
    %add3A_468 = arith.addi %mul3A_2, %add3A_467 : i32
    %dma_start3A_469 = arith.constant 1 : i32
    %dma_start3A_470 = arith.constant 0 : i32
    %dma_start3A_471 = arith.constant 0 : i32
    %dma_start3A_472 = tpu.memref_slice %arg7[%dma_start3A_469, %dma_start3A_470, %dma_start3A_471] : memref<2x128x64xi32, #tpu.memory_space<vmem>> -> memref<1x128x64xi32, #tpu.memory_space<vmem>>
    %dma_start3A_473 = tpu.memref_squeeze %dma_start3A_472 : memref<1x128x64xi32, #tpu.memory_space<vmem>> -> memref<128x64xi32, #tpu.memory_space<vmem>>
    %dma_start3A_474 = arith.constant 0 : i32
    %dma_start3A_475 = tpu.memref_slice %arg4[%add3A_468, %dma_start3A_474] : memref<102400x64xi32, #tpu.memory_space<hbm>> -> memref<128x64xi32, #tpu.memory_space<hbm>>
    %dma_start3A_476 = arith.constant 0 : i32
    %dma_start3A_477 = tpu.memref_slice %arg4[%add3A_468, %dma_start3A_476] : memref<102400x64xi32, #tpu.memory_space<hbm>> -> memref<128x64xi32, #tpu.memory_space<hbm>>
    %dma_start3A_478 = arith.constant 0 : i32
    %dma_start3A_479 = arith.constant 0 : i32
    %dma_start3A_480 = tpu.memref_slice %arg7[%dma_start3A_469, %dma_start3A_478, %dma_start3A_479] : memref<2x128x64xi32, #tpu.memory_space<vmem>> -> memref<1x128x64xi32, #tpu.memory_space<vmem>>
    %dma_start3A_481 = tpu.memref_squeeze %dma_start3A_480 : memref<1x128x64xi32, #tpu.memory_space<vmem>> -> memref<128x64xi32, #tpu.memory_space<vmem>>
    tpu.enqueue_dma source(%dma_start3A_481 : memref<128x64xi32, #tpu.memory_space<vmem>>) target(%dma_start3A_477 : memref<128x64xi32, #tpu.memory_space<hbm>>) target_semaphore(%arg9 : memref<!tpu.dma_semaphore, #tpu.memory_space<semaphore_mem>>)
    %dma_wait3A_482 = arith.constant 1 : i32
    %dma_wait3A_483 = arith.constant 0 : i32
    %dma_wait3A_484 = arith.constant 0 : i32
    %dma_wait3A_485 = tpu.memref_slice %arg7[%dma_wait3A_482, %dma_wait3A_483, %dma_wait3A_484] : memref<2x128x64xi32, #tpu.memory_space<vmem>> -> memref<1x128x64xi32, #tpu.memory_space<vmem>>
    %dma_wait3A_486 = tpu.memref_squeeze %dma_wait3A_485 : memref<1x128x64xi32, #tpu.memory_space<vmem>> -> memref<128x64xi32, #tpu.memory_space<vmem>>
    %dma_wait3A_487 = arith.constant 0 : i32
    %dma_wait3A_488 = tpu.memref_slice %arg4[%add3A_468, %dma_wait3A_487] : memref<102400x64xi32, #tpu.memory_space<hbm>> -> memref<128x64xi32, #tpu.memory_space<hbm>>
    %dma_wait3A_489 = arith.constant 0 : i32
    %dma_wait3A_490 = tpu.memref_slice %arg4[%add3A_468, %dma_wait3A_489] : memref<102400x64xi32, #tpu.memory_space<hbm>> -> memref<128x64xi32, #tpu.memory_space<hbm>>
    %dma_wait3A_491 = arith.constant 0 : i32
    %dma_wait3A_492 = arith.constant 0 : i32
    %dma_wait3A_493 = tpu.memref_slice %arg7[%dma_wait3A_482, %dma_wait3A_491, %dma_wait3A_492] : memref<2x128x64xi32, #tpu.memory_space<vmem>> -> memref<1x128x64xi32, #tpu.memory_space<vmem>>
    %dma_wait3A_494 = tpu.memref_squeeze %dma_wait3A_493 : memref<1x128x64xi32, #tpu.memory_space<vmem>> -> memref<128x64xi32, #tpu.memory_space<vmem>>
    tpu.wait_dma2 semaphore(%arg9 : memref<!tpu.dma_semaphore, #tpu.memory_space<semaphore_mem>>) src(%dma_wait3A_494 : memref<128x64xi32, #tpu.memory_space<vmem>>) dst(%dma_wait3A_490 : memref<128x64xi32, #tpu.memory_space<hbm>>)
    %dma_start3A_495 = arith.constant 1 : i32
    %dma_start3A_496 = arith.constant 0 : i32
    %dma_start3A_497 = arith.constant 0 : i32
    %dma_start3A_498 = tpu.memref_slice %arg7[%dma_start3A_495, %dma_start3A_496, %dma_start3A_497] : memref<2x128x64xi32, #tpu.memory_space<vmem>> -> memref<1x128x64xi32, #tpu.memory_space<vmem>>
    %dma_start3A_499 = tpu.memref_squeeze %dma_start3A_498 : memref<1x128x64xi32, #tpu.memory_space<vmem>> -> memref<128x64xi32, #tpu.memory_space<vmem>>
    %dma_start3A_500 = arith.constant 1408 : i32
    %dma_start3A_501 = tpu.memref_slice %arg6[%dma_start3A_500] : memref<3200xi32, #tpu.memory_space<vmem>> -> memref<128xi32, #tpu.memory_space<vmem>>
    %dma_start3A_502 = arith.constant 0 : i32
    %dma_start3A_503 = arith.constant 0 : i32
    %dma_start3A_504 = tpu.memref_slice %arg5[%dma_start3A_502, %dma_start3A_503] : memref<25088x64xi32, #tpu.memory_space<vmem_shared>> -> memref<25088x64xi32, #tpu.memory_space<vmem_shared>>
    tpu.enqueue_indirect_dma source(%dma_start3A_504 : memref<25088x64xi32, #tpu.memory_space<vmem_shared>>) target(%dma_start3A_499 : memref<128x64xi32, #tpu.memory_space<vmem>>) offsets(%dma_start3A_501 : memref<128xi32, #tpu.memory_space<vmem>>) semaphore(%arg8 : memref<!tpu.dma_semaphore, #tpu.memory_space<semaphore_mem>>)
    %dma_wait3A_505 = arith.constant 0 : i32
    %dma_wait3A_506 = arith.constant 0 : i32
    %dma_wait3A_507 = arith.constant 0 : i32
    %dma_wait3A_508 = tpu.memref_slice %arg7[%dma_wait3A_505, %dma_wait3A_506, %dma_wait3A_507] : memref<2x128x64xi32, #tpu.memory_space<vmem>> -> memref<1x128x64xi32, #tpu.memory_space<vmem>>
    %dma_wait3A_509 = tpu.memref_squeeze %dma_wait3A_508 : memref<1x128x64xi32, #tpu.memory_space<vmem>> -> memref<128x64xi32, #tpu.memory_space<vmem>>
    %dma_wait3A_510 = arith.constant 1280 : i32
    %dma_wait3A_511 = tpu.memref_slice %arg6[%dma_wait3A_510] : memref<3200xi32, #tpu.memory_space<vmem>> -> memref<128xi32, #tpu.memory_space<vmem>>
    %dma_wait3A_512 = arith.constant 0 : i32
    %dma_wait3A_513 = arith.constant 0 : i32
    %dma_wait3A_514 = tpu.memref_slice %arg5[%dma_wait3A_512, %dma_wait3A_513] : memref<25088x64xi32, #tpu.memory_space<vmem_shared>> -> memref<25088x64xi32, #tpu.memory_space<vmem_shared>>
    tpu.wait_indirect_dma semaphore(%arg8 : memref<!tpu.dma_semaphore, #tpu.memory_space<semaphore_mem>>) src(%dma_wait3A_514 : memref<25088x64xi32, #tpu.memory_space<vmem_shared>>) dst(%dma_wait3A_509 : memref<128x64xi32, #tpu.memory_space<vmem>>)
    %add3A_515 = arith.constant 1280 : i32
    %add3A_516 = arith.addi %mul3A_2, %add3A_515 : i32
    %dma_start3A_517 = arith.constant 0 : i32
    %dma_start3A_518 = arith.constant 0 : i32
    %dma_start3A_519 = arith.constant 0 : i32
    %dma_start3A_520 = tpu.memref_slice %arg7[%dma_start3A_517, %dma_start3A_518, %dma_start3A_519] : memref<2x128x64xi32, #tpu.memory_space<vmem>> -> memref<1x128x64xi32, #tpu.memory_space<vmem>>
    %dma_start3A_521 = tpu.memref_squeeze %dma_start3A_520 : memref<1x128x64xi32, #tpu.memory_space<vmem>> -> memref<128x64xi32, #tpu.memory_space<vmem>>
    %dma_start3A_522 = arith.constant 0 : i32
    %dma_start3A_523 = tpu.memref_slice %arg4[%add3A_516, %dma_start3A_522] : memref<102400x64xi32, #tpu.memory_space<hbm>> -> memref<128x64xi32, #tpu.memory_space<hbm>>
    %dma_start3A_524 = arith.constant 0 : i32
    %dma_start3A_525 = tpu.memref_slice %arg4[%add3A_516, %dma_start3A_524] : memref<102400x64xi32, #tpu.memory_space<hbm>> -> memref<128x64xi32, #tpu.memory_space<hbm>>
    %dma_start3A_526 = arith.constant 0 : i32
    %dma_start3A_527 = arith.constant 0 : i32
    %dma_start3A_528 = tpu.memref_slice %arg7[%dma_start3A_517, %dma_start3A_526, %dma_start3A_527] : memref<2x128x64xi32, #tpu.memory_space<vmem>> -> memref<1x128x64xi32, #tpu.memory_space<vmem>>
    %dma_start3A_529 = tpu.memref_squeeze %dma_start3A_528 : memref<1x128x64xi32, #tpu.memory_space<vmem>> -> memref<128x64xi32, #tpu.memory_space<vmem>>
    tpu.enqueue_dma source(%dma_start3A_529 : memref<128x64xi32, #tpu.memory_space<vmem>>) target(%dma_start3A_525 : memref<128x64xi32, #tpu.memory_space<hbm>>) target_semaphore(%arg9 : memref<!tpu.dma_semaphore, #tpu.memory_space<semaphore_mem>>)
    %dma_wait3A_530 = arith.constant 0 : i32
    %dma_wait3A_531 = arith.constant 0 : i32
    %dma_wait3A_532 = arith.constant 0 : i32
    %dma_wait3A_533 = tpu.memref_slice %arg7[%dma_wait3A_530, %dma_wait3A_531, %dma_wait3A_532] : memref<2x128x64xi32, #tpu.memory_space<vmem>> -> memref<1x128x64xi32, #tpu.memory_space<vmem>>
    %dma_wait3A_534 = tpu.memref_squeeze %dma_wait3A_533 : memref<1x128x64xi32, #tpu.memory_space<vmem>> -> memref<128x64xi32, #tpu.memory_space<vmem>>
    %dma_wait3A_535 = arith.constant 0 : i32
    %dma_wait3A_536 = tpu.memref_slice %arg4[%add3A_516, %dma_wait3A_535] : memref<102400x64xi32, #tpu.memory_space<hbm>> -> memref<128x64xi32, #tpu.memory_space<hbm>>
    %dma_wait3A_537 = arith.constant 0 : i32
    %dma_wait3A_538 = tpu.memref_slice %arg4[%add3A_516, %dma_wait3A_537] : memref<102400x64xi32, #tpu.memory_space<hbm>> -> memref<128x64xi32, #tpu.memory_space<hbm>>
    %dma_wait3A_539 = arith.constant 0 : i32
    %dma_wait3A_540 = arith.constant 0 : i32
    %dma_wait3A_541 = tpu.memref_slice %arg7[%dma_wait3A_530, %dma_wait3A_539, %dma_wait3A_540] : memref<2x128x64xi32, #tpu.memory_space<vmem>> -> memref<1x128x64xi32, #tpu.memory_space<vmem>>
    %dma_wait3A_542 = tpu.memref_squeeze %dma_wait3A_541 : memref<1x128x64xi32, #tpu.memory_space<vmem>> -> memref<128x64xi32, #tpu.memory_space<vmem>>
    tpu.wait_dma2 semaphore(%arg9 : memref<!tpu.dma_semaphore, #tpu.memory_space<semaphore_mem>>) src(%dma_wait3A_542 : memref<128x64xi32, #tpu.memory_space<vmem>>) dst(%dma_wait3A_538 : memref<128x64xi32, #tpu.memory_space<hbm>>)
    %dma_start3A_543 = arith.constant 0 : i32
    %dma_start3A_544 = arith.constant 0 : i32
    %dma_start3A_545 = arith.constant 0 : i32
    %dma_start3A_546 = tpu.memref_slice %arg7[%dma_start3A_543, %dma_start3A_544, %dma_start3A_545] : memref<2x128x64xi32, #tpu.memory_space<vmem>> -> memref<1x128x64xi32, #tpu.memory_space<vmem>>
    %dma_start3A_547 = tpu.memref_squeeze %dma_start3A_546 : memref<1x128x64xi32, #tpu.memory_space<vmem>> -> memref<128x64xi32, #tpu.memory_space<vmem>>
    %dma_start3A_548 = arith.constant 1536 : i32
    %dma_start3A_549 = tpu.memref_slice %arg6[%dma_start3A_548] : memref<3200xi32, #tpu.memory_space<vmem>> -> memref<128xi32, #tpu.memory_space<vmem>>
    %dma_start3A_550 = arith.constant 0 : i32
    %dma_start3A_551 = arith.constant 0 : i32
    %dma_start3A_552 = tpu.memref_slice %arg5[%dma_start3A_550, %dma_start3A_551] : memref<25088x64xi32, #tpu.memory_space<vmem_shared>> -> memref<25088x64xi32, #tpu.memory_space<vmem_shared>>
    tpu.enqueue_indirect_dma source(%dma_start3A_552 : memref<25088x64xi32, #tpu.memory_space<vmem_shared>>) target(%dma_start3A_547 : memref<128x64xi32, #tpu.memory_space<vmem>>) offsets(%dma_start3A_549 : memref<128xi32, #tpu.memory_space<vmem>>) semaphore(%arg8 : memref<!tpu.dma_semaphore, #tpu.memory_space<semaphore_mem>>)
    %dma_wait3A_553 = arith.constant 1 : i32
    %dma_wait3A_554 = arith.constant 0 : i32
    %dma_wait3A_555 = arith.constant 0 : i32
    %dma_wait3A_556 = tpu.memref_slice %arg7[%dma_wait3A_553, %dma_wait3A_554, %dma_wait3A_555] : memref<2x128x64xi32, #tpu.memory_space<vmem>> -> memref<1x128x64xi32, #tpu.memory_space<vmem>>
    %dma_wait3A_557 = tpu.memref_squeeze %dma_wait3A_556 : memref<1x128x64xi32, #tpu.memory_space<vmem>> -> memref<128x64xi32, #tpu.memory_space<vmem>>
    %dma_wait3A_558 = arith.constant 1408 : i32
    %dma_wait3A_559 = tpu.memref_slice %arg6[%dma_wait3A_558] : memref<3200xi32, #tpu.memory_space<vmem>> -> memref<128xi32, #tpu.memory_space<vmem>>
    %dma_wait3A_560 = arith.constant 0 : i32
    %dma_wait3A_561 = arith.constant 0 : i32
    %dma_wait3A_562 = tpu.memref_slice %arg5[%dma_wait3A_560, %dma_wait3A_561] : memref<25088x64xi32, #tpu.memory_space<vmem_shared>> -> memref<25088x64xi32, #tpu.memory_space<vmem_shared>>
    tpu.wait_indirect_dma semaphore(%arg8 : memref<!tpu.dma_semaphore, #tpu.memory_space<semaphore_mem>>) src(%dma_wait3A_562 : memref<25088x64xi32, #tpu.memory_space<vmem_shared>>) dst(%dma_wait3A_557 : memref<128x64xi32, #tpu.memory_space<vmem>>)
    %add3A_563 = arith.constant 1408 : i32
    %add3A_564 = arith.addi %mul3A_2, %add3A_563 : i32
    %dma_start3A_565 = arith.constant 1 : i32
    %dma_start3A_566 = arith.constant 0 : i32
    %dma_start3A_567 = arith.constant 0 : i32
    %dma_start3A_568 = tpu.memref_slice %arg7[%dma_start3A_565, %dma_start3A_566, %dma_start3A_567] : memref<2x128x64xi32, #tpu.memory_space<vmem>> -> memref<1x128x64xi32, #tpu.memory_space<vmem>>
    %dma_start3A_569 = tpu.memref_squeeze %dma_start3A_568 : memref<1x128x64xi32, #tpu.memory_space<vmem>> -> memref<128x64xi32, #tpu.memory_space<vmem>>
    %dma_start3A_570 = arith.constant 0 : i32
    %dma_start3A_571 = tpu.memref_slice %arg4[%add3A_564, %dma_start3A_570] : memref<102400x64xi32, #tpu.memory_space<hbm>> -> memref<128x64xi32, #tpu.memory_space<hbm>>
    %dma_start3A_572 = arith.constant 0 : i32
    %dma_start3A_573 = tpu.memref_slice %arg4[%add3A_564, %dma_start3A_572] : memref<102400x64xi32, #tpu.memory_space<hbm>> -> memref<128x64xi32, #tpu.memory_space<hbm>>
    %dma_start3A_574 = arith.constant 0 : i32
    %dma_start3A_575 = arith.constant 0 : i32
    %dma_start3A_576 = tpu.memref_slice %arg7[%dma_start3A_565, %dma_start3A_574, %dma_start3A_575] : memref<2x128x64xi32, #tpu.memory_space<vmem>> -> memref<1x128x64xi32, #tpu.memory_space<vmem>>
    %dma_start3A_577 = tpu.memref_squeeze %dma_start3A_576 : memref<1x128x64xi32, #tpu.memory_space<vmem>> -> memref<128x64xi32, #tpu.memory_space<vmem>>
    tpu.enqueue_dma source(%dma_start3A_577 : memref<128x64xi32, #tpu.memory_space<vmem>>) target(%dma_start3A_573 : memref<128x64xi32, #tpu.memory_space<hbm>>) target_semaphore(%arg9 : memref<!tpu.dma_semaphore, #tpu.memory_space<semaphore_mem>>)
    %dma_wait3A_578 = arith.constant 1 : i32
    %dma_wait3A_579 = arith.constant 0 : i32
    %dma_wait3A_580 = arith.constant 0 : i32
    %dma_wait3A_581 = tpu.memref_slice %arg7[%dma_wait3A_578, %dma_wait3A_579, %dma_wait3A_580] : memref<2x128x64xi32, #tpu.memory_space<vmem>> -> memref<1x128x64xi32, #tpu.memory_space<vmem>>
    %dma_wait3A_582 = tpu.memref_squeeze %dma_wait3A_581 : memref<1x128x64xi32, #tpu.memory_space<vmem>> -> memref<128x64xi32, #tpu.memory_space<vmem>>
    %dma_wait3A_583 = arith.constant 0 : i32
    %dma_wait3A_584 = tpu.memref_slice %arg4[%add3A_564, %dma_wait3A_583] : memref<102400x64xi32, #tpu.memory_space<hbm>> -> memref<128x64xi32, #tpu.memory_space<hbm>>
    %dma_wait3A_585 = arith.constant 0 : i32
    %dma_wait3A_586 = tpu.memref_slice %arg4[%add3A_564, %dma_wait3A_585] : memref<102400x64xi32, #tpu.memory_space<hbm>> -> memref<128x64xi32, #tpu.memory_space<hbm>>
    %dma_wait3A_587 = arith.constant 0 : i32
    %dma_wait3A_588 = arith.constant 0 : i32
    %dma_wait3A_589 = tpu.memref_slice %arg7[%dma_wait3A_578, %dma_wait3A_587, %dma_wait3A_588] : memref<2x128x64xi32, #tpu.memory_space<vmem>> -> memref<1x128x64xi32, #tpu.memory_space<vmem>>
    %dma_wait3A_590 = tpu.memref_squeeze %dma_wait3A_589 : memref<1x128x64xi32, #tpu.memory_space<vmem>> -> memref<128x64xi32, #tpu.memory_space<vmem>>
    tpu.wait_dma2 semaphore(%arg9 : memref<!tpu.dma_semaphore, #tpu.memory_space<semaphore_mem>>) src(%dma_wait3A_590 : memref<128x64xi32, #tpu.memory_space<vmem>>) dst(%dma_wait3A_586 : memref<128x64xi32, #tpu.memory_space<hbm>>)
    %dma_start3A_591 = arith.constant 1 : i32
    %dma_start3A_592 = arith.constant 0 : i32
    %dma_start3A_593 = arith.constant 0 : i32
    %dma_start3A_594 = tpu.memref_slice %arg7[%dma_start3A_591, %dma_start3A_592, %dma_start3A_593] : memref<2x128x64xi32, #tpu.memory_space<vmem>> -> memref<1x128x64xi32, #tpu.memory_space<vmem>>
    %dma_start3A_595 = tpu.memref_squeeze %dma_start3A_594 : memref<1x128x64xi32, #tpu.memory_space<vmem>> -> memref<128x64xi32, #tpu.memory_space<vmem>>
    %dma_start3A_596 = arith.constant 1664 : i32
    %dma_start3A_597 = tpu.memref_slice %arg6[%dma_start3A_596] : memref<3200xi32, #tpu.memory_space<vmem>> -> memref<128xi32, #tpu.memory_space<vmem>>
    %dma_start3A_598 = arith.constant 0 : i32
    %dma_start3A_599 = arith.constant 0 : i32
    %dma_start3A_600 = tpu.memref_slice %arg5[%dma_start3A_598, %dma_start3A_599] : memref<25088x64xi32, #tpu.memory_space<vmem_shared>> -> memref<25088x64xi32, #tpu.memory_space<vmem_shared>>
    tpu.enqueue_indirect_dma source(%dma_start3A_600 : memref<25088x64xi32, #tpu.memory_space<vmem_shared>>) target(%dma_start3A_595 : memref<128x64xi32, #tpu.memory_space<vmem>>) offsets(%dma_start3A_597 : memref<128xi32, #tpu.memory_space<vmem>>) semaphore(%arg8 : memref<!tpu.dma_semaphore, #tpu.memory_space<semaphore_mem>>)
    %dma_wait3A_601 = arith.constant 0 : i32
    %dma_wait3A_602 = arith.constant 0 : i32
    %dma_wait3A_603 = arith.constant 0 : i32
    %dma_wait3A_604 = tpu.memref_slice %arg7[%dma_wait3A_601, %dma_wait3A_602, %dma_wait3A_603] : memref<2x128x64xi32, #tpu.memory_space<vmem>> -> memref<1x128x64xi32, #tpu.memory_space<vmem>>
    %dma_wait3A_605 = tpu.memref_squeeze %dma_wait3A_604 : memref<1x128x64xi32, #tpu.memory_space<vmem>> -> memref<128x64xi32, #tpu.memory_space<vmem>>
    %dma_wait3A_606 = arith.constant 1536 : i32
    %dma_wait3A_607 = tpu.memref_slice %arg6[%dma_wait3A_606] : memref<3200xi32, #tpu.memory_space<vmem>> -> memref<128xi32, #tpu.memory_space<vmem>>
    %dma_wait3A_608 = arith.constant 0 : i32
    %dma_wait3A_609 = arith.constant 0 : i32
    %dma_wait3A_610 = tpu.memref_slice %arg5[%dma_wait3A_608, %dma_wait3A_609] : memref<25088x64xi32, #tpu.memory_space<vmem_shared>> -> memref<25088x64xi32, #tpu.memory_space<vmem_shared>>
    tpu.wait_indirect_dma semaphore(%arg8 : memref<!tpu.dma_semaphore, #tpu.memory_space<semaphore_mem>>) src(%dma_wait3A_610 : memref<25088x64xi32, #tpu.memory_space<vmem_shared>>) dst(%dma_wait3A_605 : memref<128x64xi32, #tpu.memory_space<vmem>>)
    %add3A_611 = arith.constant 1536 : i32
    %add3A_612 = arith.addi %mul3A_2, %add3A_611 : i32
    %dma_start3A_613 = arith.constant 0 : i32
    %dma_start3A_614 = arith.constant 0 : i32
    %dma_start3A_615 = arith.constant 0 : i32
    %dma_start3A_616 = tpu.memref_slice %arg7[%dma_start3A_613, %dma_start3A_614, %dma_start3A_615] : memref<2x128x64xi32, #tpu.memory_space<vmem>> -> memref<1x128x64xi32, #tpu.memory_space<vmem>>
    %dma_start3A_617 = tpu.memref_squeeze %dma_start3A_616 : memref<1x128x64xi32, #tpu.memory_space<vmem>> -> memref<128x64xi32, #tpu.memory_space<vmem>>
    %dma_start3A_618 = arith.constant 0 : i32
    %dma_start3A_619 = tpu.memref_slice %arg4[%add3A_612, %dma_start3A_618] : memref<102400x64xi32, #tpu.memory_space<hbm>> -> memref<128x64xi32, #tpu.memory_space<hbm>>
    %dma_start3A_620 = arith.constant 0 : i32
    %dma_start3A_621 = tpu.memref_slice %arg4[%add3A_612, %dma_start3A_620] : memref<102400x64xi32, #tpu.memory_space<hbm>> -> memref<128x64xi32, #tpu.memory_space<hbm>>
    %dma_start3A_622 = arith.constant 0 : i32
    %dma_start3A_623 = arith.constant 0 : i32
    %dma_start3A_624 = tpu.memref_slice %arg7[%dma_start3A_613, %dma_start3A_622, %dma_start3A_623] : memref<2x128x64xi32, #tpu.memory_space<vmem>> -> memref<1x128x64xi32, #tpu.memory_space<vmem>>
    %dma_start3A_625 = tpu.memref_squeeze %dma_start3A_624 : memref<1x128x64xi32, #tpu.memory_space<vmem>> -> memref<128x64xi32, #tpu.memory_space<vmem>>
    tpu.enqueue_dma source(%dma_start3A_625 : memref<128x64xi32, #tpu.memory_space<vmem>>) target(%dma_start3A_621 : memref<128x64xi32, #tpu.memory_space<hbm>>) target_semaphore(%arg9 : memref<!tpu.dma_semaphore, #tpu.memory_space<semaphore_mem>>)
    %dma_wait3A_626 = arith.constant 0 : i32
    %dma_wait3A_627 = arith.constant 0 : i32
    %dma_wait3A_628 = arith.constant 0 : i32
    %dma_wait3A_629 = tpu.memref_slice %arg7[%dma_wait3A_626, %dma_wait3A_627, %dma_wait3A_628] : memref<2x128x64xi32, #tpu.memory_space<vmem>> -> memref<1x128x64xi32, #tpu.memory_space<vmem>>
    %dma_wait3A_630 = tpu.memref_squeeze %dma_wait3A_629 : memref<1x128x64xi32, #tpu.memory_space<vmem>> -> memref<128x64xi32, #tpu.memory_space<vmem>>
    %dma_wait3A_631 = arith.constant 0 : i32
    %dma_wait3A_632 = tpu.memref_slice %arg4[%add3A_612, %dma_wait3A_631] : memref<102400x64xi32, #tpu.memory_space<hbm>> -> memref<128x64xi32, #tpu.memory_space<hbm>>
    %dma_wait3A_633 = arith.constant 0 : i32
    %dma_wait3A_634 = tpu.memref_slice %arg4[%add3A_612, %dma_wait3A_633] : memref<102400x64xi32, #tpu.memory_space<hbm>> -> memref<128x64xi32, #tpu.memory_space<hbm>>
    %dma_wait3A_635 = arith.constant 0 : i32
    %dma_wait3A_636 = arith.constant 0 : i32
    %dma_wait3A_637 = tpu.memref_slice %arg7[%dma_wait3A_626, %dma_wait3A_635, %dma_wait3A_636] : memref<2x128x64xi32, #tpu.memory_space<vmem>> -> memref<1x128x64xi32, #tpu.memory_space<vmem>>
    %dma_wait3A_638 = tpu.memref_squeeze %dma_wait3A_637 : memref<1x128x64xi32, #tpu.memory_space<vmem>> -> memref<128x64xi32, #tpu.memory_space<vmem>>
    tpu.wait_dma2 semaphore(%arg9 : memref<!tpu.dma_semaphore, #tpu.memory_space<semaphore_mem>>) src(%dma_wait3A_638 : memref<128x64xi32, #tpu.memory_space<vmem>>) dst(%dma_wait3A_634 : memref<128x64xi32, #tpu.memory_space<hbm>>)
    %dma_start3A_639 = arith.constant 0 : i32
    %dma_start3A_640 = arith.constant 0 : i32
    %dma_start3A_641 = arith.constant 0 : i32
    %dma_start3A_642 = tpu.memref_slice %arg7[%dma_start3A_639, %dma_start3A_640, %dma_start3A_641] : memref<2x128x64xi32, #tpu.memory_space<vmem>> -> memref<1x128x64xi32, #tpu.memory_space<vmem>>
    %dma_start3A_643 = tpu.memref_squeeze %dma_start3A_642 : memref<1x128x64xi32, #tpu.memory_space<vmem>> -> memref<128x64xi32, #tpu.memory_space<vmem>>
    %dma_start3A_644 = arith.constant 1792 : i32
    %dma_start3A_645 = tpu.memref_slice %arg6[%dma_start3A_644] : memref<3200xi32, #tpu.memory_space<vmem>> -> memref<128xi32, #tpu.memory_space<vmem>>
    %dma_start3A_646 = arith.constant 0 : i32
    %dma_start3A_647 = arith.constant 0 : i32
    %dma_start3A_648 = tpu.memref_slice %arg5[%dma_start3A_646, %dma_start3A_647] : memref<25088x64xi32, #tpu.memory_space<vmem_shared>> -> memref<25088x64xi32, #tpu.memory_space<vmem_shared>>
    tpu.enqueue_indirect_dma source(%dma_start3A_648 : memref<25088x64xi32, #tpu.memory_space<vmem_shared>>) target(%dma_start3A_643 : memref<128x64xi32, #tpu.memory_space<vmem>>) offsets(%dma_start3A_645 : memref<128xi32, #tpu.memory_space<vmem>>) semaphore(%arg8 : memref<!tpu.dma_semaphore, #tpu.memory_space<semaphore_mem>>)
    %dma_wait3A_649 = arith.constant 1 : i32
    %dma_wait3A_650 = arith.constant 0 : i32
    %dma_wait3A_651 = arith.constant 0 : i32
    %dma_wait3A_652 = tpu.memref_slice %arg7[%dma_wait3A_649, %dma_wait3A_650, %dma_wait3A_651] : memref<2x128x64xi32, #tpu.memory_space<vmem>> -> memref<1x128x64xi32, #tpu.memory_space<vmem>>
    %dma_wait3A_653 = tpu.memref_squeeze %dma_wait3A_652 : memref<1x128x64xi32, #tpu.memory_space<vmem>> -> memref<128x64xi32, #tpu.memory_space<vmem>>
    %dma_wait3A_654 = arith.constant 1664 : i32
    %dma_wait3A_655 = tpu.memref_slice %arg6[%dma_wait3A_654] : memref<3200xi32, #tpu.memory_space<vmem>> -> memref<128xi32, #tpu.memory_space<vmem>>
    %dma_wait3A_656 = arith.constant 0 : i32
    %dma_wait3A_657 = arith.constant 0 : i32
    %dma_wait3A_658 = tpu.memref_slice %arg5[%dma_wait3A_656, %dma_wait3A_657] : memref<25088x64xi32, #tpu.memory_space<vmem_shared>> -> memref<25088x64xi32, #tpu.memory_space<vmem_shared>>
    tpu.wait_indirect_dma semaphore(%arg8 : memref<!tpu.dma_semaphore, #tpu.memory_space<semaphore_mem>>) src(%dma_wait3A_658 : memref<25088x64xi32, #tpu.memory_space<vmem_shared>>) dst(%dma_wait3A_653 : memref<128x64xi32, #tpu.memory_space<vmem>>)
    %add3A_659 = arith.constant 1664 : i32
    %add3A_660 = arith.addi %mul3A_2, %add3A_659 : i32
    %dma_start3A_661 = arith.constant 1 : i32
    %dma_start3A_662 = arith.constant 0 : i32
    %dma_start3A_663 = arith.constant 0 : i32
    %dma_start3A_664 = tpu.memref_slice %arg7[%dma_start3A_661, %dma_start3A_662, %dma_start3A_663] : memref<2x128x64xi32, #tpu.memory_space<vmem>> -> memref<1x128x64xi32, #tpu.memory_space<vmem>>
    %dma_start3A_665 = tpu.memref_squeeze %dma_start3A_664 : memref<1x128x64xi32, #tpu.memory_space<vmem>> -> memref<128x64xi32, #tpu.memory_space<vmem>>
    %dma_start3A_666 = arith.constant 0 : i32
    %dma_start3A_667 = tpu.memref_slice %arg4[%add3A_660, %dma_start3A_666] : memref<102400x64xi32, #tpu.memory_space<hbm>> -> memref<128x64xi32, #tpu.memory_space<hbm>>
    %dma_start3A_668 = arith.constant 0 : i32
    %dma_start3A_669 = tpu.memref_slice %arg4[%add3A_660, %dma_start3A_668] : memref<102400x64xi32, #tpu.memory_space<hbm>> -> memref<128x64xi32, #tpu.memory_space<hbm>>
    %dma_start3A_670 = arith.constant 0 : i32
    %dma_start3A_671 = arith.constant 0 : i32
    %dma_start3A_672 = tpu.memref_slice %arg7[%dma_start3A_661, %dma_start3A_670, %dma_start3A_671] : memref<2x128x64xi32, #tpu.memory_space<vmem>> -> memref<1x128x64xi32, #tpu.memory_space<vmem>>
    %dma_start3A_673 = tpu.memref_squeeze %dma_start3A_672 : memref<1x128x64xi32, #tpu.memory_space<vmem>> -> memref<128x64xi32, #tpu.memory_space<vmem>>
    tpu.enqueue_dma source(%dma_start3A_673 : memref<128x64xi32, #tpu.memory_space<vmem>>) target(%dma_start3A_669 : memref<128x64xi32, #tpu.memory_space<hbm>>) target_semaphore(%arg9 : memref<!tpu.dma_semaphore, #tpu.memory_space<semaphore_mem>>)
    %dma_wait3A_674 = arith.constant 1 : i32
    %dma_wait3A_675 = arith.constant 0 : i32
    %dma_wait3A_676 = arith.constant 0 : i32
    %dma_wait3A_677 = tpu.memref_slice %arg7[%dma_wait3A_674, %dma_wait3A_675, %dma_wait3A_676] : memref<2x128x64xi32, #tpu.memory_space<vmem>> -> memref<1x128x64xi32, #tpu.memory_space<vmem>>
    %dma_wait3A_678 = tpu.memref_squeeze %dma_wait3A_677 : memref<1x128x64xi32, #tpu.memory_space<vmem>> -> memref<128x64xi32, #tpu.memory_space<vmem>>
    %dma_wait3A_679 = arith.constant 0 : i32
    %dma_wait3A_680 = tpu.memref_slice %arg4[%add3A_660, %dma_wait3A_679] : memref<102400x64xi32, #tpu.memory_space<hbm>> -> memref<128x64xi32, #tpu.memory_space<hbm>>
    %dma_wait3A_681 = arith.constant 0 : i32
    %dma_wait3A_682 = tpu.memref_slice %arg4[%add3A_660, %dma_wait3A_681] : memref<102400x64xi32, #tpu.memory_space<hbm>> -> memref<128x64xi32, #tpu.memory_space<hbm>>
    %dma_wait3A_683 = arith.constant 0 : i32
    %dma_wait3A_684 = arith.constant 0 : i32
    %dma_wait3A_685 = tpu.memref_slice %arg7[%dma_wait3A_674, %dma_wait3A_683, %dma_wait3A_684] : memref<2x128x64xi32, #tpu.memory_space<vmem>> -> memref<1x128x64xi32, #tpu.memory_space<vmem>>
    %dma_wait3A_686 = tpu.memref_squeeze %dma_wait3A_685 : memref<1x128x64xi32, #tpu.memory_space<vmem>> -> memref<128x64xi32, #tpu.memory_space<vmem>>
    tpu.wait_dma2 semaphore(%arg9 : memref<!tpu.dma_semaphore, #tpu.memory_space<semaphore_mem>>) src(%dma_wait3A_686 : memref<128x64xi32, #tpu.memory_space<vmem>>) dst(%dma_wait3A_682 : memref<128x64xi32, #tpu.memory_space<hbm>>)
    %dma_start3A_687 = arith.constant 1 : i32
    %dma_start3A_688 = arith.constant 0 : i32
    %dma_start3A_689 = arith.constant 0 : i32
    %dma_start3A_690 = tpu.memref_slice %arg7[%dma_start3A_687, %dma_start3A_688, %dma_start3A_689] : memref<2x128x64xi32, #tpu.memory_space<vmem>> -> memref<1x128x64xi32, #tpu.memory_space<vmem>>
    %dma_start3A_691 = tpu.memref_squeeze %dma_start3A_690 : memref<1x128x64xi32, #tpu.memory_space<vmem>> -> memref<128x64xi32, #tpu.memory_space<vmem>>
    %dma_start3A_692 = arith.constant 1920 : i32
    %dma_start3A_693 = tpu.memref_slice %arg6[%dma_start3A_692] : memref<3200xi32, #tpu.memory_space<vmem>> -> memref<128xi32, #tpu.memory_space<vmem>>
    %dma_start3A_694 = arith.constant 0 : i32
    %dma_start3A_695 = arith.constant 0 : i32
    %dma_start3A_696 = tpu.memref_slice %arg5[%dma_start3A_694, %dma_start3A_695] : memref<25088x64xi32, #tpu.memory_space<vmem_shared>> -> memref<25088x64xi32, #tpu.memory_space<vmem_shared>>
    tpu.enqueue_indirect_dma source(%dma_start3A_696 : memref<25088x64xi32, #tpu.memory_space<vmem_shared>>) target(%dma_start3A_691 : memref<128x64xi32, #tpu.memory_space<vmem>>) offsets(%dma_start3A_693 : memref<128xi32, #tpu.memory_space<vmem>>) semaphore(%arg8 : memref<!tpu.dma_semaphore, #tpu.memory_space<semaphore_mem>>)
    %dma_wait3A_697 = arith.constant 0 : i32
    %dma_wait3A_698 = arith.constant 0 : i32
    %dma_wait3A_699 = arith.constant 0 : i32
    %dma_wait3A_700 = tpu.memref_slice %arg7[%dma_wait3A_697, %dma_wait3A_698, %dma_wait3A_699] : memref<2x128x64xi32, #tpu.memory_space<vmem>> -> memref<1x128x64xi32, #tpu.memory_space<vmem>>
    %dma_wait3A_701 = tpu.memref_squeeze %dma_wait3A_700 : memref<1x128x64xi32, #tpu.memory_space<vmem>> -> memref<128x64xi32, #tpu.memory_space<vmem>>
    %dma_wait3A_702 = arith.constant 1792 : i32
    %dma_wait3A_703 = tpu.memref_slice %arg6[%dma_wait3A_702] : memref<3200xi32, #tpu.memory_space<vmem>> -> memref<128xi32, #tpu.memory_space<vmem>>
    %dma_wait3A_704 = arith.constant 0 : i32
    %dma_wait3A_705 = arith.constant 0 : i32
    %dma_wait3A_706 = tpu.memref_slice %arg5[%dma_wait3A_704, %dma_wait3A_705] : memref<25088x64xi32, #tpu.memory_space<vmem_shared>> -> memref<25088x64xi32, #tpu.memory_space<vmem_shared>>
    tpu.wait_indirect_dma semaphore(%arg8 : memref<!tpu.dma_semaphore, #tpu.memory_space<semaphore_mem>>) src(%dma_wait3A_706 : memref<25088x64xi32, #tpu.memory_space<vmem_shared>>) dst(%dma_wait3A_701 : memref<128x64xi32, #tpu.memory_space<vmem>>)
    %add3A_707 = arith.constant 1792 : i32
    %add3A_708 = arith.addi %mul3A_2, %add3A_707 : i32
    %dma_start3A_709 = arith.constant 0 : i32
    %dma_start3A_710 = arith.constant 0 : i32
    %dma_start3A_711 = arith.constant 0 : i32
    %dma_start3A_712 = tpu.memref_slice %arg7[%dma_start3A_709, %dma_start3A_710, %dma_start3A_711] : memref<2x128x64xi32, #tpu.memory_space<vmem>> -> memref<1x128x64xi32, #tpu.memory_space<vmem>>
    %dma_start3A_713 = tpu.memref_squeeze %dma_start3A_712 : memref<1x128x64xi32, #tpu.memory_space<vmem>> -> memref<128x64xi32, #tpu.memory_space<vmem>>
    %dma_start3A_714 = arith.constant 0 : i32
    %dma_start3A_715 = tpu.memref_slice %arg4[%add3A_708, %dma_start3A_714] : memref<102400x64xi32, #tpu.memory_space<hbm>> -> memref<128x64xi32, #tpu.memory_space<hbm>>
    %dma_start3A_716 = arith.constant 0 : i32
    %dma_start3A_717 = tpu.memref_slice %arg4[%add3A_708, %dma_start3A_716] : memref<102400x64xi32, #tpu.memory_space<hbm>> -> memref<128x64xi32, #tpu.memory_space<hbm>>
    %dma_start3A_718 = arith.constant 0 : i32
    %dma_start3A_719 = arith.constant 0 : i32
    %dma_start3A_720 = tpu.memref_slice %arg7[%dma_start3A_709, %dma_start3A_718, %dma_start3A_719] : memref<2x128x64xi32, #tpu.memory_space<vmem>> -> memref<1x128x64xi32, #tpu.memory_space<vmem>>
    %dma_start3A_721 = tpu.memref_squeeze %dma_start3A_720 : memref<1x128x64xi32, #tpu.memory_space<vmem>> -> memref<128x64xi32, #tpu.memory_space<vmem>>
    tpu.enqueue_dma source(%dma_start3A_721 : memref<128x64xi32, #tpu.memory_space<vmem>>) target(%dma_start3A_717 : memref<128x64xi32, #tpu.memory_space<hbm>>) target_semaphore(%arg9 : memref<!tpu.dma_semaphore, #tpu.memory_space<semaphore_mem>>)
    %dma_wait3A_722 = arith.constant 0 : i32
    %dma_wait3A_723 = arith.constant 0 : i32
    %dma_wait3A_724 = arith.constant 0 : i32
    %dma_wait3A_725 = tpu.memref_slice %arg7[%dma_wait3A_722, %dma_wait3A_723, %dma_wait3A_724] : memref<2x128x64xi32, #tpu.memory_space<vmem>> -> memref<1x128x64xi32, #tpu.memory_space<vmem>>
    %dma_wait3A_726 = tpu.memref_squeeze %dma_wait3A_725 : memref<1x128x64xi32, #tpu.memory_space<vmem>> -> memref<128x64xi32, #tpu.memory_space<vmem>>
    %dma_wait3A_727 = arith.constant 0 : i32
    %dma_wait3A_728 = tpu.memref_slice %arg4[%add3A_708, %dma_wait3A_727] : memref<102400x64xi32, #tpu.memory_space<hbm>> -> memref<128x64xi32, #tpu.memory_space<hbm>>
    %dma_wait3A_729 = arith.constant 0 : i32
    %dma_wait3A_730 = tpu.memref_slice %arg4[%add3A_708, %dma_wait3A_729] : memref<102400x64xi32, #tpu.memory_space<hbm>> -> memref<128x64xi32, #tpu.memory_space<hbm>>
    %dma_wait3A_731 = arith.constant 0 : i32
    %dma_wait3A_732 = arith.constant 0 : i32
    %dma_wait3A_733 = tpu.memref_slice %arg7[%dma_wait3A_722, %dma_wait3A_731, %dma_wait3A_732] : memref<2x128x64xi32, #tpu.memory_space<vmem>> -> memref<1x128x64xi32, #tpu.memory_space<vmem>>
    %dma_wait3A_734 = tpu.memref_squeeze %dma_wait3A_733 : memref<1x128x64xi32, #tpu.memory_space<vmem>> -> memref<128x64xi32, #tpu.memory_space<vmem>>
    tpu.wait_dma2 semaphore(%arg9 : memref<!tpu.dma_semaphore, #tpu.memory_space<semaphore_mem>>) src(%dma_wait3A_734 : memref<128x64xi32, #tpu.memory_space<vmem>>) dst(%dma_wait3A_730 : memref<128x64xi32, #tpu.memory_space<hbm>>)
    %dma_start3A_735 = arith.constant 0 : i32
    %dma_start3A_736 = arith.constant 0 : i32
    %dma_start3A_737 = arith.constant 0 : i32
    %dma_start3A_738 = tpu.memref_slice %arg7[%dma_start3A_735, %dma_start3A_736, %dma_start3A_737] : memref<2x128x64xi32, #tpu.memory_space<vmem>> -> memref<1x128x64xi32, #tpu.memory_space<vmem>>
    %dma_start3A_739 = tpu.memref_squeeze %dma_start3A_738 : memref<1x128x64xi32, #tpu.memory_space<vmem>> -> memref<128x64xi32, #tpu.memory_space<vmem>>
    %dma_start3A_740 = arith.constant 2048 : i32
    %dma_start3A_741 = tpu.memref_slice %arg6[%dma_start3A_740] : memref<3200xi32, #tpu.memory_space<vmem>> -> memref<128xi32, #tpu.memory_space<vmem>>
    %dma_start3A_742 = arith.constant 0 : i32
    %dma_start3A_743 = arith.constant 0 : i32
    %dma_start3A_744 = tpu.memref_slice %arg5[%dma_start3A_742, %dma_start3A_743] : memref<25088x64xi32, #tpu.memory_space<vmem_shared>> -> memref<25088x64xi32, #tpu.memory_space<vmem_shared>>
    tpu.enqueue_indirect_dma source(%dma_start3A_744 : memref<25088x64xi32, #tpu.memory_space<vmem_shared>>) target(%dma_start3A_739 : memref<128x64xi32, #tpu.memory_space<vmem>>) offsets(%dma_start3A_741 : memref<128xi32, #tpu.memory_space<vmem>>) semaphore(%arg8 : memref<!tpu.dma_semaphore, #tpu.memory_space<semaphore_mem>>)
    %dma_wait3A_745 = arith.constant 1 : i32
    %dma_wait3A_746 = arith.constant 0 : i32
    %dma_wait3A_747 = arith.constant 0 : i32
    %dma_wait3A_748 = tpu.memref_slice %arg7[%dma_wait3A_745, %dma_wait3A_746, %dma_wait3A_747] : memref<2x128x64xi32, #tpu.memory_space<vmem>> -> memref<1x128x64xi32, #tpu.memory_space<vmem>>
    %dma_wait3A_749 = tpu.memref_squeeze %dma_wait3A_748 : memref<1x128x64xi32, #tpu.memory_space<vmem>> -> memref<128x64xi32, #tpu.memory_space<vmem>>
    %dma_wait3A_750 = arith.constant 1920 : i32
    %dma_wait3A_751 = tpu.memref_slice %arg6[%dma_wait3A_750] : memref<3200xi32, #tpu.memory_space<vmem>> -> memref<128xi32, #tpu.memory_space<vmem>>
    %dma_wait3A_752 = arith.constant 0 : i32
    %dma_wait3A_753 = arith.constant 0 : i32
    %dma_wait3A_754 = tpu.memref_slice %arg5[%dma_wait3A_752, %dma_wait3A_753] : memref<25088x64xi32, #tpu.memory_space<vmem_shared>> -> memref<25088x64xi32, #tpu.memory_space<vmem_shared>>
    tpu.wait_indirect_dma semaphore(%arg8 : memref<!tpu.dma_semaphore, #tpu.memory_space<semaphore_mem>>) src(%dma_wait3A_754 : memref<25088x64xi32, #tpu.memory_space<vmem_shared>>) dst(%dma_wait3A_749 : memref<128x64xi32, #tpu.memory_space<vmem>>)
    %add3A_755 = arith.constant 1920 : i32
    %add3A_756 = arith.addi %mul3A_2, %add3A_755 : i32
    %dma_start3A_757 = arith.constant 1 : i32
    %dma_start3A_758 = arith.constant 0 : i32
    %dma_start3A_759 = arith.constant 0 : i32
    %dma_start3A_760 = tpu.memref_slice %arg7[%dma_start3A_757, %dma_start3A_758, %dma_start3A_759] : memref<2x128x64xi32, #tpu.memory_space<vmem>> -> memref<1x128x64xi32, #tpu.memory_space<vmem>>
    %dma_start3A_761 = tpu.memref_squeeze %dma_start3A_760 : memref<1x128x64xi32, #tpu.memory_space<vmem>> -> memref<128x64xi32, #tpu.memory_space<vmem>>
    %dma_start3A_762 = arith.constant 0 : i32
    %dma_start3A_763 = tpu.memref_slice %arg4[%add3A_756, %dma_start3A_762] : memref<102400x64xi32, #tpu.memory_space<hbm>> -> memref<128x64xi32, #tpu.memory_space<hbm>>
    %dma_start3A_764 = arith.constant 0 : i32
    %dma_start3A_765 = tpu.memref_slice %arg4[%add3A_756, %dma_start3A_764] : memref<102400x64xi32, #tpu.memory_space<hbm>> -> memref<128x64xi32, #tpu.memory_space<hbm>>
    %dma_start3A_766 = arith.constant 0 : i32
    %dma_start3A_767 = arith.constant 0 : i32
    %dma_start3A_768 = tpu.memref_slice %arg7[%dma_start3A_757, %dma_start3A_766, %dma_start3A_767] : memref<2x128x64xi32, #tpu.memory_space<vmem>> -> memref<1x128x64xi32, #tpu.memory_space<vmem>>
    %dma_start3A_769 = tpu.memref_squeeze %dma_start3A_768 : memref<1x128x64xi32, #tpu.memory_space<vmem>> -> memref<128x64xi32, #tpu.memory_space<vmem>>
    tpu.enqueue_dma source(%dma_start3A_769 : memref<128x64xi32, #tpu.memory_space<vmem>>) target(%dma_start3A_765 : memref<128x64xi32, #tpu.memory_space<hbm>>) target_semaphore(%arg9 : memref<!tpu.dma_semaphore, #tpu.memory_space<semaphore_mem>>)
    %dma_wait3A_770 = arith.constant 1 : i32
    %dma_wait3A_771 = arith.constant 0 : i32
    %dma_wait3A_772 = arith.constant 0 : i32
    %dma_wait3A_773 = tpu.memref_slice %arg7[%dma_wait3A_770, %dma_wait3A_771, %dma_wait3A_772] : memref<2x128x64xi32, #tpu.memory_space<vmem>> -> memref<1x128x64xi32, #tpu.memory_space<vmem>>
    %dma_wait3A_774 = tpu.memref_squeeze %dma_wait3A_773 : memref<1x128x64xi32, #tpu.memory_space<vmem>> -> memref<128x64xi32, #tpu.memory_space<vmem>>
    %dma_wait3A_775 = arith.constant 0 : i32
    %dma_wait3A_776 = tpu.memref_slice %arg4[%add3A_756, %dma_wait3A_775] : memref<102400x64xi32, #tpu.memory_space<hbm>> -> memref<128x64xi32, #tpu.memory_space<hbm>>
    %dma_wait3A_777 = arith.constant 0 : i32
    %dma_wait3A_778 = tpu.memref_slice %arg4[%add3A_756, %dma_wait3A_777] : memref<102400x64xi32, #tpu.memory_space<hbm>> -> memref<128x64xi32, #tpu.memory_space<hbm>>
    %dma_wait3A_779 = arith.constant 0 : i32
    %dma_wait3A_780 = arith.constant 0 : i32
    %dma_wait3A_781 = tpu.memref_slice %arg7[%dma_wait3A_770, %dma_wait3A_779, %dma_wait3A_780] : memref<2x128x64xi32, #tpu.memory_space<vmem>> -> memref<1x128x64xi32, #tpu.memory_space<vmem>>
    %dma_wait3A_782 = tpu.memref_squeeze %dma_wait3A_781 : memref<1x128x64xi32, #tpu.memory_space<vmem>> -> memref<128x64xi32, #tpu.memory_space<vmem>>
    tpu.wait_dma2 semaphore(%arg9 : memref<!tpu.dma_semaphore, #tpu.memory_space<semaphore_mem>>) src(%dma_wait3A_782 : memref<128x64xi32, #tpu.memory_space<vmem>>) dst(%dma_wait3A_778 : memref<128x64xi32, #tpu.memory_space<hbm>>)
    %dma_start3A_783 = arith.constant 1 : i32
    %dma_start3A_784 = arith.constant 0 : i32
    %dma_start3A_785 = arith.constant 0 : i32
    %dma_start3A_786 = tpu.memref_slice %arg7[%dma_start3A_783, %dma_start3A_784, %dma_start3A_785] : memref<2x128x64xi32, #tpu.memory_space<vmem>> -> memref<1x128x64xi32, #tpu.memory_space<vmem>>
    %dma_start3A_787 = tpu.memref_squeeze %dma_start3A_786 : memref<1x128x64xi32, #tpu.memory_space<vmem>> -> memref<128x64xi32, #tpu.memory_space<vmem>>
    %dma_start3A_788 = arith.constant 2176 : i32
    %dma_start3A_789 = tpu.memref_slice %arg6[%dma_start3A_788] : memref<3200xi32, #tpu.memory_space<vmem>> -> memref<128xi32, #tpu.memory_space<vmem>>
    %dma_start3A_790 = arith.constant 0 : i32
    %dma_start3A_791 = arith.constant 0 : i32
    %dma_start3A_792 = tpu.memref_slice %arg5[%dma_start3A_790, %dma_start3A_791] : memref<25088x64xi32, #tpu.memory_space<vmem_shared>> -> memref<25088x64xi32, #tpu.memory_space<vmem_shared>>
    tpu.enqueue_indirect_dma source(%dma_start3A_792 : memref<25088x64xi32, #tpu.memory_space<vmem_shared>>) target(%dma_start3A_787 : memref<128x64xi32, #tpu.memory_space<vmem>>) offsets(%dma_start3A_789 : memref<128xi32, #tpu.memory_space<vmem>>) semaphore(%arg8 : memref<!tpu.dma_semaphore, #tpu.memory_space<semaphore_mem>>)
    %dma_wait3A_793 = arith.constant 0 : i32
    %dma_wait3A_794 = arith.constant 0 : i32
    %dma_wait3A_795 = arith.constant 0 : i32
    %dma_wait3A_796 = tpu.memref_slice %arg7[%dma_wait3A_793, %dma_wait3A_794, %dma_wait3A_795] : memref<2x128x64xi32, #tpu.memory_space<vmem>> -> memref<1x128x64xi32, #tpu.memory_space<vmem>>
    %dma_wait3A_797 = tpu.memref_squeeze %dma_wait3A_796 : memref<1x128x64xi32, #tpu.memory_space<vmem>> -> memref<128x64xi32, #tpu.memory_space<vmem>>
    %dma_wait3A_798 = arith.constant 2048 : i32
    %dma_wait3A_799 = tpu.memref_slice %arg6[%dma_wait3A_798] : memref<3200xi32, #tpu.memory_space<vmem>> -> memref<128xi32, #tpu.memory_space<vmem>>
    %dma_wait3A_800 = arith.constant 0 : i32
    %dma_wait3A_801 = arith.constant 0 : i32
    %dma_wait3A_802 = tpu.memref_slice %arg5[%dma_wait3A_800, %dma_wait3A_801] : memref<25088x64xi32, #tpu.memory_space<vmem_shared>> -> memref<25088x64xi32, #tpu.memory_space<vmem_shared>>
    tpu.wait_indirect_dma semaphore(%arg8 : memref<!tpu.dma_semaphore, #tpu.memory_space<semaphore_mem>>) src(%dma_wait3A_802 : memref<25088x64xi32, #tpu.memory_space<vmem_shared>>) dst(%dma_wait3A_797 : memref<128x64xi32, #tpu.memory_space<vmem>>)
    %add3A_803 = arith.constant 2048 : i32
    %add3A_804 = arith.addi %mul3A_2, %add3A_803 : i32
    %dma_start3A_805 = arith.constant 0 : i32
    %dma_start3A_806 = arith.constant 0 : i32
    %dma_start3A_807 = arith.constant 0 : i32
    %dma_start3A_808 = tpu.memref_slice %arg7[%dma_start3A_805, %dma_start3A_806, %dma_start3A_807] : memref<2x128x64xi32, #tpu.memory_space<vmem>> -> memref<1x128x64xi32, #tpu.memory_space<vmem>>
    %dma_start3A_809 = tpu.memref_squeeze %dma_start3A_808 : memref<1x128x64xi32, #tpu.memory_space<vmem>> -> memref<128x64xi32, #tpu.memory_space<vmem>>
    %dma_start3A_810 = arith.constant 0 : i32
    %dma_start3A_811 = tpu.memref_slice %arg4[%add3A_804, %dma_start3A_810] : memref<102400x64xi32, #tpu.memory_space<hbm>> -> memref<128x64xi32, #tpu.memory_space<hbm>>
    %dma_start3A_812 = arith.constant 0 : i32
    %dma_start3A_813 = tpu.memref_slice %arg4[%add3A_804, %dma_start3A_812] : memref<102400x64xi32, #tpu.memory_space<hbm>> -> memref<128x64xi32, #tpu.memory_space<hbm>>
    %dma_start3A_814 = arith.constant 0 : i32
    %dma_start3A_815 = arith.constant 0 : i32
    %dma_start3A_816 = tpu.memref_slice %arg7[%dma_start3A_805, %dma_start3A_814, %dma_start3A_815] : memref<2x128x64xi32, #tpu.memory_space<vmem>> -> memref<1x128x64xi32, #tpu.memory_space<vmem>>
    %dma_start3A_817 = tpu.memref_squeeze %dma_start3A_816 : memref<1x128x64xi32, #tpu.memory_space<vmem>> -> memref<128x64xi32, #tpu.memory_space<vmem>>
    tpu.enqueue_dma source(%dma_start3A_817 : memref<128x64xi32, #tpu.memory_space<vmem>>) target(%dma_start3A_813 : memref<128x64xi32, #tpu.memory_space<hbm>>) target_semaphore(%arg9 : memref<!tpu.dma_semaphore, #tpu.memory_space<semaphore_mem>>)
    %dma_wait3A_818 = arith.constant 0 : i32
    %dma_wait3A_819 = arith.constant 0 : i32
    %dma_wait3A_820 = arith.constant 0 : i32
    %dma_wait3A_821 = tpu.memref_slice %arg7[%dma_wait3A_818, %dma_wait3A_819, %dma_wait3A_820] : memref<2x128x64xi32, #tpu.memory_space<vmem>> -> memref<1x128x64xi32, #tpu.memory_space<vmem>>
    %dma_wait3A_822 = tpu.memref_squeeze %dma_wait3A_821 : memref<1x128x64xi32, #tpu.memory_space<vmem>> -> memref<128x64xi32, #tpu.memory_space<vmem>>
    %dma_wait3A_823 = arith.constant 0 : i32
    %dma_wait3A_824 = tpu.memref_slice %arg4[%add3A_804, %dma_wait3A_823] : memref<102400x64xi32, #tpu.memory_space<hbm>> -> memref<128x64xi32, #tpu.memory_space<hbm>>
    %dma_wait3A_825 = arith.constant 0 : i32
    %dma_wait3A_826 = tpu.memref_slice %arg4[%add3A_804, %dma_wait3A_825] : memref<102400x64xi32, #tpu.memory_space<hbm>> -> memref<128x64xi32, #tpu.memory_space<hbm>>
    %dma_wait3A_827 = arith.constant 0 : i32
    %dma_wait3A_828 = arith.constant 0 : i32
    %dma_wait3A_829 = tpu.memref_slice %arg7[%dma_wait3A_818, %dma_wait3A_827, %dma_wait3A_828] : memref<2x128x64xi32, #tpu.memory_space<vmem>> -> memref<1x128x64xi32, #tpu.memory_space<vmem>>
    %dma_wait3A_830 = tpu.memref_squeeze %dma_wait3A_829 : memref<1x128x64xi32, #tpu.memory_space<vmem>> -> memref<128x64xi32, #tpu.memory_space<vmem>>
    tpu.wait_dma2 semaphore(%arg9 : memref<!tpu.dma_semaphore, #tpu.memory_space<semaphore_mem>>) src(%dma_wait3A_830 : memref<128x64xi32, #tpu.memory_space<vmem>>) dst(%dma_wait3A_826 : memref<128x64xi32, #tpu.memory_space<hbm>>)
    %dma_start3A_831 = arith.constant 0 : i32
    %dma_start3A_832 = arith.constant 0 : i32
    %dma_start3A_833 = arith.constant 0 : i32
    %dma_start3A_834 = tpu.memref_slice %arg7[%dma_start3A_831, %dma_start3A_832, %dma_start3A_833] : memref<2x128x64xi32, #tpu.memory_space<vmem>> -> memref<1x128x64xi32, #tpu.memory_space<vmem>>
    %dma_start3A_835 = tpu.memref_squeeze %dma_start3A_834 : memref<1x128x64xi32, #tpu.memory_space<vmem>> -> memref<128x64xi32, #tpu.memory_space<vmem>>
    %dma_start3A_836 = arith.constant 2304 : i32
    %dma_start3A_837 = tpu.memref_slice %arg6[%dma_start3A_836] : memref<3200xi32, #tpu.memory_space<vmem>> -> memref<128xi32, #tpu.memory_space<vmem>>
    %dma_start3A_838 = arith.constant 0 : i32
    %dma_start3A_839 = arith.constant 0 : i32
    %dma_start3A_840 = tpu.memref_slice %arg5[%dma_start3A_838, %dma_start3A_839] : memref<25088x64xi32, #tpu.memory_space<vmem_shared>> -> memref<25088x64xi32, #tpu.memory_space<vmem_shared>>
    tpu.enqueue_indirect_dma source(%dma_start3A_840 : memref<25088x64xi32, #tpu.memory_space<vmem_shared>>) target(%dma_start3A_835 : memref<128x64xi32, #tpu.memory_space<vmem>>) offsets(%dma_start3A_837 : memref<128xi32, #tpu.memory_space<vmem>>) semaphore(%arg8 : memref<!tpu.dma_semaphore, #tpu.memory_space<semaphore_mem>>)
    %dma_wait3A_841 = arith.constant 1 : i32
    %dma_wait3A_842 = arith.constant 0 : i32
    %dma_wait3A_843 = arith.constant 0 : i32
    %dma_wait3A_844 = tpu.memref_slice %arg7[%dma_wait3A_841, %dma_wait3A_842, %dma_wait3A_843] : memref<2x128x64xi32, #tpu.memory_space<vmem>> -> memref<1x128x64xi32, #tpu.memory_space<vmem>>
    %dma_wait3A_845 = tpu.memref_squeeze %dma_wait3A_844 : memref<1x128x64xi32, #tpu.memory_space<vmem>> -> memref<128x64xi32, #tpu.memory_space<vmem>>
    %dma_wait3A_846 = arith.constant 2176 : i32
    %dma_wait3A_847 = tpu.memref_slice %arg6[%dma_wait3A_846] : memref<3200xi32, #tpu.memory_space<vmem>> -> memref<128xi32, #tpu.memory_space<vmem>>
    %dma_wait3A_848 = arith.constant 0 : i32
    %dma_wait3A_849 = arith.constant 0 : i32
    %dma_wait3A_850 = tpu.memref_slice %arg5[%dma_wait3A_848, %dma_wait3A_849] : memref<25088x64xi32, #tpu.memory_space<vmem_shared>> -> memref<25088x64xi32, #tpu.memory_space<vmem_shared>>
    tpu.wait_indirect_dma semaphore(%arg8 : memref<!tpu.dma_semaphore, #tpu.memory_space<semaphore_mem>>) src(%dma_wait3A_850 : memref<25088x64xi32, #tpu.memory_space<vmem_shared>>) dst(%dma_wait3A_845 : memref<128x64xi32, #tpu.memory_space<vmem>>)
    %add3A_851 = arith.constant 2176 : i32
    %add3A_852 = arith.addi %mul3A_2, %add3A_851 : i32
    %dma_start3A_853 = arith.constant 1 : i32
    %dma_start3A_854 = arith.constant 0 : i32
    %dma_start3A_855 = arith.constant 0 : i32
    %dma_start3A_856 = tpu.memref_slice %arg7[%dma_start3A_853, %dma_start3A_854, %dma_start3A_855] : memref<2x128x64xi32, #tpu.memory_space<vmem>> -> memref<1x128x64xi32, #tpu.memory_space<vmem>>
    %dma_start3A_857 = tpu.memref_squeeze %dma_start3A_856 : memref<1x128x64xi32, #tpu.memory_space<vmem>> -> memref<128x64xi32, #tpu.memory_space<vmem>>
    %dma_start3A_858 = arith.constant 0 : i32
    %dma_start3A_859 = tpu.memref_slice %arg4[%add3A_852, %dma_start3A_858] : memref<102400x64xi32, #tpu.memory_space<hbm>> -> memref<128x64xi32, #tpu.memory_space<hbm>>
    %dma_start3A_860 = arith.constant 0 : i32
    %dma_start3A_861 = tpu.memref_slice %arg4[%add3A_852, %dma_start3A_860] : memref<102400x64xi32, #tpu.memory_space<hbm>> -> memref<128x64xi32, #tpu.memory_space<hbm>>
    %dma_start3A_862 = arith.constant 0 : i32
    %dma_start3A_863 = arith.constant 0 : i32
    %dma_start3A_864 = tpu.memref_slice %arg7[%dma_start3A_853, %dma_start3A_862, %dma_start3A_863] : memref<2x128x64xi32, #tpu.memory_space<vmem>> -> memref<1x128x64xi32, #tpu.memory_space<vmem>>
    %dma_start3A_865 = tpu.memref_squeeze %dma_start3A_864 : memref<1x128x64xi32, #tpu.memory_space<vmem>> -> memref<128x64xi32, #tpu.memory_space<vmem>>
    tpu.enqueue_dma source(%dma_start3A_865 : memref<128x64xi32, #tpu.memory_space<vmem>>) target(%dma_start3A_861 : memref<128x64xi32, #tpu.memory_space<hbm>>) target_semaphore(%arg9 : memref<!tpu.dma_semaphore, #tpu.memory_space<semaphore_mem>>)
    %dma_wait3A_866 = arith.constant 1 : i32
    %dma_wait3A_867 = arith.constant 0 : i32
    %dma_wait3A_868 = arith.constant 0 : i32
    %dma_wait3A_869 = tpu.memref_slice %arg7[%dma_wait3A_866, %dma_wait3A_867, %dma_wait3A_868] : memref<2x128x64xi32, #tpu.memory_space<vmem>> -> memref<1x128x64xi32, #tpu.memory_space<vmem>>
    %dma_wait3A_870 = tpu.memref_squeeze %dma_wait3A_869 : memref<1x128x64xi32, #tpu.memory_space<vmem>> -> memref<128x64xi32, #tpu.memory_space<vmem>>
    %dma_wait3A_871 = arith.constant 0 : i32
    %dma_wait3A_872 = tpu.memref_slice %arg4[%add3A_852, %dma_wait3A_871] : memref<102400x64xi32, #tpu.memory_space<hbm>> -> memref<128x64xi32, #tpu.memory_space<hbm>>
    %dma_wait3A_873 = arith.constant 0 : i32
    %dma_wait3A_874 = tpu.memref_slice %arg4[%add3A_852, %dma_wait3A_873] : memref<102400x64xi32, #tpu.memory_space<hbm>> -> memref<128x64xi32, #tpu.memory_space<hbm>>
    %dma_wait3A_875 = arith.constant 0 : i32
    %dma_wait3A_876 = arith.constant 0 : i32
    %dma_wait3A_877 = tpu.memref_slice %arg7[%dma_wait3A_866, %dma_wait3A_875, %dma_wait3A_876] : memref<2x128x64xi32, #tpu.memory_space<vmem>> -> memref<1x128x64xi32, #tpu.memory_space<vmem>>
    %dma_wait3A_878 = tpu.memref_squeeze %dma_wait3A_877 : memref<1x128x64xi32, #tpu.memory_space<vmem>> -> memref<128x64xi32, #tpu.memory_space<vmem>>
    tpu.wait_dma2 semaphore(%arg9 : memref<!tpu.dma_semaphore, #tpu.memory_space<semaphore_mem>>) src(%dma_wait3A_878 : memref<128x64xi32, #tpu.memory_space<vmem>>) dst(%dma_wait3A_874 : memref<128x64xi32, #tpu.memory_space<hbm>>)
    %dma_start3A_879 = arith.constant 1 : i32
    %dma_start3A_880 = arith.constant 0 : i32
    %dma_start3A_881 = arith.constant 0 : i32
    %dma_start3A_882 = tpu.memref_slice %arg7[%dma_start3A_879, %dma_start3A_880, %dma_start3A_881] : memref<2x128x64xi32, #tpu.memory_space<vmem>> -> memref<1x128x64xi32, #tpu.memory_space<vmem>>
    %dma_start3A_883 = tpu.memref_squeeze %dma_start3A_882 : memref<1x128x64xi32, #tpu.memory_space<vmem>> -> memref<128x64xi32, #tpu.memory_space<vmem>>
    %dma_start3A_884 = arith.constant 2432 : i32
    %dma_start3A_885 = tpu.memref_slice %arg6[%dma_start3A_884] : memref<3200xi32, #tpu.memory_space<vmem>> -> memref<128xi32, #tpu.memory_space<vmem>>
    %dma_start3A_886 = arith.constant 0 : i32
    %dma_start3A_887 = arith.constant 0 : i32
    %dma_start3A_888 = tpu.memref_slice %arg5[%dma_start3A_886, %dma_start3A_887] : memref<25088x64xi32, #tpu.memory_space<vmem_shared>> -> memref<25088x64xi32, #tpu.memory_space<vmem_shared>>
    tpu.enqueue_indirect_dma source(%dma_start3A_888 : memref<25088x64xi32, #tpu.memory_space<vmem_shared>>) target(%dma_start3A_883 : memref<128x64xi32, #tpu.memory_space<vmem>>) offsets(%dma_start3A_885 : memref<128xi32, #tpu.memory_space<vmem>>) semaphore(%arg8 : memref<!tpu.dma_semaphore, #tpu.memory_space<semaphore_mem>>)
    %dma_wait3A_889 = arith.constant 0 : i32
    %dma_wait3A_890 = arith.constant 0 : i32
    %dma_wait3A_891 = arith.constant 0 : i32
    %dma_wait3A_892 = tpu.memref_slice %arg7[%dma_wait3A_889, %dma_wait3A_890, %dma_wait3A_891] : memref<2x128x64xi32, #tpu.memory_space<vmem>> -> memref<1x128x64xi32, #tpu.memory_space<vmem>>
    %dma_wait3A_893 = tpu.memref_squeeze %dma_wait3A_892 : memref<1x128x64xi32, #tpu.memory_space<vmem>> -> memref<128x64xi32, #tpu.memory_space<vmem>>
    %dma_wait3A_894 = arith.constant 2304 : i32
    %dma_wait3A_895 = tpu.memref_slice %arg6[%dma_wait3A_894] : memref<3200xi32, #tpu.memory_space<vmem>> -> memref<128xi32, #tpu.memory_space<vmem>>
    %dma_wait3A_896 = arith.constant 0 : i32
    %dma_wait3A_897 = arith.constant 0 : i32
    %dma_wait3A_898 = tpu.memref_slice %arg5[%dma_wait3A_896, %dma_wait3A_897] : memref<25088x64xi32, #tpu.memory_space<vmem_shared>> -> memref<25088x64xi32, #tpu.memory_space<vmem_shared>>
    tpu.wait_indirect_dma semaphore(%arg8 : memref<!tpu.dma_semaphore, #tpu.memory_space<semaphore_mem>>) src(%dma_wait3A_898 : memref<25088x64xi32, #tpu.memory_space<vmem_shared>>) dst(%dma_wait3A_893 : memref<128x64xi32, #tpu.memory_space<vmem>>)
    %add3A_899 = arith.constant 2304 : i32
    %add3A_900 = arith.addi %mul3A_2, %add3A_899 : i32
    %dma_start3A_901 = arith.constant 0 : i32
    %dma_start3A_902 = arith.constant 0 : i32
    %dma_start3A_903 = arith.constant 0 : i32
    %dma_start3A_904 = tpu.memref_slice %arg7[%dma_start3A_901, %dma_start3A_902, %dma_start3A_903] : memref<2x128x64xi32, #tpu.memory_space<vmem>> -> memref<1x128x64xi32, #tpu.memory_space<vmem>>
    %dma_start3A_905 = tpu.memref_squeeze %dma_start3A_904 : memref<1x128x64xi32, #tpu.memory_space<vmem>> -> memref<128x64xi32, #tpu.memory_space<vmem>>
    %dma_start3A_906 = arith.constant 0 : i32
    %dma_start3A_907 = tpu.memref_slice %arg4[%add3A_900, %dma_start3A_906] : memref<102400x64xi32, #tpu.memory_space<hbm>> -> memref<128x64xi32, #tpu.memory_space<hbm>>
    %dma_start3A_908 = arith.constant 0 : i32
    %dma_start3A_909 = tpu.memref_slice %arg4[%add3A_900, %dma_start3A_908] : memref<102400x64xi32, #tpu.memory_space<hbm>> -> memref<128x64xi32, #tpu.memory_space<hbm>>
    %dma_start3A_910 = arith.constant 0 : i32
    %dma_start3A_911 = arith.constant 0 : i32
    %dma_start3A_912 = tpu.memref_slice %arg7[%dma_start3A_901, %dma_start3A_910, %dma_start3A_911] : memref<2x128x64xi32, #tpu.memory_space<vmem>> -> memref<1x128x64xi32, #tpu.memory_space<vmem>>
    %dma_start3A_913 = tpu.memref_squeeze %dma_start3A_912 : memref<1x128x64xi32, #tpu.memory_space<vmem>> -> memref<128x64xi32, #tpu.memory_space<vmem>>
    tpu.enqueue_dma source(%dma_start3A_913 : memref<128x64xi32, #tpu.memory_space<vmem>>) target(%dma_start3A_909 : memref<128x64xi32, #tpu.memory_space<hbm>>) target_semaphore(%arg9 : memref<!tpu.dma_semaphore, #tpu.memory_space<semaphore_mem>>)
    %dma_wait3A_914 = arith.constant 0 : i32
    %dma_wait3A_915 = arith.constant 0 : i32
    %dma_wait3A_916 = arith.constant 0 : i32
    %dma_wait3A_917 = tpu.memref_slice %arg7[%dma_wait3A_914, %dma_wait3A_915, %dma_wait3A_916] : memref<2x128x64xi32, #tpu.memory_space<vmem>> -> memref<1x128x64xi32, #tpu.memory_space<vmem>>
    %dma_wait3A_918 = tpu.memref_squeeze %dma_wait3A_917 : memref<1x128x64xi32, #tpu.memory_space<vmem>> -> memref<128x64xi32, #tpu.memory_space<vmem>>
    %dma_wait3A_919 = arith.constant 0 : i32
    %dma_wait3A_920 = tpu.memref_slice %arg4[%add3A_900, %dma_wait3A_919] : memref<102400x64xi32, #tpu.memory_space<hbm>> -> memref<128x64xi32, #tpu.memory_space<hbm>>
    %dma_wait3A_921 = arith.constant 0 : i32
    %dma_wait3A_922 = tpu.memref_slice %arg4[%add3A_900, %dma_wait3A_921] : memref<102400x64xi32, #tpu.memory_space<hbm>> -> memref<128x64xi32, #tpu.memory_space<hbm>>
    %dma_wait3A_923 = arith.constant 0 : i32
    %dma_wait3A_924 = arith.constant 0 : i32
    %dma_wait3A_925 = tpu.memref_slice %arg7[%dma_wait3A_914, %dma_wait3A_923, %dma_wait3A_924] : memref<2x128x64xi32, #tpu.memory_space<vmem>> -> memref<1x128x64xi32, #tpu.memory_space<vmem>>
    %dma_wait3A_926 = tpu.memref_squeeze %dma_wait3A_925 : memref<1x128x64xi32, #tpu.memory_space<vmem>> -> memref<128x64xi32, #tpu.memory_space<vmem>>
    tpu.wait_dma2 semaphore(%arg9 : memref<!tpu.dma_semaphore, #tpu.memory_space<semaphore_mem>>) src(%dma_wait3A_926 : memref<128x64xi32, #tpu.memory_space<vmem>>) dst(%dma_wait3A_922 : memref<128x64xi32, #tpu.memory_space<hbm>>)
    %dma_start3A_927 = arith.constant 0 : i32
    %dma_start3A_928 = arith.constant 0 : i32
    %dma_start3A_929 = arith.constant 0 : i32
    %dma_start3A_930 = tpu.memref_slice %arg7[%dma_start3A_927, %dma_start3A_928, %dma_start3A_929] : memref<2x128x64xi32, #tpu.memory_space<vmem>> -> memref<1x128x64xi32, #tpu.memory_space<vmem>>
    %dma_start3A_931 = tpu.memref_squeeze %dma_start3A_930 : memref<1x128x64xi32, #tpu.memory_space<vmem>> -> memref<128x64xi32, #tpu.memory_space<vmem>>
    %dma_start3A_932 = arith.constant 2560 : i32
    %dma_start3A_933 = tpu.memref_slice %arg6[%dma_start3A_932] : memref<3200xi32, #tpu.memory_space<vmem>> -> memref<128xi32, #tpu.memory_space<vmem>>
    %dma_start3A_934 = arith.constant 0 : i32
    %dma_start3A_935 = arith.constant 0 : i32
    %dma_start3A_936 = tpu.memref_slice %arg5[%dma_start3A_934, %dma_start3A_935] : memref<25088x64xi32, #tpu.memory_space<vmem_shared>> -> memref<25088x64xi32, #tpu.memory_space<vmem_shared>>
    tpu.enqueue_indirect_dma source(%dma_start3A_936 : memref<25088x64xi32, #tpu.memory_space<vmem_shared>>) target(%dma_start3A_931 : memref<128x64xi32, #tpu.memory_space<vmem>>) offsets(%dma_start3A_933 : memref<128xi32, #tpu.memory_space<vmem>>) semaphore(%arg8 : memref<!tpu.dma_semaphore, #tpu.memory_space<semaphore_mem>>)
    %dma_wait3A_937 = arith.constant 1 : i32
    %dma_wait3A_938 = arith.constant 0 : i32
    %dma_wait3A_939 = arith.constant 0 : i32
    %dma_wait3A_940 = tpu.memref_slice %arg7[%dma_wait3A_937, %dma_wait3A_938, %dma_wait3A_939] : memref<2x128x64xi32, #tpu.memory_space<vmem>> -> memref<1x128x64xi32, #tpu.memory_space<vmem>>
    %dma_wait3A_941 = tpu.memref_squeeze %dma_wait3A_940 : memref<1x128x64xi32, #tpu.memory_space<vmem>> -> memref<128x64xi32, #tpu.memory_space<vmem>>
    %dma_wait3A_942 = arith.constant 2432 : i32
    %dma_wait3A_943 = tpu.memref_slice %arg6[%dma_wait3A_942] : memref<3200xi32, #tpu.memory_space<vmem>> -> memref<128xi32, #tpu.memory_space<vmem>>
    %dma_wait3A_944 = arith.constant 0 : i32
    %dma_wait3A_945 = arith.constant 0 : i32
    %dma_wait3A_946 = tpu.memref_slice %arg5[%dma_wait3A_944, %dma_wait3A_945] : memref<25088x64xi32, #tpu.memory_space<vmem_shared>> -> memref<25088x64xi32, #tpu.memory_space<vmem_shared>>
    tpu.wait_indirect_dma semaphore(%arg8 : memref<!tpu.dma_semaphore, #tpu.memory_space<semaphore_mem>>) src(%dma_wait3A_946 : memref<25088x64xi32, #tpu.memory_space<vmem_shared>>) dst(%dma_wait3A_941 : memref<128x64xi32, #tpu.memory_space<vmem>>)
    %add3A_947 = arith.constant 2432 : i32
    %add3A_948 = arith.addi %mul3A_2, %add3A_947 : i32
    %dma_start3A_949 = arith.constant 1 : i32
    %dma_start3A_950 = arith.constant 0 : i32
    %dma_start3A_951 = arith.constant 0 : i32
    %dma_start3A_952 = tpu.memref_slice %arg7[%dma_start3A_949, %dma_start3A_950, %dma_start3A_951] : memref<2x128x64xi32, #tpu.memory_space<vmem>> -> memref<1x128x64xi32, #tpu.memory_space<vmem>>
    %dma_start3A_953 = tpu.memref_squeeze %dma_start3A_952 : memref<1x128x64xi32, #tpu.memory_space<vmem>> -> memref<128x64xi32, #tpu.memory_space<vmem>>
    %dma_start3A_954 = arith.constant 0 : i32
    %dma_start3A_955 = tpu.memref_slice %arg4[%add3A_948, %dma_start3A_954] : memref<102400x64xi32, #tpu.memory_space<hbm>> -> memref<128x64xi32, #tpu.memory_space<hbm>>
    %dma_start3A_956 = arith.constant 0 : i32
    %dma_start3A_957 = tpu.memref_slice %arg4[%add3A_948, %dma_start3A_956] : memref<102400x64xi32, #tpu.memory_space<hbm>> -> memref<128x64xi32, #tpu.memory_space<hbm>>
    %dma_start3A_958 = arith.constant 0 : i32
    %dma_start3A_959 = arith.constant 0 : i32
    %dma_start3A_960 = tpu.memref_slice %arg7[%dma_start3A_949, %dma_start3A_958, %dma_start3A_959] : memref<2x128x64xi32, #tpu.memory_space<vmem>> -> memref<1x128x64xi32, #tpu.memory_space<vmem>>
    %dma_start3A_961 = tpu.memref_squeeze %dma_start3A_960 : memref<1x128x64xi32, #tpu.memory_space<vmem>> -> memref<128x64xi32, #tpu.memory_space<vmem>>
    tpu.enqueue_dma source(%dma_start3A_961 : memref<128x64xi32, #tpu.memory_space<vmem>>) target(%dma_start3A_957 : memref<128x64xi32, #tpu.memory_space<hbm>>) target_semaphore(%arg9 : memref<!tpu.dma_semaphore, #tpu.memory_space<semaphore_mem>>)
    %dma_wait3A_962 = arith.constant 1 : i32
    %dma_wait3A_963 = arith.constant 0 : i32
    %dma_wait3A_964 = arith.constant 0 : i32
    %dma_wait3A_965 = tpu.memref_slice %arg7[%dma_wait3A_962, %dma_wait3A_963, %dma_wait3A_964] : memref<2x128x64xi32, #tpu.memory_space<vmem>> -> memref<1x128x64xi32, #tpu.memory_space<vmem>>
    %dma_wait3A_966 = tpu.memref_squeeze %dma_wait3A_965 : memref<1x128x64xi32, #tpu.memory_space<vmem>> -> memref<128x64xi32, #tpu.memory_space<vmem>>
    %dma_wait3A_967 = arith.constant 0 : i32
    %dma_wait3A_968 = tpu.memref_slice %arg4[%add3A_948, %dma_wait3A_967] : memref<102400x64xi32, #tpu.memory_space<hbm>> -> memref<128x64xi32, #tpu.memory_space<hbm>>
    %dma_wait3A_969 = arith.constant 0 : i32
    %dma_wait3A_970 = tpu.memref_slice %arg4[%add3A_948, %dma_wait3A_969] : memref<102400x64xi32, #tpu.memory_space<hbm>> -> memref<128x64xi32, #tpu.memory_space<hbm>>
    %dma_wait3A_971 = arith.constant 0 : i32
    %dma_wait3A_972 = arith.constant 0 : i32
    %dma_wait3A_973 = tpu.memref_slice %arg7[%dma_wait3A_962, %dma_wait3A_971, %dma_wait3A_972] : memref<2x128x64xi32, #tpu.memory_space<vmem>> -> memref<1x128x64xi32, #tpu.memory_space<vmem>>
    %dma_wait3A_974 = tpu.memref_squeeze %dma_wait3A_973 : memref<1x128x64xi32, #tpu.memory_space<vmem>> -> memref<128x64xi32, #tpu.memory_space<vmem>>
    tpu.wait_dma2 semaphore(%arg9 : memref<!tpu.dma_semaphore, #tpu.memory_space<semaphore_mem>>) src(%dma_wait3A_974 : memref<128x64xi32, #tpu.memory_space<vmem>>) dst(%dma_wait3A_970 : memref<128x64xi32, #tpu.memory_space<hbm>>)
    %dma_start3A_975 = arith.constant 1 : i32
    %dma_start3A_976 = arith.constant 0 : i32
    %dma_start3A_977 = arith.constant 0 : i32
    %dma_start3A_978 = tpu.memref_slice %arg7[%dma_start3A_975, %dma_start3A_976, %dma_start3A_977] : memref<2x128x64xi32, #tpu.memory_space<vmem>> -> memref<1x128x64xi32, #tpu.memory_space<vmem>>
    %dma_start3A_979 = tpu.memref_squeeze %dma_start3A_978 : memref<1x128x64xi32, #tpu.memory_space<vmem>> -> memref<128x64xi32, #tpu.memory_space<vmem>>
    %dma_start3A_980 = arith.constant 2688 : i32
    %dma_start3A_981 = tpu.memref_slice %arg6[%dma_start3A_980] : memref<3200xi32, #tpu.memory_space<vmem>> -> memref<128xi32, #tpu.memory_space<vmem>>
    %dma_start3A_982 = arith.constant 0 : i32
    %dma_start3A_983 = arith.constant 0 : i32
    %dma_start3A_984 = tpu.memref_slice %arg5[%dma_start3A_982, %dma_start3A_983] : memref<25088x64xi32, #tpu.memory_space<vmem_shared>> -> memref<25088x64xi32, #tpu.memory_space<vmem_shared>>
    tpu.enqueue_indirect_dma source(%dma_start3A_984 : memref<25088x64xi32, #tpu.memory_space<vmem_shared>>) target(%dma_start3A_979 : memref<128x64xi32, #tpu.memory_space<vmem>>) offsets(%dma_start3A_981 : memref<128xi32, #tpu.memory_space<vmem>>) semaphore(%arg8 : memref<!tpu.dma_semaphore, #tpu.memory_space<semaphore_mem>>)
    %dma_wait3A_985 = arith.constant 0 : i32
    %dma_wait3A_986 = arith.constant 0 : i32
    %dma_wait3A_987 = arith.constant 0 : i32
    %dma_wait3A_988 = tpu.memref_slice %arg7[%dma_wait3A_985, %dma_wait3A_986, %dma_wait3A_987] : memref<2x128x64xi32, #tpu.memory_space<vmem>> -> memref<1x128x64xi32, #tpu.memory_space<vmem>>
    %dma_wait3A_989 = tpu.memref_squeeze %dma_wait3A_988 : memref<1x128x64xi32, #tpu.memory_space<vmem>> -> memref<128x64xi32, #tpu.memory_space<vmem>>
    %dma_wait3A_990 = arith.constant 2560 : i32
    %dma_wait3A_991 = tpu.memref_slice %arg6[%dma_wait3A_990] : memref<3200xi32, #tpu.memory_space<vmem>> -> memref<128xi32, #tpu.memory_space<vmem>>
    %dma_wait3A_992 = arith.constant 0 : i32
    %dma_wait3A_993 = arith.constant 0 : i32
    %dma_wait3A_994 = tpu.memref_slice %arg5[%dma_wait3A_992, %dma_wait3A_993] : memref<25088x64xi32, #tpu.memory_space<vmem_shared>> -> memref<25088x64xi32, #tpu.memory_space<vmem_shared>>
    tpu.wait_indirect_dma semaphore(%arg8 : memref<!tpu.dma_semaphore, #tpu.memory_space<semaphore_mem>>) src(%dma_wait3A_994 : memref<25088x64xi32, #tpu.memory_space<vmem_shared>>) dst(%dma_wait3A_989 : memref<128x64xi32, #tpu.memory_space<vmem>>)
    %add3A_995 = arith.constant 2560 : i32
    %add3A_996 = arith.addi %mul3A_2, %add3A_995 : i32
    %dma_start3A_997 = arith.constant 0 : i32
    %dma_start3A_998 = arith.constant 0 : i32
    %dma_start3A_999 = arith.constant 0 : i32
    %dma_start3A_1000 = tpu.memref_slice %arg7[%dma_start3A_997, %dma_start3A_998, %dma_start3A_999] : memref<2x128x64xi32, #tpu.memory_space<vmem>> -> memref<1x128x64xi32, #tpu.memory_space<vmem>>
    %dma_start3A_1001 = tpu.memref_squeeze %dma_start3A_1000 : memref<1x128x64xi32, #tpu.memory_space<vmem>> -> memref<128x64xi32, #tpu.memory_space<vmem>>
    %dma_start3A_1002 = arith.constant 0 : i32
    %dma_start3A_1003 = tpu.memref_slice %arg4[%add3A_996, %dma_start3A_1002] : memref<102400x64xi32, #tpu.memory_space<hbm>> -> memref<128x64xi32, #tpu.memory_space<hbm>>
    %dma_start3A_1004 = arith.constant 0 : i32
    %dma_start3A_1005 = tpu.memref_slice %arg4[%add3A_996, %dma_start3A_1004] : memref<102400x64xi32, #tpu.memory_space<hbm>> -> memref<128x64xi32, #tpu.memory_space<hbm>>
    %dma_start3A_1006 = arith.constant 0 : i32
    %dma_start3A_1007 = arith.constant 0 : i32
    %dma_start3A_1008 = tpu.memref_slice %arg7[%dma_start3A_997, %dma_start3A_1006, %dma_start3A_1007] : memref<2x128x64xi32, #tpu.memory_space<vmem>> -> memref<1x128x64xi32, #tpu.memory_space<vmem>>
    %dma_start3A_1009 = tpu.memref_squeeze %dma_start3A_1008 : memref<1x128x64xi32, #tpu.memory_space<vmem>> -> memref<128x64xi32, #tpu.memory_space<vmem>>
    tpu.enqueue_dma source(%dma_start3A_1009 : memref<128x64xi32, #tpu.memory_space<vmem>>) target(%dma_start3A_1005 : memref<128x64xi32, #tpu.memory_space<hbm>>) target_semaphore(%arg9 : memref<!tpu.dma_semaphore, #tpu.memory_space<semaphore_mem>>)
    %dma_wait3A_1010 = arith.constant 0 : i32
    %dma_wait3A_1011 = arith.constant 0 : i32
    %dma_wait3A_1012 = arith.constant 0 : i32
    %dma_wait3A_1013 = tpu.memref_slice %arg7[%dma_wait3A_1010, %dma_wait3A_1011, %dma_wait3A_1012] : memref<2x128x64xi32, #tpu.memory_space<vmem>> -> memref<1x128x64xi32, #tpu.memory_space<vmem>>
    %dma_wait3A_1014 = tpu.memref_squeeze %dma_wait3A_1013 : memref<1x128x64xi32, #tpu.memory_space<vmem>> -> memref<128x64xi32, #tpu.memory_space<vmem>>
    %dma_wait3A_1015 = arith.constant 0 : i32
    %dma_wait3A_1016 = tpu.memref_slice %arg4[%add3A_996, %dma_wait3A_1015] : memref<102400x64xi32, #tpu.memory_space<hbm>> -> memref<128x64xi32, #tpu.memory_space<hbm>>
    %dma_wait3A_1017 = arith.constant 0 : i32
    %dma_wait3A_1018 = tpu.memref_slice %arg4[%add3A_996, %dma_wait3A_1017] : memref<102400x64xi32, #tpu.memory_space<hbm>> -> memref<128x64xi32, #tpu.memory_space<hbm>>
    %dma_wait3A_1019 = arith.constant 0 : i32
    %dma_wait3A_1020 = arith.constant 0 : i32
    %dma_wait3A_1021 = tpu.memref_slice %arg7[%dma_wait3A_1010, %dma_wait3A_1019, %dma_wait3A_1020] : memref<2x128x64xi32, #tpu.memory_space<vmem>> -> memref<1x128x64xi32, #tpu.memory_space<vmem>>
    %dma_wait3A_1022 = tpu.memref_squeeze %dma_wait3A_1021 : memref<1x128x64xi32, #tpu.memory_space<vmem>> -> memref<128x64xi32, #tpu.memory_space<vmem>>
    tpu.wait_dma2 semaphore(%arg9 : memref<!tpu.dma_semaphore, #tpu.memory_space<semaphore_mem>>) src(%dma_wait3A_1022 : memref<128x64xi32, #tpu.memory_space<vmem>>) dst(%dma_wait3A_1018 : memref<128x64xi32, #tpu.memory_space<hbm>>)
    %dma_start3A_1023 = arith.constant 0 : i32
    %dma_start3A_1024 = arith.constant 0 : i32
    %dma_start3A_1025 = arith.constant 0 : i32
    %dma_start3A_1026 = tpu.memref_slice %arg7[%dma_start3A_1023, %dma_start3A_1024, %dma_start3A_1025] : memref<2x128x64xi32, #tpu.memory_space<vmem>> -> memref<1x128x64xi32, #tpu.memory_space<vmem>>
    %dma_start3A_1027 = tpu.memref_squeeze %dma_start3A_1026 : memref<1x128x64xi32, #tpu.memory_space<vmem>> -> memref<128x64xi32, #tpu.memory_space<vmem>>
    %dma_start3A_1028 = arith.constant 2816 : i32
    %dma_start3A_1029 = tpu.memref_slice %arg6[%dma_start3A_1028] : memref<3200xi32, #tpu.memory_space<vmem>> -> memref<128xi32, #tpu.memory_space<vmem>>
    %dma_start3A_1030 = arith.constant 0 : i32
    %dma_start3A_1031 = arith.constant 0 : i32
    %dma_start3A_1032 = tpu.memref_slice %arg5[%dma_start3A_1030, %dma_start3A_1031] : memref<25088x64xi32, #tpu.memory_space<vmem_shared>> -> memref<25088x64xi32, #tpu.memory_space<vmem_shared>>
    tpu.enqueue_indirect_dma source(%dma_start3A_1032 : memref<25088x64xi32, #tpu.memory_space<vmem_shared>>) target(%dma_start3A_1027 : memref<128x64xi32, #tpu.memory_space<vmem>>) offsets(%dma_start3A_1029 : memref<128xi32, #tpu.memory_space<vmem>>) semaphore(%arg8 : memref<!tpu.dma_semaphore, #tpu.memory_space<semaphore_mem>>)
    %dma_wait3A_1033 = arith.constant 1 : i32
    %dma_wait3A_1034 = arith.constant 0 : i32
    %dma_wait3A_1035 = arith.constant 0 : i32
    %dma_wait3A_1036 = tpu.memref_slice %arg7[%dma_wait3A_1033, %dma_wait3A_1034, %dma_wait3A_1035] : memref<2x128x64xi32, #tpu.memory_space<vmem>> -> memref<1x128x64xi32, #tpu.memory_space<vmem>>
    %dma_wait3A_1037 = tpu.memref_squeeze %dma_wait3A_1036 : memref<1x128x64xi32, #tpu.memory_space<vmem>> -> memref<128x64xi32, #tpu.memory_space<vmem>>
    %dma_wait3A_1038 = arith.constant 2688 : i32
    %dma_wait3A_1039 = tpu.memref_slice %arg6[%dma_wait3A_1038] : memref<3200xi32, #tpu.memory_space<vmem>> -> memref<128xi32, #tpu.memory_space<vmem>>
    %dma_wait3A_1040 = arith.constant 0 : i32
    %dma_wait3A_1041 = arith.constant 0 : i32
    %dma_wait3A_1042 = tpu.memref_slice %arg5[%dma_wait3A_1040, %dma_wait3A_1041] : memref<25088x64xi32, #tpu.memory_space<vmem_shared>> -> memref<25088x64xi32, #tpu.memory_space<vmem_shared>>
    tpu.wait_indirect_dma semaphore(%arg8 : memref<!tpu.dma_semaphore, #tpu.memory_space<semaphore_mem>>) src(%dma_wait3A_1042 : memref<25088x64xi32, #tpu.memory_space<vmem_shared>>) dst(%dma_wait3A_1037 : memref<128x64xi32, #tpu.memory_space<vmem>>)
    %add3A_1043 = arith.constant 2688 : i32
    %add3A_1044 = arith.addi %mul3A_2, %add3A_1043 : i32
    %dma_start3A_1045 = arith.constant 1 : i32
    %dma_start3A_1046 = arith.constant 0 : i32
    %dma_start3A_1047 = arith.constant 0 : i32
    %dma_start3A_1048 = tpu.memref_slice %arg7[%dma_start3A_1045, %dma_start3A_1046, %dma_start3A_1047] : memref<2x128x64xi32, #tpu.memory_space<vmem>> -> memref<1x128x64xi32, #tpu.memory_space<vmem>>
    %dma_start3A_1049 = tpu.memref_squeeze %dma_start3A_1048 : memref<1x128x64xi32, #tpu.memory_space<vmem>> -> memref<128x64xi32, #tpu.memory_space<vmem>>
    %dma_start3A_1050 = arith.constant 0 : i32
    %dma_start3A_1051 = tpu.memref_slice %arg4[%add3A_1044, %dma_start3A_1050] : memref<102400x64xi32, #tpu.memory_space<hbm>> -> memref<128x64xi32, #tpu.memory_space<hbm>>
    %dma_start3A_1052 = arith.constant 0 : i32
    %dma_start3A_1053 = tpu.memref_slice %arg4[%add3A_1044, %dma_start3A_1052] : memref<102400x64xi32, #tpu.memory_space<hbm>> -> memref<128x64xi32, #tpu.memory_space<hbm>>
    %dma_start3A_1054 = arith.constant 0 : i32
    %dma_start3A_1055 = arith.constant 0 : i32
    %dma_start3A_1056 = tpu.memref_slice %arg7[%dma_start3A_1045, %dma_start3A_1054, %dma_start3A_1055] : memref<2x128x64xi32, #tpu.memory_space<vmem>> -> memref<1x128x64xi32, #tpu.memory_space<vmem>>
    %dma_start3A_1057 = tpu.memref_squeeze %dma_start3A_1056 : memref<1x128x64xi32, #tpu.memory_space<vmem>> -> memref<128x64xi32, #tpu.memory_space<vmem>>
    tpu.enqueue_dma source(%dma_start3A_1057 : memref<128x64xi32, #tpu.memory_space<vmem>>) target(%dma_start3A_1053 : memref<128x64xi32, #tpu.memory_space<hbm>>) target_semaphore(%arg9 : memref<!tpu.dma_semaphore, #tpu.memory_space<semaphore_mem>>)
    %dma_wait3A_1058 = arith.constant 1 : i32
    %dma_wait3A_1059 = arith.constant 0 : i32
    %dma_wait3A_1060 = arith.constant 0 : i32
    %dma_wait3A_1061 = tpu.memref_slice %arg7[%dma_wait3A_1058, %dma_wait3A_1059, %dma_wait3A_1060] : memref<2x128x64xi32, #tpu.memory_space<vmem>> -> memref<1x128x64xi32, #tpu.memory_space<vmem>>
    %dma_wait3A_1062 = tpu.memref_squeeze %dma_wait3A_1061 : memref<1x128x64xi32, #tpu.memory_space<vmem>> -> memref<128x64xi32, #tpu.memory_space<vmem>>
    %dma_wait3A_1063 = arith.constant 0 : i32
    %dma_wait3A_1064 = tpu.memref_slice %arg4[%add3A_1044, %dma_wait3A_1063] : memref<102400x64xi32, #tpu.memory_space<hbm>> -> memref<128x64xi32, #tpu.memory_space<hbm>>
    %dma_wait3A_1065 = arith.constant 0 : i32
    %dma_wait3A_1066 = tpu.memref_slice %arg4[%add3A_1044, %dma_wait3A_1065] : memref<102400x64xi32, #tpu.memory_space<hbm>> -> memref<128x64xi32, #tpu.memory_space<hbm>>
    %dma_wait3A_1067 = arith.constant 0 : i32
    %dma_wait3A_1068 = arith.constant 0 : i32
    %dma_wait3A_1069 = tpu.memref_slice %arg7[%dma_wait3A_1058, %dma_wait3A_1067, %dma_wait3A_1068] : memref<2x128x64xi32, #tpu.memory_space<vmem>> -> memref<1x128x64xi32, #tpu.memory_space<vmem>>
    %dma_wait3A_1070 = tpu.memref_squeeze %dma_wait3A_1069 : memref<1x128x64xi32, #tpu.memory_space<vmem>> -> memref<128x64xi32, #tpu.memory_space<vmem>>
    tpu.wait_dma2 semaphore(%arg9 : memref<!tpu.dma_semaphore, #tpu.memory_space<semaphore_mem>>) src(%dma_wait3A_1070 : memref<128x64xi32, #tpu.memory_space<vmem>>) dst(%dma_wait3A_1066 : memref<128x64xi32, #tpu.memory_space<hbm>>)
    %dma_start3A_1071 = arith.constant 1 : i32
    %dma_start3A_1072 = arith.constant 0 : i32
    %dma_start3A_1073 = arith.constant 0 : i32
    %dma_start3A_1074 = tpu.memref_slice %arg7[%dma_start3A_1071, %dma_start3A_1072, %dma_start3A_1073] : memref<2x128x64xi32, #tpu.memory_space<vmem>> -> memref<1x128x64xi32, #tpu.memory_space<vmem>>
    %dma_start3A_1075 = tpu.memref_squeeze %dma_start3A_1074 : memref<1x128x64xi32, #tpu.memory_space<vmem>> -> memref<128x64xi32, #tpu.memory_space<vmem>>
    %dma_start3A_1076 = arith.constant 2944 : i32
    %dma_start3A_1077 = tpu.memref_slice %arg6[%dma_start3A_1076] : memref<3200xi32, #tpu.memory_space<vmem>> -> memref<128xi32, #tpu.memory_space<vmem>>
    %dma_start3A_1078 = arith.constant 0 : i32
    %dma_start3A_1079 = arith.constant 0 : i32
    %dma_start3A_1080 = tpu.memref_slice %arg5[%dma_start3A_1078, %dma_start3A_1079] : memref<25088x64xi32, #tpu.memory_space<vmem_shared>> -> memref<25088x64xi32, #tpu.memory_space<vmem_shared>>
    tpu.enqueue_indirect_dma source(%dma_start3A_1080 : memref<25088x64xi32, #tpu.memory_space<vmem_shared>>) target(%dma_start3A_1075 : memref<128x64xi32, #tpu.memory_space<vmem>>) offsets(%dma_start3A_1077 : memref<128xi32, #tpu.memory_space<vmem>>) semaphore(%arg8 : memref<!tpu.dma_semaphore, #tpu.memory_space<semaphore_mem>>)
    %dma_wait3A_1081 = arith.constant 0 : i32
    %dma_wait3A_1082 = arith.constant 0 : i32
    %dma_wait3A_1083 = arith.constant 0 : i32
    %dma_wait3A_1084 = tpu.memref_slice %arg7[%dma_wait3A_1081, %dma_wait3A_1082, %dma_wait3A_1083] : memref<2x128x64xi32, #tpu.memory_space<vmem>> -> memref<1x128x64xi32, #tpu.memory_space<vmem>>
    %dma_wait3A_1085 = tpu.memref_squeeze %dma_wait3A_1084 : memref<1x128x64xi32, #tpu.memory_space<vmem>> -> memref<128x64xi32, #tpu.memory_space<vmem>>
    %dma_wait3A_1086 = arith.constant 2816 : i32
    %dma_wait3A_1087 = tpu.memref_slice %arg6[%dma_wait3A_1086] : memref<3200xi32, #tpu.memory_space<vmem>> -> memref<128xi32, #tpu.memory_space<vmem>>
    %dma_wait3A_1088 = arith.constant 0 : i32
    %dma_wait3A_1089 = arith.constant 0 : i32
    %dma_wait3A_1090 = tpu.memref_slice %arg5[%dma_wait3A_1088, %dma_wait3A_1089] : memref<25088x64xi32, #tpu.memory_space<vmem_shared>> -> memref<25088x64xi32, #tpu.memory_space<vmem_shared>>
    tpu.wait_indirect_dma semaphore(%arg8 : memref<!tpu.dma_semaphore, #tpu.memory_space<semaphore_mem>>) src(%dma_wait3A_1090 : memref<25088x64xi32, #tpu.memory_space<vmem_shared>>) dst(%dma_wait3A_1085 : memref<128x64xi32, #tpu.memory_space<vmem>>)
    %add3A_1091 = arith.constant 2816 : i32
    %add3A_1092 = arith.addi %mul3A_2, %add3A_1091 : i32
    %dma_start3A_1093 = arith.constant 0 : i32
    %dma_start3A_1094 = arith.constant 0 : i32
    %dma_start3A_1095 = arith.constant 0 : i32
    %dma_start3A_1096 = tpu.memref_slice %arg7[%dma_start3A_1093, %dma_start3A_1094, %dma_start3A_1095] : memref<2x128x64xi32, #tpu.memory_space<vmem>> -> memref<1x128x64xi32, #tpu.memory_space<vmem>>
    %dma_start3A_1097 = tpu.memref_squeeze %dma_start3A_1096 : memref<1x128x64xi32, #tpu.memory_space<vmem>> -> memref<128x64xi32, #tpu.memory_space<vmem>>
    %dma_start3A_1098 = arith.constant 0 : i32
    %dma_start3A_1099 = tpu.memref_slice %arg4[%add3A_1092, %dma_start3A_1098] : memref<102400x64xi32, #tpu.memory_space<hbm>> -> memref<128x64xi32, #tpu.memory_space<hbm>>
    %dma_start3A_1100 = arith.constant 0 : i32
    %dma_start3A_1101 = tpu.memref_slice %arg4[%add3A_1092, %dma_start3A_1100] : memref<102400x64xi32, #tpu.memory_space<hbm>> -> memref<128x64xi32, #tpu.memory_space<hbm>>
    %dma_start3A_1102 = arith.constant 0 : i32
    %dma_start3A_1103 = arith.constant 0 : i32
    %dma_start3A_1104 = tpu.memref_slice %arg7[%dma_start3A_1093, %dma_start3A_1102, %dma_start3A_1103] : memref<2x128x64xi32, #tpu.memory_space<vmem>> -> memref<1x128x64xi32, #tpu.memory_space<vmem>>
    %dma_start3A_1105 = tpu.memref_squeeze %dma_start3A_1104 : memref<1x128x64xi32, #tpu.memory_space<vmem>> -> memref<128x64xi32, #tpu.memory_space<vmem>>
    tpu.enqueue_dma source(%dma_start3A_1105 : memref<128x64xi32, #tpu.memory_space<vmem>>) target(%dma_start3A_1101 : memref<128x64xi32, #tpu.memory_space<hbm>>) target_semaphore(%arg9 : memref<!tpu.dma_semaphore, #tpu.memory_space<semaphore_mem>>)
    %dma_wait3A_1106 = arith.constant 0 : i32
    %dma_wait3A_1107 = arith.constant 0 : i32
    %dma_wait3A_1108 = arith.constant 0 : i32
    %dma_wait3A_1109 = tpu.memref_slice %arg7[%dma_wait3A_1106, %dma_wait3A_1107, %dma_wait3A_1108] : memref<2x128x64xi32, #tpu.memory_space<vmem>> -> memref<1x128x64xi32, #tpu.memory_space<vmem>>
    %dma_wait3A_1110 = tpu.memref_squeeze %dma_wait3A_1109 : memref<1x128x64xi32, #tpu.memory_space<vmem>> -> memref<128x64xi32, #tpu.memory_space<vmem>>
    %dma_wait3A_1111 = arith.constant 0 : i32
    %dma_wait3A_1112 = tpu.memref_slice %arg4[%add3A_1092, %dma_wait3A_1111] : memref<102400x64xi32, #tpu.memory_space<hbm>> -> memref<128x64xi32, #tpu.memory_space<hbm>>
    %dma_wait3A_1113 = arith.constant 0 : i32
    %dma_wait3A_1114 = tpu.memref_slice %arg4[%add3A_1092, %dma_wait3A_1113] : memref<102400x64xi32, #tpu.memory_space<hbm>> -> memref<128x64xi32, #tpu.memory_space<hbm>>
    %dma_wait3A_1115 = arith.constant 0 : i32
    %dma_wait3A_1116 = arith.constant 0 : i32
    %dma_wait3A_1117 = tpu.memref_slice %arg7[%dma_wait3A_1106, %dma_wait3A_1115, %dma_wait3A_1116] : memref<2x128x64xi32, #tpu.memory_space<vmem>> -> memref<1x128x64xi32, #tpu.memory_space<vmem>>
    %dma_wait3A_1118 = tpu.memref_squeeze %dma_wait3A_1117 : memref<1x128x64xi32, #tpu.memory_space<vmem>> -> memref<128x64xi32, #tpu.memory_space<vmem>>
    tpu.wait_dma2 semaphore(%arg9 : memref<!tpu.dma_semaphore, #tpu.memory_space<semaphore_mem>>) src(%dma_wait3A_1118 : memref<128x64xi32, #tpu.memory_space<vmem>>) dst(%dma_wait3A_1114 : memref<128x64xi32, #tpu.memory_space<hbm>>)
    %dma_start3A_1119 = arith.constant 0 : i32
    %dma_start3A_1120 = arith.constant 0 : i32
    %dma_start3A_1121 = arith.constant 0 : i32
    %dma_start3A_1122 = tpu.memref_slice %arg7[%dma_start3A_1119, %dma_start3A_1120, %dma_start3A_1121] : memref<2x128x64xi32, #tpu.memory_space<vmem>> -> memref<1x128x64xi32, #tpu.memory_space<vmem>>
    %dma_start3A_1123 = tpu.memref_squeeze %dma_start3A_1122 : memref<1x128x64xi32, #tpu.memory_space<vmem>> -> memref<128x64xi32, #tpu.memory_space<vmem>>
    %dma_start3A_1124 = arith.constant 3072 : i32
    %dma_start3A_1125 = tpu.memref_slice %arg6[%dma_start3A_1124] : memref<3200xi32, #tpu.memory_space<vmem>> -> memref<128xi32, #tpu.memory_space<vmem>>
    %dma_start3A_1126 = arith.constant 0 : i32
    %dma_start3A_1127 = arith.constant 0 : i32
    %dma_start3A_1128 = tpu.memref_slice %arg5[%dma_start3A_1126, %dma_start3A_1127] : memref<25088x64xi32, #tpu.memory_space<vmem_shared>> -> memref<25088x64xi32, #tpu.memory_space<vmem_shared>>
    tpu.enqueue_indirect_dma source(%dma_start3A_1128 : memref<25088x64xi32, #tpu.memory_space<vmem_shared>>) target(%dma_start3A_1123 : memref<128x64xi32, #tpu.memory_space<vmem>>) offsets(%dma_start3A_1125 : memref<128xi32, #tpu.memory_space<vmem>>) semaphore(%arg8 : memref<!tpu.dma_semaphore, #tpu.memory_space<semaphore_mem>>)
    %dma_wait3A_1129 = arith.constant 1 : i32
    %dma_wait3A_1130 = arith.constant 0 : i32
    %dma_wait3A_1131 = arith.constant 0 : i32
    %dma_wait3A_1132 = tpu.memref_slice %arg7[%dma_wait3A_1129, %dma_wait3A_1130, %dma_wait3A_1131] : memref<2x128x64xi32, #tpu.memory_space<vmem>> -> memref<1x128x64xi32, #tpu.memory_space<vmem>>
    %dma_wait3A_1133 = tpu.memref_squeeze %dma_wait3A_1132 : memref<1x128x64xi32, #tpu.memory_space<vmem>> -> memref<128x64xi32, #tpu.memory_space<vmem>>
    %dma_wait3A_1134 = arith.constant 2944 : i32
    %dma_wait3A_1135 = tpu.memref_slice %arg6[%dma_wait3A_1134] : memref<3200xi32, #tpu.memory_space<vmem>> -> memref<128xi32, #tpu.memory_space<vmem>>
    %dma_wait3A_1136 = arith.constant 0 : i32
    %dma_wait3A_1137 = arith.constant 0 : i32
    %dma_wait3A_1138 = tpu.memref_slice %arg5[%dma_wait3A_1136, %dma_wait3A_1137] : memref<25088x64xi32, #tpu.memory_space<vmem_shared>> -> memref<25088x64xi32, #tpu.memory_space<vmem_shared>>
    tpu.wait_indirect_dma semaphore(%arg8 : memref<!tpu.dma_semaphore, #tpu.memory_space<semaphore_mem>>) src(%dma_wait3A_1138 : memref<25088x64xi32, #tpu.memory_space<vmem_shared>>) dst(%dma_wait3A_1133 : memref<128x64xi32, #tpu.memory_space<vmem>>)
    %add3A_1139 = arith.constant 2944 : i32
    %add3A_1140 = arith.addi %mul3A_2, %add3A_1139 : i32
    %dma_start3A_1141 = arith.constant 1 : i32
    %dma_start3A_1142 = arith.constant 0 : i32
    %dma_start3A_1143 = arith.constant 0 : i32
    %dma_start3A_1144 = tpu.memref_slice %arg7[%dma_start3A_1141, %dma_start3A_1142, %dma_start3A_1143] : memref<2x128x64xi32, #tpu.memory_space<vmem>> -> memref<1x128x64xi32, #tpu.memory_space<vmem>>
    %dma_start3A_1145 = tpu.memref_squeeze %dma_start3A_1144 : memref<1x128x64xi32, #tpu.memory_space<vmem>> -> memref<128x64xi32, #tpu.memory_space<vmem>>
    %dma_start3A_1146 = arith.constant 0 : i32
    %dma_start3A_1147 = tpu.memref_slice %arg4[%add3A_1140, %dma_start3A_1146] : memref<102400x64xi32, #tpu.memory_space<hbm>> -> memref<128x64xi32, #tpu.memory_space<hbm>>
    %dma_start3A_1148 = arith.constant 0 : i32
    %dma_start3A_1149 = tpu.memref_slice %arg4[%add3A_1140, %dma_start3A_1148] : memref<102400x64xi32, #tpu.memory_space<hbm>> -> memref<128x64xi32, #tpu.memory_space<hbm>>
    %dma_start3A_1150 = arith.constant 0 : i32
    %dma_start3A_1151 = arith.constant 0 : i32
    %dma_start3A_1152 = tpu.memref_slice %arg7[%dma_start3A_1141, %dma_start3A_1150, %dma_start3A_1151] : memref<2x128x64xi32, #tpu.memory_space<vmem>> -> memref<1x128x64xi32, #tpu.memory_space<vmem>>
    %dma_start3A_1153 = tpu.memref_squeeze %dma_start3A_1152 : memref<1x128x64xi32, #tpu.memory_space<vmem>> -> memref<128x64xi32, #tpu.memory_space<vmem>>
    tpu.enqueue_dma source(%dma_start3A_1153 : memref<128x64xi32, #tpu.memory_space<vmem>>) target(%dma_start3A_1149 : memref<128x64xi32, #tpu.memory_space<hbm>>) target_semaphore(%arg9 : memref<!tpu.dma_semaphore, #tpu.memory_space<semaphore_mem>>)
    %dma_wait3A_1154 = arith.constant 0 : i32
    %dma_wait3A_1155 = arith.constant 0 : i32
    %dma_wait3A_1156 = arith.constant 0 : i32
    %dma_wait3A_1157 = tpu.memref_slice %arg7[%dma_wait3A_1154, %dma_wait3A_1155, %dma_wait3A_1156] : memref<2x128x64xi32, #tpu.memory_space<vmem>> -> memref<1x128x64xi32, #tpu.memory_space<vmem>>
    %dma_wait3A_1158 = tpu.memref_squeeze %dma_wait3A_1157 : memref<1x128x64xi32, #tpu.memory_space<vmem>> -> memref<128x64xi32, #tpu.memory_space<vmem>>
    %dma_wait3A_1159 = arith.constant 3072 : i32
    %dma_wait3A_1160 = tpu.memref_slice %arg6[%dma_wait3A_1159] : memref<3200xi32, #tpu.memory_space<vmem>> -> memref<128xi32, #tpu.memory_space<vmem>>
    %dma_wait3A_1161 = arith.constant 0 : i32
    %dma_wait3A_1162 = arith.constant 0 : i32
    %dma_wait3A_1163 = tpu.memref_slice %arg5[%dma_wait3A_1161, %dma_wait3A_1162] : memref<25088x64xi32, #tpu.memory_space<vmem_shared>> -> memref<25088x64xi32, #tpu.memory_space<vmem_shared>>
    tpu.wait_indirect_dma semaphore(%arg8 : memref<!tpu.dma_semaphore, #tpu.memory_space<semaphore_mem>>) src(%dma_wait3A_1163 : memref<25088x64xi32, #tpu.memory_space<vmem_shared>>) dst(%dma_wait3A_1158 : memref<128x64xi32, #tpu.memory_space<vmem>>)
    %add3A_1164 = arith.constant 3072 : i32
    %add3A_1165 = arith.addi %mul3A_2, %add3A_1164 : i32
    %dma_start3A_1166 = arith.constant 0 : i32
    %dma_start3A_1167 = arith.constant 0 : i32
    %dma_start3A_1168 = arith.constant 0 : i32
    %dma_start3A_1169 = tpu.memref_slice %arg7[%dma_start3A_1166, %dma_start3A_1167, %dma_start3A_1168] : memref<2x128x64xi32, #tpu.memory_space<vmem>> -> memref<1x128x64xi32, #tpu.memory_space<vmem>>
    %dma_start3A_1170 = tpu.memref_squeeze %dma_start3A_1169 : memref<1x128x64xi32, #tpu.memory_space<vmem>> -> memref<128x64xi32, #tpu.memory_space<vmem>>
    %dma_start3A_1171 = arith.constant 0 : i32
    %dma_start3A_1172 = tpu.memref_slice %arg4[%add3A_1165, %dma_start3A_1171] : memref<102400x64xi32, #tpu.memory_space<hbm>> -> memref<128x64xi32, #tpu.memory_space<hbm>>
    %dma_start3A_1173 = arith.constant 0 : i32
    %dma_start3A_1174 = tpu.memref_slice %arg4[%add3A_1165, %dma_start3A_1173] : memref<102400x64xi32, #tpu.memory_space<hbm>> -> memref<128x64xi32, #tpu.memory_space<hbm>>
    %dma_start3A_1175 = arith.constant 0 : i32
    %dma_start3A_1176 = arith.constant 0 : i32
    %dma_start3A_1177 = tpu.memref_slice %arg7[%dma_start3A_1166, %dma_start3A_1175, %dma_start3A_1176] : memref<2x128x64xi32, #tpu.memory_space<vmem>> -> memref<1x128x64xi32, #tpu.memory_space<vmem>>
    %dma_start3A_1178 = tpu.memref_squeeze %dma_start3A_1177 : memref<1x128x64xi32, #tpu.memory_space<vmem>> -> memref<128x64xi32, #tpu.memory_space<vmem>>
    tpu.enqueue_dma source(%dma_start3A_1178 : memref<128x64xi32, #tpu.memory_space<vmem>>) target(%dma_start3A_1174 : memref<128x64xi32, #tpu.memory_space<hbm>>) target_semaphore(%arg9 : memref<!tpu.dma_semaphore, #tpu.memory_space<semaphore_mem>>)
    %dma_wait3A_1179 = arith.constant 1 : i32
    %dma_wait3A_1180 = arith.constant 0 : i32
    %dma_wait3A_1181 = arith.constant 0 : i32
    %dma_wait3A_1182 = tpu.memref_slice %arg7[%dma_wait3A_1179, %dma_wait3A_1180, %dma_wait3A_1181] : memref<2x128x64xi32, #tpu.memory_space<vmem>> -> memref<1x128x64xi32, #tpu.memory_space<vmem>>
    %dma_wait3A_1183 = tpu.memref_squeeze %dma_wait3A_1182 : memref<1x128x64xi32, #tpu.memory_space<vmem>> -> memref<128x64xi32, #tpu.memory_space<vmem>>
    %dma_wait3A_1184 = arith.constant 0 : i32
    %dma_wait3A_1185 = tpu.memref_slice %arg4[%add3A_1140, %dma_wait3A_1184] : memref<102400x64xi32, #tpu.memory_space<hbm>> -> memref<128x64xi32, #tpu.memory_space<hbm>>
    %dma_wait3A_1186 = arith.constant 0 : i32
    %dma_wait3A_1187 = tpu.memref_slice %arg4[%add3A_1140, %dma_wait3A_1186] : memref<102400x64xi32, #tpu.memory_space<hbm>> -> memref<128x64xi32, #tpu.memory_space<hbm>>
    %dma_wait3A_1188 = arith.constant 0 : i32
    %dma_wait3A_1189 = arith.constant 0 : i32
    %dma_wait3A_1190 = tpu.memref_slice %arg7[%dma_wait3A_1179, %dma_wait3A_1188, %dma_wait3A_1189] : memref<2x128x64xi32, #tpu.memory_space<vmem>> -> memref<1x128x64xi32, #tpu.memory_space<vmem>>
    %dma_wait3A_1191 = tpu.memref_squeeze %dma_wait3A_1190 : memref<1x128x64xi32, #tpu.memory_space<vmem>> -> memref<128x64xi32, #tpu.memory_space<vmem>>
    tpu.wait_dma2 semaphore(%arg9 : memref<!tpu.dma_semaphore, #tpu.memory_space<semaphore_mem>>) src(%dma_wait3A_1191 : memref<128x64xi32, #tpu.memory_space<vmem>>) dst(%dma_wait3A_1187 : memref<128x64xi32, #tpu.memory_space<hbm>>)
    %dma_wait3A_1192 = arith.constant 0 : i32
    %dma_wait3A_1193 = arith.constant 0 : i32
    %dma_wait3A_1194 = arith.constant 0 : i32
    %dma_wait3A_1195 = tpu.memref_slice %arg7[%dma_wait3A_1192, %dma_wait3A_1193, %dma_wait3A_1194] : memref<2x128x64xi32, #tpu.memory_space<vmem>> -> memref<1x128x64xi32, #tpu.memory_space<vmem>>
    %dma_wait3A_1196 = tpu.memref_squeeze %dma_wait3A_1195 : memref<1x128x64xi32, #tpu.memory_space<vmem>> -> memref<128x64xi32, #tpu.memory_space<vmem>>
    %dma_wait3A_1197 = arith.constant 0 : i32
    %dma_wait3A_1198 = tpu.memref_slice %arg4[%add3A_1165, %dma_wait3A_1197] : memref<102400x64xi32, #tpu.memory_space<hbm>> -> memref<128x64xi32, #tpu.memory_space<hbm>>
    %dma_wait3A_1199 = arith.constant 0 : i32
    %dma_wait3A_1200 = tpu.memref_slice %arg4[%add3A_1165, %dma_wait3A_1199] : memref<102400x64xi32, #tpu.memory_space<hbm>> -> memref<128x64xi32, #tpu.memory_space<hbm>>
    %dma_wait3A_1201 = arith.constant 0 : i32
    %dma_wait3A_1202 = arith.constant 0 : i32
    %dma_wait3A_1203 = tpu.memref_slice %arg7[%dma_wait3A_1192, %dma_wait3A_1201, %dma_wait3A_1202] : memref<2x128x64xi32, #tpu.memory_space<vmem>> -> memref<1x128x64xi32, #tpu.memory_space<vmem>>
    %dma_wait3A_1204 = tpu.memref_squeeze %dma_wait3A_1203 : memref<1x128x64xi32, #tpu.memory_space<vmem>> -> memref<128x64xi32, #tpu.memory_space<vmem>>
    tpu.wait_dma2 semaphore(%arg9 : memref<!tpu.dma_semaphore, #tpu.memory_space<semaphore_mem>>) src(%dma_wait3A_1204 : memref<128x64xi32, #tpu.memory_space<vmem>>) dst(%dma_wait3A_1200 : memref<128x64xi32, #tpu.memory_space<hbm>>)
    return
  }
}

#map = affine_map<(d0, d1) -> (0, 0)>
#map1 = affine_map<(d0, d1) -> (0)>
module attributes {stable_mosaic.version = 14 : i64} {
  func.func @gather(%arg0: i32, %arg1: i32, %arg2: memref<6272x64xi32, #tpu.memory_space<hbm>>, %arg3: memref<28672xi32, #tpu.memory_space<hbm>>, %arg4: memref<28672x64xi32, #tpu.memory_space<hbm>>, %arg5: memref<6272x64xi32, #tpu.memory_space<vmem_shared>>, %arg6: memref<896xi32, #tpu.memory_space<vmem>>, %arg7: memref<6x128x64xi32, #tpu.memory_space<vmem>>, %arg8: memref<!tpu.dma_semaphore, #tpu.memory_space<semaphore_mem>>, %arg9: memref<!tpu.dma_semaphore, #tpu.memory_space<semaphore_mem>>) attributes {dimension_semantics = [#tpu.dimension_semantics<core_parallel>, #tpu.dimension_semantics<subcore_parallel>], iteration_bounds = array<i64: 2, 16>, scalar_prefetch = 0 : i64, scratch_operands = 5 : i64, tpu.core_type = #tpu.core_type<sc_vector_subcore>, window_params = [{transform_indices = #map}, {transform_indices = #map1}, {transform_indices = #map}]} {
    %mul3A = arith.constant 2 : i32
    %mul3A_0 = arith.muli %arg1, %mul3A : i32
    %add3A = arith.addi %mul3A_0, %arg0 : i32
    %mul3A_1 = arith.constant 896 : i32
    %mul3A_2 = arith.muli %add3A, %mul3A_1 : i32
    %mul3A_3 = arith.constant 392 : i32
    %mul3A_4 = arith.muli %arg1, %mul3A_3 : i32
    %mul3A_5 = arith.constant 392 : i32
    %mul3A_6 = arith.muli %arg1, %mul3A_5 : i32
    "tpu.region"() ({
      %run_scoped3A = tpu.sem_alloc : memref<!tpu.dma_semaphore, #tpu.memory_space<semaphore_mem>>
      %dma_start3A_341 = arith.constant 0 : i32
      %dma_start3A_342 = tpu.memref_slice %arg5[%mul3A_6, %dma_start3A_341] : memref<6272x64xi32, #tpu.memory_space<vmem_shared>> -> memref<392x64xi32, #tpu.memory_space<vmem_shared>>
      %dma_start3A_343 = arith.constant 0 : i32
      %dma_start3A_344 = tpu.memref_slice %arg2[%mul3A_4, %dma_start3A_343] : memref<6272x64xi32, #tpu.memory_space<hbm>> -> memref<392x64xi32, #tpu.memory_space<hbm>>
      tpu.enqueue_dma source(%dma_start3A_344 : memref<392x64xi32, #tpu.memory_space<hbm>>) target(%dma_start3A_342 : memref<392x64xi32, #tpu.memory_space<vmem_shared>>) target_semaphore(%run_scoped3A : memref<!tpu.dma_semaphore, #tpu.memory_space<semaphore_mem>>)
      %dma_wait3A_345 = arith.constant 0 : i32
      %dma_wait3A_346 = tpu.memref_slice %arg5[%mul3A_6, %dma_wait3A_345] : memref<6272x64xi32, #tpu.memory_space<vmem_shared>> -> memref<392x64xi32, #tpu.memory_space<vmem_shared>>
      %dma_wait3A_347 = arith.constant 0 : i32
      %dma_wait3A_348 = tpu.memref_slice %arg2[%mul3A_4, %dma_wait3A_347] : memref<6272x64xi32, #tpu.memory_space<hbm>> -> memref<392x64xi32, #tpu.memory_space<hbm>>
      tpu.wait_dma2 semaphore(%run_scoped3A : memref<!tpu.dma_semaphore, #tpu.memory_space<semaphore_mem>>) src(%dma_wait3A_348 : memref<392x64xi32, #tpu.memory_space<hbm>>) dst(%dma_wait3A_346 : memref<392x64xi32, #tpu.memory_space<vmem_shared>>)
      tpu.yield
    }) : () -> ()
    "tpu.region"() ({
      %run_scoped3A = tpu.sem_alloc : memref<!tpu.dma_semaphore, #tpu.memory_space<semaphore_mem>>
      %dma_start3A_341 = tpu.memref_slice %arg3[%mul3A_2] : memref<28672xi32, #tpu.memory_space<hbm>> -> memref<896xi32, #tpu.memory_space<hbm>>
      %dma_start3A_342 = tpu.memref_slice %arg3[%mul3A_2] : memref<28672xi32, #tpu.memory_space<hbm>> -> memref<896xi32, #tpu.memory_space<hbm>>
      tpu.enqueue_dma source(%dma_start3A_342 : memref<896xi32, #tpu.memory_space<hbm>>) target(%arg6 : memref<896xi32, #tpu.memory_space<vmem>>) target_semaphore(%run_scoped3A : memref<!tpu.dma_semaphore, #tpu.memory_space<semaphore_mem>>)
      %dma_wait3A_343 = tpu.memref_slice %arg3[%mul3A_2] : memref<28672xi32, #tpu.memory_space<hbm>> -> memref<896xi32, #tpu.memory_space<hbm>>
      %dma_wait3A_344 = tpu.memref_slice %arg3[%mul3A_2] : memref<28672xi32, #tpu.memory_space<hbm>> -> memref<896xi32, #tpu.memory_space<hbm>>
      tpu.wait_dma2 semaphore(%run_scoped3A : memref<!tpu.dma_semaphore, #tpu.memory_space<semaphore_mem>>) src(%dma_wait3A_344 : memref<896xi32, #tpu.memory_space<hbm>>) dst(%arg6 : memref<896xi32, #tpu.memory_space<vmem>>)
      tpu.yield
    }) : () -> ()
    %barrier3A = arith.constant 0 : index
    tpu.barrier barrier_id(%barrier3A)
    %dma_start3A = arith.constant 0 : i32
    %dma_start3A_7 = arith.constant 0 : i32
    %dma_start3A_8 = arith.constant 0 : i32
    %dma_start3A_9 = tpu.memref_slice %arg7[%dma_start3A, %dma_start3A_7, %dma_start3A_8] : memref<6x128x64xi32, #tpu.memory_space<vmem>> -> memref<1x128x64xi32, #tpu.memory_space<vmem>>
    %dma_start3A_10 = tpu.memref_squeeze %dma_start3A_9 : memref<1x128x64xi32, #tpu.memory_space<vmem>> -> memref<128x64xi32, #tpu.memory_space<vmem>>
    %dma_start3A_11 = arith.constant 0 : i32
    %dma_start3A_12 = tpu.memref_slice %arg6[%dma_start3A_11] : memref<896xi32, #tpu.memory_space<vmem>> -> memref<128xi32, #tpu.memory_space<vmem>>
    %dma_start3A_13 = arith.constant 0 : i32
    %dma_start3A_14 = arith.constant 0 : i32
    %dma_start3A_15 = tpu.memref_slice %arg5[%dma_start3A_13, %dma_start3A_14] : memref<6272x64xi32, #tpu.memory_space<vmem_shared>> -> memref<6272x64xi32, #tpu.memory_space<vmem_shared>>
    tpu.enqueue_indirect_dma source(%dma_start3A_15 : memref<6272x64xi32, #tpu.memory_space<vmem_shared>>) target(%dma_start3A_10 : memref<128x64xi32, #tpu.memory_space<vmem>>) offsets(%dma_start3A_12 : memref<128xi32, #tpu.memory_space<vmem>>) semaphore(%arg8 : memref<!tpu.dma_semaphore, #tpu.memory_space<semaphore_mem>>)
    %dma_start3A_16 = arith.constant 1 : i32
    %dma_start3A_17 = arith.constant 0 : i32
    %dma_start3A_18 = arith.constant 0 : i32
    %dma_start3A_19 = tpu.memref_slice %arg7[%dma_start3A_16, %dma_start3A_17, %dma_start3A_18] : memref<6x128x64xi32, #tpu.memory_space<vmem>> -> memref<1x128x64xi32, #tpu.memory_space<vmem>>
    %dma_start3A_20 = tpu.memref_squeeze %dma_start3A_19 : memref<1x128x64xi32, #tpu.memory_space<vmem>> -> memref<128x64xi32, #tpu.memory_space<vmem>>
    %dma_start3A_21 = arith.constant 128 : i32
    %dma_start3A_22 = tpu.memref_slice %arg6[%dma_start3A_21] : memref<896xi32, #tpu.memory_space<vmem>> -> memref<128xi32, #tpu.memory_space<vmem>>
    %dma_start3A_23 = arith.constant 0 : i32
    %dma_start3A_24 = arith.constant 0 : i32
    %dma_start3A_25 = tpu.memref_slice %arg5[%dma_start3A_23, %dma_start3A_24] : memref<6272x64xi32, #tpu.memory_space<vmem_shared>> -> memref<6272x64xi32, #tpu.memory_space<vmem_shared>>
    tpu.enqueue_indirect_dma source(%dma_start3A_25 : memref<6272x64xi32, #tpu.memory_space<vmem_shared>>) target(%dma_start3A_20 : memref<128x64xi32, #tpu.memory_space<vmem>>) offsets(%dma_start3A_22 : memref<128xi32, #tpu.memory_space<vmem>>) semaphore(%arg8 : memref<!tpu.dma_semaphore, #tpu.memory_space<semaphore_mem>>)
    %dma_start3A_26 = arith.constant 2 : i32
    %dma_start3A_27 = arith.constant 0 : i32
    %dma_start3A_28 = arith.constant 0 : i32
    %dma_start3A_29 = tpu.memref_slice %arg7[%dma_start3A_26, %dma_start3A_27, %dma_start3A_28] : memref<6x128x64xi32, #tpu.memory_space<vmem>> -> memref<1x128x64xi32, #tpu.memory_space<vmem>>
    %dma_start3A_30 = tpu.memref_squeeze %dma_start3A_29 : memref<1x128x64xi32, #tpu.memory_space<vmem>> -> memref<128x64xi32, #tpu.memory_space<vmem>>
    %dma_start3A_31 = arith.constant 256 : i32
    %dma_start3A_32 = tpu.memref_slice %arg6[%dma_start3A_31] : memref<896xi32, #tpu.memory_space<vmem>> -> memref<128xi32, #tpu.memory_space<vmem>>
    %dma_start3A_33 = arith.constant 0 : i32
    %dma_start3A_34 = arith.constant 0 : i32
    %dma_start3A_35 = tpu.memref_slice %arg5[%dma_start3A_33, %dma_start3A_34] : memref<6272x64xi32, #tpu.memory_space<vmem_shared>> -> memref<6272x64xi32, #tpu.memory_space<vmem_shared>>
    tpu.enqueue_indirect_dma source(%dma_start3A_35 : memref<6272x64xi32, #tpu.memory_space<vmem_shared>>) target(%dma_start3A_30 : memref<128x64xi32, #tpu.memory_space<vmem>>) offsets(%dma_start3A_32 : memref<128xi32, #tpu.memory_space<vmem>>) semaphore(%arg8 : memref<!tpu.dma_semaphore, #tpu.memory_space<semaphore_mem>>)
    %dma_start3A_36 = arith.constant 3 : i32
    %dma_start3A_37 = arith.constant 0 : i32
    %dma_start3A_38 = arith.constant 0 : i32
    %dma_start3A_39 = tpu.memref_slice %arg7[%dma_start3A_36, %dma_start3A_37, %dma_start3A_38] : memref<6x128x64xi32, #tpu.memory_space<vmem>> -> memref<1x128x64xi32, #tpu.memory_space<vmem>>
    %dma_start3A_40 = tpu.memref_squeeze %dma_start3A_39 : memref<1x128x64xi32, #tpu.memory_space<vmem>> -> memref<128x64xi32, #tpu.memory_space<vmem>>
    %dma_start3A_41 = arith.constant 384 : i32
    %dma_start3A_42 = tpu.memref_slice %arg6[%dma_start3A_41] : memref<896xi32, #tpu.memory_space<vmem>> -> memref<128xi32, #tpu.memory_space<vmem>>
    %dma_start3A_43 = arith.constant 0 : i32
    %dma_start3A_44 = arith.constant 0 : i32
    %dma_start3A_45 = tpu.memref_slice %arg5[%dma_start3A_43, %dma_start3A_44] : memref<6272x64xi32, #tpu.memory_space<vmem_shared>> -> memref<6272x64xi32, #tpu.memory_space<vmem_shared>>
    tpu.enqueue_indirect_dma source(%dma_start3A_45 : memref<6272x64xi32, #tpu.memory_space<vmem_shared>>) target(%dma_start3A_40 : memref<128x64xi32, #tpu.memory_space<vmem>>) offsets(%dma_start3A_42 : memref<128xi32, #tpu.memory_space<vmem>>) semaphore(%arg8 : memref<!tpu.dma_semaphore, #tpu.memory_space<semaphore_mem>>)
    %dma_start3A_46 = arith.constant 4 : i32
    %dma_start3A_47 = arith.constant 0 : i32
    %dma_start3A_48 = arith.constant 0 : i32
    %dma_start3A_49 = tpu.memref_slice %arg7[%dma_start3A_46, %dma_start3A_47, %dma_start3A_48] : memref<6x128x64xi32, #tpu.memory_space<vmem>> -> memref<1x128x64xi32, #tpu.memory_space<vmem>>
    %dma_start3A_50 = tpu.memref_squeeze %dma_start3A_49 : memref<1x128x64xi32, #tpu.memory_space<vmem>> -> memref<128x64xi32, #tpu.memory_space<vmem>>
    %dma_start3A_51 = arith.constant 512 : i32
    %dma_start3A_52 = tpu.memref_slice %arg6[%dma_start3A_51] : memref<896xi32, #tpu.memory_space<vmem>> -> memref<128xi32, #tpu.memory_space<vmem>>
    %dma_start3A_53 = arith.constant 0 : i32
    %dma_start3A_54 = arith.constant 0 : i32
    %dma_start3A_55 = tpu.memref_slice %arg5[%dma_start3A_53, %dma_start3A_54] : memref<6272x64xi32, #tpu.memory_space<vmem_shared>> -> memref<6272x64xi32, #tpu.memory_space<vmem_shared>>
    tpu.enqueue_indirect_dma source(%dma_start3A_55 : memref<6272x64xi32, #tpu.memory_space<vmem_shared>>) target(%dma_start3A_50 : memref<128x64xi32, #tpu.memory_space<vmem>>) offsets(%dma_start3A_52 : memref<128xi32, #tpu.memory_space<vmem>>) semaphore(%arg8 : memref<!tpu.dma_semaphore, #tpu.memory_space<semaphore_mem>>)
    %dma_wait3A = arith.constant 0 : i32
    %dma_wait3A_56 = arith.constant 0 : i32
    %dma_wait3A_57 = arith.constant 0 : i32
    %dma_wait3A_58 = tpu.memref_slice %arg7[%dma_wait3A, %dma_wait3A_56, %dma_wait3A_57] : memref<6x128x64xi32, #tpu.memory_space<vmem>> -> memref<1x128x64xi32, #tpu.memory_space<vmem>>
    %dma_wait3A_59 = tpu.memref_squeeze %dma_wait3A_58 : memref<1x128x64xi32, #tpu.memory_space<vmem>> -> memref<128x64xi32, #tpu.memory_space<vmem>>
    %dma_wait3A_60 = arith.constant 0 : i32
    %dma_wait3A_61 = tpu.memref_slice %arg6[%dma_wait3A_60] : memref<896xi32, #tpu.memory_space<vmem>> -> memref<128xi32, #tpu.memory_space<vmem>>
    %dma_wait3A_62 = arith.constant 0 : i32
    %dma_wait3A_63 = arith.constant 0 : i32
    %dma_wait3A_64 = tpu.memref_slice %arg5[%dma_wait3A_62, %dma_wait3A_63] : memref<6272x64xi32, #tpu.memory_space<vmem_shared>> -> memref<6272x64xi32, #tpu.memory_space<vmem_shared>>
    tpu.wait_indirect_dma semaphore(%arg8 : memref<!tpu.dma_semaphore, #tpu.memory_space<semaphore_mem>>) src(%dma_wait3A_64 : memref<6272x64xi32, #tpu.memory_space<vmem_shared>>) dst(%dma_wait3A_59 : memref<128x64xi32, #tpu.memory_space<vmem>>)
    %add3A_65 = arith.constant 0 : i32
    %add3A_66 = arith.addi %mul3A_2, %add3A_65 : i32
    %dma_start3A_67 = arith.constant 0 : i32
    %dma_start3A_68 = arith.constant 0 : i32
    %dma_start3A_69 = arith.constant 0 : i32
    %dma_start3A_70 = tpu.memref_slice %arg7[%dma_start3A_67, %dma_start3A_68, %dma_start3A_69] : memref<6x128x64xi32, #tpu.memory_space<vmem>> -> memref<1x128x64xi32, #tpu.memory_space<vmem>>
    %dma_start3A_71 = tpu.memref_squeeze %dma_start3A_70 : memref<1x128x64xi32, #tpu.memory_space<vmem>> -> memref<128x64xi32, #tpu.memory_space<vmem>>
    %dma_start3A_72 = arith.constant 0 : i32
    %dma_start3A_73 = tpu.memref_slice %arg4[%add3A_66, %dma_start3A_72] : memref<28672x64xi32, #tpu.memory_space<hbm>> -> memref<128x64xi32, #tpu.memory_space<hbm>>
    %dma_start3A_74 = arith.constant 0 : i32
    %dma_start3A_75 = tpu.memref_slice %arg4[%add3A_66, %dma_start3A_74] : memref<28672x64xi32, #tpu.memory_space<hbm>> -> memref<128x64xi32, #tpu.memory_space<hbm>>
    %dma_start3A_76 = arith.constant 0 : i32
    %dma_start3A_77 = arith.constant 0 : i32
    %dma_start3A_78 = tpu.memref_slice %arg7[%dma_start3A_67, %dma_start3A_76, %dma_start3A_77] : memref<6x128x64xi32, #tpu.memory_space<vmem>> -> memref<1x128x64xi32, #tpu.memory_space<vmem>>
    %dma_start3A_79 = tpu.memref_squeeze %dma_start3A_78 : memref<1x128x64xi32, #tpu.memory_space<vmem>> -> memref<128x64xi32, #tpu.memory_space<vmem>>
    tpu.enqueue_dma source(%dma_start3A_79 : memref<128x64xi32, #tpu.memory_space<vmem>>) target(%dma_start3A_75 : memref<128x64xi32, #tpu.memory_space<hbm>>) target_semaphore(%arg9 : memref<!tpu.dma_semaphore, #tpu.memory_space<semaphore_mem>>)
    %dma_start3A_80 = arith.constant 5 : i32
    %dma_start3A_81 = arith.constant 0 : i32
    %dma_start3A_82 = arith.constant 0 : i32
    %dma_start3A_83 = tpu.memref_slice %arg7[%dma_start3A_80, %dma_start3A_81, %dma_start3A_82] : memref<6x128x64xi32, #tpu.memory_space<vmem>> -> memref<1x128x64xi32, #tpu.memory_space<vmem>>
    %dma_start3A_84 = tpu.memref_squeeze %dma_start3A_83 : memref<1x128x64xi32, #tpu.memory_space<vmem>> -> memref<128x64xi32, #tpu.memory_space<vmem>>
    %dma_start3A_85 = arith.constant 640 : i32
    %dma_start3A_86 = tpu.memref_slice %arg6[%dma_start3A_85] : memref<896xi32, #tpu.memory_space<vmem>> -> memref<128xi32, #tpu.memory_space<vmem>>
    %dma_start3A_87 = arith.constant 0 : i32
    %dma_start3A_88 = arith.constant 0 : i32
    %dma_start3A_89 = tpu.memref_slice %arg5[%dma_start3A_87, %dma_start3A_88] : memref<6272x64xi32, #tpu.memory_space<vmem_shared>> -> memref<6272x64xi32, #tpu.memory_space<vmem_shared>>
    tpu.enqueue_indirect_dma source(%dma_start3A_89 : memref<6272x64xi32, #tpu.memory_space<vmem_shared>>) target(%dma_start3A_84 : memref<128x64xi32, #tpu.memory_space<vmem>>) offsets(%dma_start3A_86 : memref<128xi32, #tpu.memory_space<vmem>>) semaphore(%arg8 : memref<!tpu.dma_semaphore, #tpu.memory_space<semaphore_mem>>)
    %dma_wait3A_90 = arith.constant 1 : i32
    %dma_wait3A_91 = arith.constant 0 : i32
    %dma_wait3A_92 = arith.constant 0 : i32
    %dma_wait3A_93 = tpu.memref_slice %arg7[%dma_wait3A_90, %dma_wait3A_91, %dma_wait3A_92] : memref<6x128x64xi32, #tpu.memory_space<vmem>> -> memref<1x128x64xi32, #tpu.memory_space<vmem>>
    %dma_wait3A_94 = tpu.memref_squeeze %dma_wait3A_93 : memref<1x128x64xi32, #tpu.memory_space<vmem>> -> memref<128x64xi32, #tpu.memory_space<vmem>>
    %dma_wait3A_95 = arith.constant 128 : i32
    %dma_wait3A_96 = tpu.memref_slice %arg6[%dma_wait3A_95] : memref<896xi32, #tpu.memory_space<vmem>> -> memref<128xi32, #tpu.memory_space<vmem>>
    %dma_wait3A_97 = arith.constant 0 : i32
    %dma_wait3A_98 = arith.constant 0 : i32
    %dma_wait3A_99 = tpu.memref_slice %arg5[%dma_wait3A_97, %dma_wait3A_98] : memref<6272x64xi32, #tpu.memory_space<vmem_shared>> -> memref<6272x64xi32, #tpu.memory_space<vmem_shared>>
    tpu.wait_indirect_dma semaphore(%arg8 : memref<!tpu.dma_semaphore, #tpu.memory_space<semaphore_mem>>) src(%dma_wait3A_99 : memref<6272x64xi32, #tpu.memory_space<vmem_shared>>) dst(%dma_wait3A_94 : memref<128x64xi32, #tpu.memory_space<vmem>>)
    %add3A_100 = arith.constant 128 : i32
    %add3A_101 = arith.addi %mul3A_2, %add3A_100 : i32
    %dma_start3A_102 = arith.constant 1 : i32
    %dma_start3A_103 = arith.constant 0 : i32
    %dma_start3A_104 = arith.constant 0 : i32
    %dma_start3A_105 = tpu.memref_slice %arg7[%dma_start3A_102, %dma_start3A_103, %dma_start3A_104] : memref<6x128x64xi32, #tpu.memory_space<vmem>> -> memref<1x128x64xi32, #tpu.memory_space<vmem>>
    %dma_start3A_106 = tpu.memref_squeeze %dma_start3A_105 : memref<1x128x64xi32, #tpu.memory_space<vmem>> -> memref<128x64xi32, #tpu.memory_space<vmem>>
    %dma_start3A_107 = arith.constant 0 : i32
    %dma_start3A_108 = tpu.memref_slice %arg4[%add3A_101, %dma_start3A_107] : memref<28672x64xi32, #tpu.memory_space<hbm>> -> memref<128x64xi32, #tpu.memory_space<hbm>>
    %dma_start3A_109 = arith.constant 0 : i32
    %dma_start3A_110 = tpu.memref_slice %arg4[%add3A_101, %dma_start3A_109] : memref<28672x64xi32, #tpu.memory_space<hbm>> -> memref<128x64xi32, #tpu.memory_space<hbm>>
    %dma_start3A_111 = arith.constant 0 : i32
    %dma_start3A_112 = arith.constant 0 : i32
    %dma_start3A_113 = tpu.memref_slice %arg7[%dma_start3A_102, %dma_start3A_111, %dma_start3A_112] : memref<6x128x64xi32, #tpu.memory_space<vmem>> -> memref<1x128x64xi32, #tpu.memory_space<vmem>>
    %dma_start3A_114 = tpu.memref_squeeze %dma_start3A_113 : memref<1x128x64xi32, #tpu.memory_space<vmem>> -> memref<128x64xi32, #tpu.memory_space<vmem>>
    tpu.enqueue_dma source(%dma_start3A_114 : memref<128x64xi32, #tpu.memory_space<vmem>>) target(%dma_start3A_110 : memref<128x64xi32, #tpu.memory_space<hbm>>) target_semaphore(%arg9 : memref<!tpu.dma_semaphore, #tpu.memory_space<semaphore_mem>>)
    %dma_wait3A_115 = arith.constant 0 : i32
    %dma_wait3A_116 = arith.constant 0 : i32
    %dma_wait3A_117 = arith.constant 0 : i32
    %dma_wait3A_118 = tpu.memref_slice %arg7[%dma_wait3A_115, %dma_wait3A_116, %dma_wait3A_117] : memref<6x128x64xi32, #tpu.memory_space<vmem>> -> memref<1x128x64xi32, #tpu.memory_space<vmem>>
    %dma_wait3A_119 = tpu.memref_squeeze %dma_wait3A_118 : memref<1x128x64xi32, #tpu.memory_space<vmem>> -> memref<128x64xi32, #tpu.memory_space<vmem>>
    %dma_wait3A_120 = arith.constant 0 : i32
    %dma_wait3A_121 = tpu.memref_slice %arg4[%add3A_66, %dma_wait3A_120] : memref<28672x64xi32, #tpu.memory_space<hbm>> -> memref<128x64xi32, #tpu.memory_space<hbm>>
    %dma_wait3A_122 = arith.constant 0 : i32
    %dma_wait3A_123 = tpu.memref_slice %arg4[%add3A_66, %dma_wait3A_122] : memref<28672x64xi32, #tpu.memory_space<hbm>> -> memref<128x64xi32, #tpu.memory_space<hbm>>
    %dma_wait3A_124 = arith.constant 0 : i32
    %dma_wait3A_125 = arith.constant 0 : i32
    %dma_wait3A_126 = tpu.memref_slice %arg7[%dma_wait3A_115, %dma_wait3A_124, %dma_wait3A_125] : memref<6x128x64xi32, #tpu.memory_space<vmem>> -> memref<1x128x64xi32, #tpu.memory_space<vmem>>
    %dma_wait3A_127 = tpu.memref_squeeze %dma_wait3A_126 : memref<1x128x64xi32, #tpu.memory_space<vmem>> -> memref<128x64xi32, #tpu.memory_space<vmem>>
    tpu.wait_dma2 semaphore(%arg9 : memref<!tpu.dma_semaphore, #tpu.memory_space<semaphore_mem>>) src(%dma_wait3A_127 : memref<128x64xi32, #tpu.memory_space<vmem>>) dst(%dma_wait3A_123 : memref<128x64xi32, #tpu.memory_space<hbm>>)
    %dma_start3A_128 = arith.constant 0 : i32
    %dma_start3A_129 = arith.constant 0 : i32
    %dma_start3A_130 = arith.constant 0 : i32
    %dma_start3A_131 = tpu.memref_slice %arg7[%dma_start3A_128, %dma_start3A_129, %dma_start3A_130] : memref<6x128x64xi32, #tpu.memory_space<vmem>> -> memref<1x128x64xi32, #tpu.memory_space<vmem>>
    %dma_start3A_132 = tpu.memref_squeeze %dma_start3A_131 : memref<1x128x64xi32, #tpu.memory_space<vmem>> -> memref<128x64xi32, #tpu.memory_space<vmem>>
    %dma_start3A_133 = arith.constant 768 : i32
    %dma_start3A_134 = tpu.memref_slice %arg6[%dma_start3A_133] : memref<896xi32, #tpu.memory_space<vmem>> -> memref<128xi32, #tpu.memory_space<vmem>>
    %dma_start3A_135 = arith.constant 0 : i32
    %dma_start3A_136 = arith.constant 0 : i32
    %dma_start3A_137 = tpu.memref_slice %arg5[%dma_start3A_135, %dma_start3A_136] : memref<6272x64xi32, #tpu.memory_space<vmem_shared>> -> memref<6272x64xi32, #tpu.memory_space<vmem_shared>>
    tpu.enqueue_indirect_dma source(%dma_start3A_137 : memref<6272x64xi32, #tpu.memory_space<vmem_shared>>) target(%dma_start3A_132 : memref<128x64xi32, #tpu.memory_space<vmem>>) offsets(%dma_start3A_134 : memref<128xi32, #tpu.memory_space<vmem>>) semaphore(%arg8 : memref<!tpu.dma_semaphore, #tpu.memory_space<semaphore_mem>>)
    %dma_wait3A_138 = arith.constant 2 : i32
    %dma_wait3A_139 = arith.constant 0 : i32
    %dma_wait3A_140 = arith.constant 0 : i32
    %dma_wait3A_141 = tpu.memref_slice %arg7[%dma_wait3A_138, %dma_wait3A_139, %dma_wait3A_140] : memref<6x128x64xi32, #tpu.memory_space<vmem>> -> memref<1x128x64xi32, #tpu.memory_space<vmem>>
    %dma_wait3A_142 = tpu.memref_squeeze %dma_wait3A_141 : memref<1x128x64xi32, #tpu.memory_space<vmem>> -> memref<128x64xi32, #tpu.memory_space<vmem>>
    %dma_wait3A_143 = arith.constant 256 : i32
    %dma_wait3A_144 = tpu.memref_slice %arg6[%dma_wait3A_143] : memref<896xi32, #tpu.memory_space<vmem>> -> memref<128xi32, #tpu.memory_space<vmem>>
    %dma_wait3A_145 = arith.constant 0 : i32
    %dma_wait3A_146 = arith.constant 0 : i32
    %dma_wait3A_147 = tpu.memref_slice %arg5[%dma_wait3A_145, %dma_wait3A_146] : memref<6272x64xi32, #tpu.memory_space<vmem_shared>> -> memref<6272x64xi32, #tpu.memory_space<vmem_shared>>
    tpu.wait_indirect_dma semaphore(%arg8 : memref<!tpu.dma_semaphore, #tpu.memory_space<semaphore_mem>>) src(%dma_wait3A_147 : memref<6272x64xi32, #tpu.memory_space<vmem_shared>>) dst(%dma_wait3A_142 : memref<128x64xi32, #tpu.memory_space<vmem>>)
    %add3A_148 = arith.constant 256 : i32
    %add3A_149 = arith.addi %mul3A_2, %add3A_148 : i32
    %dma_start3A_150 = arith.constant 2 : i32
    %dma_start3A_151 = arith.constant 0 : i32
    %dma_start3A_152 = arith.constant 0 : i32
    %dma_start3A_153 = tpu.memref_slice %arg7[%dma_start3A_150, %dma_start3A_151, %dma_start3A_152] : memref<6x128x64xi32, #tpu.memory_space<vmem>> -> memref<1x128x64xi32, #tpu.memory_space<vmem>>
    %dma_start3A_154 = tpu.memref_squeeze %dma_start3A_153 : memref<1x128x64xi32, #tpu.memory_space<vmem>> -> memref<128x64xi32, #tpu.memory_space<vmem>>
    %dma_start3A_155 = arith.constant 0 : i32
    %dma_start3A_156 = tpu.memref_slice %arg4[%add3A_149, %dma_start3A_155] : memref<28672x64xi32, #tpu.memory_space<hbm>> -> memref<128x64xi32, #tpu.memory_space<hbm>>
    %dma_start3A_157 = arith.constant 0 : i32
    %dma_start3A_158 = tpu.memref_slice %arg4[%add3A_149, %dma_start3A_157] : memref<28672x64xi32, #tpu.memory_space<hbm>> -> memref<128x64xi32, #tpu.memory_space<hbm>>
    %dma_start3A_159 = arith.constant 0 : i32
    %dma_start3A_160 = arith.constant 0 : i32
    %dma_start3A_161 = tpu.memref_slice %arg7[%dma_start3A_150, %dma_start3A_159, %dma_start3A_160] : memref<6x128x64xi32, #tpu.memory_space<vmem>> -> memref<1x128x64xi32, #tpu.memory_space<vmem>>
    %dma_start3A_162 = tpu.memref_squeeze %dma_start3A_161 : memref<1x128x64xi32, #tpu.memory_space<vmem>> -> memref<128x64xi32, #tpu.memory_space<vmem>>
    tpu.enqueue_dma source(%dma_start3A_162 : memref<128x64xi32, #tpu.memory_space<vmem>>) target(%dma_start3A_158 : memref<128x64xi32, #tpu.memory_space<hbm>>) target_semaphore(%arg9 : memref<!tpu.dma_semaphore, #tpu.memory_space<semaphore_mem>>)
    %dma_wait3A_163 = arith.constant 3 : i32
    %dma_wait3A_164 = arith.constant 0 : i32
    %dma_wait3A_165 = arith.constant 0 : i32
    %dma_wait3A_166 = tpu.memref_slice %arg7[%dma_wait3A_163, %dma_wait3A_164, %dma_wait3A_165] : memref<6x128x64xi32, #tpu.memory_space<vmem>> -> memref<1x128x64xi32, #tpu.memory_space<vmem>>
    %dma_wait3A_167 = tpu.memref_squeeze %dma_wait3A_166 : memref<1x128x64xi32, #tpu.memory_space<vmem>> -> memref<128x64xi32, #tpu.memory_space<vmem>>
    %dma_wait3A_168 = arith.constant 384 : i32
    %dma_wait3A_169 = tpu.memref_slice %arg6[%dma_wait3A_168] : memref<896xi32, #tpu.memory_space<vmem>> -> memref<128xi32, #tpu.memory_space<vmem>>
    %dma_wait3A_170 = arith.constant 0 : i32
    %dma_wait3A_171 = arith.constant 0 : i32
    %dma_wait3A_172 = tpu.memref_slice %arg5[%dma_wait3A_170, %dma_wait3A_171] : memref<6272x64xi32, #tpu.memory_space<vmem_shared>> -> memref<6272x64xi32, #tpu.memory_space<vmem_shared>>
    tpu.wait_indirect_dma semaphore(%arg8 : memref<!tpu.dma_semaphore, #tpu.memory_space<semaphore_mem>>) src(%dma_wait3A_172 : memref<6272x64xi32, #tpu.memory_space<vmem_shared>>) dst(%dma_wait3A_167 : memref<128x64xi32, #tpu.memory_space<vmem>>)
    %add3A_173 = arith.constant 384 : i32
    %add3A_174 = arith.addi %mul3A_2, %add3A_173 : i32
    %dma_start3A_175 = arith.constant 3 : i32
    %dma_start3A_176 = arith.constant 0 : i32
    %dma_start3A_177 = arith.constant 0 : i32
    %dma_start3A_178 = tpu.memref_slice %arg7[%dma_start3A_175, %dma_start3A_176, %dma_start3A_177] : memref<6x128x64xi32, #tpu.memory_space<vmem>> -> memref<1x128x64xi32, #tpu.memory_space<vmem>>
    %dma_start3A_179 = tpu.memref_squeeze %dma_start3A_178 : memref<1x128x64xi32, #tpu.memory_space<vmem>> -> memref<128x64xi32, #tpu.memory_space<vmem>>
    %dma_start3A_180 = arith.constant 0 : i32
    %dma_start3A_181 = tpu.memref_slice %arg4[%add3A_174, %dma_start3A_180] : memref<28672x64xi32, #tpu.memory_space<hbm>> -> memref<128x64xi32, #tpu.memory_space<hbm>>
    %dma_start3A_182 = arith.constant 0 : i32
    %dma_start3A_183 = tpu.memref_slice %arg4[%add3A_174, %dma_start3A_182] : memref<28672x64xi32, #tpu.memory_space<hbm>> -> memref<128x64xi32, #tpu.memory_space<hbm>>
    %dma_start3A_184 = arith.constant 0 : i32
    %dma_start3A_185 = arith.constant 0 : i32
    %dma_start3A_186 = tpu.memref_slice %arg7[%dma_start3A_175, %dma_start3A_184, %dma_start3A_185] : memref<6x128x64xi32, #tpu.memory_space<vmem>> -> memref<1x128x64xi32, #tpu.memory_space<vmem>>
    %dma_start3A_187 = tpu.memref_squeeze %dma_start3A_186 : memref<1x128x64xi32, #tpu.memory_space<vmem>> -> memref<128x64xi32, #tpu.memory_space<vmem>>
    tpu.enqueue_dma source(%dma_start3A_187 : memref<128x64xi32, #tpu.memory_space<vmem>>) target(%dma_start3A_183 : memref<128x64xi32, #tpu.memory_space<hbm>>) target_semaphore(%arg9 : memref<!tpu.dma_semaphore, #tpu.memory_space<semaphore_mem>>)
    %dma_wait3A_188 = arith.constant 4 : i32
    %dma_wait3A_189 = arith.constant 0 : i32
    %dma_wait3A_190 = arith.constant 0 : i32
    %dma_wait3A_191 = tpu.memref_slice %arg7[%dma_wait3A_188, %dma_wait3A_189, %dma_wait3A_190] : memref<6x128x64xi32, #tpu.memory_space<vmem>> -> memref<1x128x64xi32, #tpu.memory_space<vmem>>
    %dma_wait3A_192 = tpu.memref_squeeze %dma_wait3A_191 : memref<1x128x64xi32, #tpu.memory_space<vmem>> -> memref<128x64xi32, #tpu.memory_space<vmem>>
    %dma_wait3A_193 = arith.constant 512 : i32
    %dma_wait3A_194 = tpu.memref_slice %arg6[%dma_wait3A_193] : memref<896xi32, #tpu.memory_space<vmem>> -> memref<128xi32, #tpu.memory_space<vmem>>
    %dma_wait3A_195 = arith.constant 0 : i32
    %dma_wait3A_196 = arith.constant 0 : i32
    %dma_wait3A_197 = tpu.memref_slice %arg5[%dma_wait3A_195, %dma_wait3A_196] : memref<6272x64xi32, #tpu.memory_space<vmem_shared>> -> memref<6272x64xi32, #tpu.memory_space<vmem_shared>>
    tpu.wait_indirect_dma semaphore(%arg8 : memref<!tpu.dma_semaphore, #tpu.memory_space<semaphore_mem>>) src(%dma_wait3A_197 : memref<6272x64xi32, #tpu.memory_space<vmem_shared>>) dst(%dma_wait3A_192 : memref<128x64xi32, #tpu.memory_space<vmem>>)
    %add3A_198 = arith.constant 512 : i32
    %add3A_199 = arith.addi %mul3A_2, %add3A_198 : i32
    %dma_start3A_200 = arith.constant 4 : i32
    %dma_start3A_201 = arith.constant 0 : i32
    %dma_start3A_202 = arith.constant 0 : i32
    %dma_start3A_203 = tpu.memref_slice %arg7[%dma_start3A_200, %dma_start3A_201, %dma_start3A_202] : memref<6x128x64xi32, #tpu.memory_space<vmem>> -> memref<1x128x64xi32, #tpu.memory_space<vmem>>
    %dma_start3A_204 = tpu.memref_squeeze %dma_start3A_203 : memref<1x128x64xi32, #tpu.memory_space<vmem>> -> memref<128x64xi32, #tpu.memory_space<vmem>>
    %dma_start3A_205 = arith.constant 0 : i32
    %dma_start3A_206 = tpu.memref_slice %arg4[%add3A_199, %dma_start3A_205] : memref<28672x64xi32, #tpu.memory_space<hbm>> -> memref<128x64xi32, #tpu.memory_space<hbm>>
    %dma_start3A_207 = arith.constant 0 : i32
    %dma_start3A_208 = tpu.memref_slice %arg4[%add3A_199, %dma_start3A_207] : memref<28672x64xi32, #tpu.memory_space<hbm>> -> memref<128x64xi32, #tpu.memory_space<hbm>>
    %dma_start3A_209 = arith.constant 0 : i32
    %dma_start3A_210 = arith.constant 0 : i32
    %dma_start3A_211 = tpu.memref_slice %arg7[%dma_start3A_200, %dma_start3A_209, %dma_start3A_210] : memref<6x128x64xi32, #tpu.memory_space<vmem>> -> memref<1x128x64xi32, #tpu.memory_space<vmem>>
    %dma_start3A_212 = tpu.memref_squeeze %dma_start3A_211 : memref<1x128x64xi32, #tpu.memory_space<vmem>> -> memref<128x64xi32, #tpu.memory_space<vmem>>
    tpu.enqueue_dma source(%dma_start3A_212 : memref<128x64xi32, #tpu.memory_space<vmem>>) target(%dma_start3A_208 : memref<128x64xi32, #tpu.memory_space<hbm>>) target_semaphore(%arg9 : memref<!tpu.dma_semaphore, #tpu.memory_space<semaphore_mem>>)
    %dma_wait3A_213 = arith.constant 5 : i32
    %dma_wait3A_214 = arith.constant 0 : i32
    %dma_wait3A_215 = arith.constant 0 : i32
    %dma_wait3A_216 = tpu.memref_slice %arg7[%dma_wait3A_213, %dma_wait3A_214, %dma_wait3A_215] : memref<6x128x64xi32, #tpu.memory_space<vmem>> -> memref<1x128x64xi32, #tpu.memory_space<vmem>>
    %dma_wait3A_217 = tpu.memref_squeeze %dma_wait3A_216 : memref<1x128x64xi32, #tpu.memory_space<vmem>> -> memref<128x64xi32, #tpu.memory_space<vmem>>
    %dma_wait3A_218 = arith.constant 640 : i32
    %dma_wait3A_219 = tpu.memref_slice %arg6[%dma_wait3A_218] : memref<896xi32, #tpu.memory_space<vmem>> -> memref<128xi32, #tpu.memory_space<vmem>>
    %dma_wait3A_220 = arith.constant 0 : i32
    %dma_wait3A_221 = arith.constant 0 : i32
    %dma_wait3A_222 = tpu.memref_slice %arg5[%dma_wait3A_220, %dma_wait3A_221] : memref<6272x64xi32, #tpu.memory_space<vmem_shared>> -> memref<6272x64xi32, #tpu.memory_space<vmem_shared>>
    tpu.wait_indirect_dma semaphore(%arg8 : memref<!tpu.dma_semaphore, #tpu.memory_space<semaphore_mem>>) src(%dma_wait3A_222 : memref<6272x64xi32, #tpu.memory_space<vmem_shared>>) dst(%dma_wait3A_217 : memref<128x64xi32, #tpu.memory_space<vmem>>)
    %add3A_223 = arith.constant 640 : i32
    %add3A_224 = arith.addi %mul3A_2, %add3A_223 : i32
    %dma_start3A_225 = arith.constant 5 : i32
    %dma_start3A_226 = arith.constant 0 : i32
    %dma_start3A_227 = arith.constant 0 : i32
    %dma_start3A_228 = tpu.memref_slice %arg7[%dma_start3A_225, %dma_start3A_226, %dma_start3A_227] : memref<6x128x64xi32, #tpu.memory_space<vmem>> -> memref<1x128x64xi32, #tpu.memory_space<vmem>>
    %dma_start3A_229 = tpu.memref_squeeze %dma_start3A_228 : memref<1x128x64xi32, #tpu.memory_space<vmem>> -> memref<128x64xi32, #tpu.memory_space<vmem>>
    %dma_start3A_230 = arith.constant 0 : i32
    %dma_start3A_231 = tpu.memref_slice %arg4[%add3A_224, %dma_start3A_230] : memref<28672x64xi32, #tpu.memory_space<hbm>> -> memref<128x64xi32, #tpu.memory_space<hbm>>
    %dma_start3A_232 = arith.constant 0 : i32
    %dma_start3A_233 = tpu.memref_slice %arg4[%add3A_224, %dma_start3A_232] : memref<28672x64xi32, #tpu.memory_space<hbm>> -> memref<128x64xi32, #tpu.memory_space<hbm>>
    %dma_start3A_234 = arith.constant 0 : i32
    %dma_start3A_235 = arith.constant 0 : i32
    %dma_start3A_236 = tpu.memref_slice %arg7[%dma_start3A_225, %dma_start3A_234, %dma_start3A_235] : memref<6x128x64xi32, #tpu.memory_space<vmem>> -> memref<1x128x64xi32, #tpu.memory_space<vmem>>
    %dma_start3A_237 = tpu.memref_squeeze %dma_start3A_236 : memref<1x128x64xi32, #tpu.memory_space<vmem>> -> memref<128x64xi32, #tpu.memory_space<vmem>>
    tpu.enqueue_dma source(%dma_start3A_237 : memref<128x64xi32, #tpu.memory_space<vmem>>) target(%dma_start3A_233 : memref<128x64xi32, #tpu.memory_space<hbm>>) target_semaphore(%arg9 : memref<!tpu.dma_semaphore, #tpu.memory_space<semaphore_mem>>)
    %dma_wait3A_238 = arith.constant 0 : i32
    %dma_wait3A_239 = arith.constant 0 : i32
    %dma_wait3A_240 = arith.constant 0 : i32
    %dma_wait3A_241 = tpu.memref_slice %arg7[%dma_wait3A_238, %dma_wait3A_239, %dma_wait3A_240] : memref<6x128x64xi32, #tpu.memory_space<vmem>> -> memref<1x128x64xi32, #tpu.memory_space<vmem>>
    %dma_wait3A_242 = tpu.memref_squeeze %dma_wait3A_241 : memref<1x128x64xi32, #tpu.memory_space<vmem>> -> memref<128x64xi32, #tpu.memory_space<vmem>>
    %dma_wait3A_243 = arith.constant 768 : i32
    %dma_wait3A_244 = tpu.memref_slice %arg6[%dma_wait3A_243] : memref<896xi32, #tpu.memory_space<vmem>> -> memref<128xi32, #tpu.memory_space<vmem>>
    %dma_wait3A_245 = arith.constant 0 : i32
    %dma_wait3A_246 = arith.constant 0 : i32
    %dma_wait3A_247 = tpu.memref_slice %arg5[%dma_wait3A_245, %dma_wait3A_246] : memref<6272x64xi32, #tpu.memory_space<vmem_shared>> -> memref<6272x64xi32, #tpu.memory_space<vmem_shared>>
    tpu.wait_indirect_dma semaphore(%arg8 : memref<!tpu.dma_semaphore, #tpu.memory_space<semaphore_mem>>) src(%dma_wait3A_247 : memref<6272x64xi32, #tpu.memory_space<vmem_shared>>) dst(%dma_wait3A_242 : memref<128x64xi32, #tpu.memory_space<vmem>>)
    %add3A_248 = arith.constant 768 : i32
    %add3A_249 = arith.addi %mul3A_2, %add3A_248 : i32
    %dma_start3A_250 = arith.constant 0 : i32
    %dma_start3A_251 = arith.constant 0 : i32
    %dma_start3A_252 = arith.constant 0 : i32
    %dma_start3A_253 = tpu.memref_slice %arg7[%dma_start3A_250, %dma_start3A_251, %dma_start3A_252] : memref<6x128x64xi32, #tpu.memory_space<vmem>> -> memref<1x128x64xi32, #tpu.memory_space<vmem>>
    %dma_start3A_254 = tpu.memref_squeeze %dma_start3A_253 : memref<1x128x64xi32, #tpu.memory_space<vmem>> -> memref<128x64xi32, #tpu.memory_space<vmem>>
    %dma_start3A_255 = arith.constant 0 : i32
    %dma_start3A_256 = tpu.memref_slice %arg4[%add3A_249, %dma_start3A_255] : memref<28672x64xi32, #tpu.memory_space<hbm>> -> memref<128x64xi32, #tpu.memory_space<hbm>>
    %dma_start3A_257 = arith.constant 0 : i32
    %dma_start3A_258 = tpu.memref_slice %arg4[%add3A_249, %dma_start3A_257] : memref<28672x64xi32, #tpu.memory_space<hbm>> -> memref<128x64xi32, #tpu.memory_space<hbm>>
    %dma_start3A_259 = arith.constant 0 : i32
    %dma_start3A_260 = arith.constant 0 : i32
    %dma_start3A_261 = tpu.memref_slice %arg7[%dma_start3A_250, %dma_start3A_259, %dma_start3A_260] : memref<6x128x64xi32, #tpu.memory_space<vmem>> -> memref<1x128x64xi32, #tpu.memory_space<vmem>>
    %dma_start3A_262 = tpu.memref_squeeze %dma_start3A_261 : memref<1x128x64xi32, #tpu.memory_space<vmem>> -> memref<128x64xi32, #tpu.memory_space<vmem>>
    tpu.enqueue_dma source(%dma_start3A_262 : memref<128x64xi32, #tpu.memory_space<vmem>>) target(%dma_start3A_258 : memref<128x64xi32, #tpu.memory_space<hbm>>) target_semaphore(%arg9 : memref<!tpu.dma_semaphore, #tpu.memory_space<semaphore_mem>>)
    %dma_wait3A_263 = arith.constant 1 : i32
    %dma_wait3A_264 = arith.constant 0 : i32
    %dma_wait3A_265 = arith.constant 0 : i32
    %dma_wait3A_266 = tpu.memref_slice %arg7[%dma_wait3A_263, %dma_wait3A_264, %dma_wait3A_265] : memref<6x128x64xi32, #tpu.memory_space<vmem>> -> memref<1x128x64xi32, #tpu.memory_space<vmem>>
    %dma_wait3A_267 = tpu.memref_squeeze %dma_wait3A_266 : memref<1x128x64xi32, #tpu.memory_space<vmem>> -> memref<128x64xi32, #tpu.memory_space<vmem>>
    %dma_wait3A_268 = arith.constant 0 : i32
    %dma_wait3A_269 = tpu.memref_slice %arg4[%add3A_101, %dma_wait3A_268] : memref<28672x64xi32, #tpu.memory_space<hbm>> -> memref<128x64xi32, #tpu.memory_space<hbm>>
    %dma_wait3A_270 = arith.constant 0 : i32
    %dma_wait3A_271 = tpu.memref_slice %arg4[%add3A_101, %dma_wait3A_270] : memref<28672x64xi32, #tpu.memory_space<hbm>> -> memref<128x64xi32, #tpu.memory_space<hbm>>
    %dma_wait3A_272 = arith.constant 0 : i32
    %dma_wait3A_273 = arith.constant 0 : i32
    %dma_wait3A_274 = tpu.memref_slice %arg7[%dma_wait3A_263, %dma_wait3A_272, %dma_wait3A_273] : memref<6x128x64xi32, #tpu.memory_space<vmem>> -> memref<1x128x64xi32, #tpu.memory_space<vmem>>
    %dma_wait3A_275 = tpu.memref_squeeze %dma_wait3A_274 : memref<1x128x64xi32, #tpu.memory_space<vmem>> -> memref<128x64xi32, #tpu.memory_space<vmem>>
    tpu.wait_dma2 semaphore(%arg9 : memref<!tpu.dma_semaphore, #tpu.memory_space<semaphore_mem>>) src(%dma_wait3A_275 : memref<128x64xi32, #tpu.memory_space<vmem>>) dst(%dma_wait3A_271 : memref<128x64xi32, #tpu.memory_space<hbm>>)
    %dma_wait3A_276 = arith.constant 2 : i32
    %dma_wait3A_277 = arith.constant 0 : i32
    %dma_wait3A_278 = arith.constant 0 : i32
    %dma_wait3A_279 = tpu.memref_slice %arg7[%dma_wait3A_276, %dma_wait3A_277, %dma_wait3A_278] : memref<6x128x64xi32, #tpu.memory_space<vmem>> -> memref<1x128x64xi32, #tpu.memory_space<vmem>>
    %dma_wait3A_280 = tpu.memref_squeeze %dma_wait3A_279 : memref<1x128x64xi32, #tpu.memory_space<vmem>> -> memref<128x64xi32, #tpu.memory_space<vmem>>
    %dma_wait3A_281 = arith.constant 0 : i32
    %dma_wait3A_282 = tpu.memref_slice %arg4[%add3A_149, %dma_wait3A_281] : memref<28672x64xi32, #tpu.memory_space<hbm>> -> memref<128x64xi32, #tpu.memory_space<hbm>>
    %dma_wait3A_283 = arith.constant 0 : i32
    %dma_wait3A_284 = tpu.memref_slice %arg4[%add3A_149, %dma_wait3A_283] : memref<28672x64xi32, #tpu.memory_space<hbm>> -> memref<128x64xi32, #tpu.memory_space<hbm>>
    %dma_wait3A_285 = arith.constant 0 : i32
    %dma_wait3A_286 = arith.constant 0 : i32
    %dma_wait3A_287 = tpu.memref_slice %arg7[%dma_wait3A_276, %dma_wait3A_285, %dma_wait3A_286] : memref<6x128x64xi32, #tpu.memory_space<vmem>> -> memref<1x128x64xi32, #tpu.memory_space<vmem>>
    %dma_wait3A_288 = tpu.memref_squeeze %dma_wait3A_287 : memref<1x128x64xi32, #tpu.memory_space<vmem>> -> memref<128x64xi32, #tpu.memory_space<vmem>>
    tpu.wait_dma2 semaphore(%arg9 : memref<!tpu.dma_semaphore, #tpu.memory_space<semaphore_mem>>) src(%dma_wait3A_288 : memref<128x64xi32, #tpu.memory_space<vmem>>) dst(%dma_wait3A_284 : memref<128x64xi32, #tpu.memory_space<hbm>>)
    %dma_wait3A_289 = arith.constant 3 : i32
    %dma_wait3A_290 = arith.constant 0 : i32
    %dma_wait3A_291 = arith.constant 0 : i32
    %dma_wait3A_292 = tpu.memref_slice %arg7[%dma_wait3A_289, %dma_wait3A_290, %dma_wait3A_291] : memref<6x128x64xi32, #tpu.memory_space<vmem>> -> memref<1x128x64xi32, #tpu.memory_space<vmem>>
    %dma_wait3A_293 = tpu.memref_squeeze %dma_wait3A_292 : memref<1x128x64xi32, #tpu.memory_space<vmem>> -> memref<128x64xi32, #tpu.memory_space<vmem>>
    %dma_wait3A_294 = arith.constant 0 : i32
    %dma_wait3A_295 = tpu.memref_slice %arg4[%add3A_174, %dma_wait3A_294] : memref<28672x64xi32, #tpu.memory_space<hbm>> -> memref<128x64xi32, #tpu.memory_space<hbm>>
    %dma_wait3A_296 = arith.constant 0 : i32
    %dma_wait3A_297 = tpu.memref_slice %arg4[%add3A_174, %dma_wait3A_296] : memref<28672x64xi32, #tpu.memory_space<hbm>> -> memref<128x64xi32, #tpu.memory_space<hbm>>
    %dma_wait3A_298 = arith.constant 0 : i32
    %dma_wait3A_299 = arith.constant 0 : i32
    %dma_wait3A_300 = tpu.memref_slice %arg7[%dma_wait3A_289, %dma_wait3A_298, %dma_wait3A_299] : memref<6x128x64xi32, #tpu.memory_space<vmem>> -> memref<1x128x64xi32, #tpu.memory_space<vmem>>
    %dma_wait3A_301 = tpu.memref_squeeze %dma_wait3A_300 : memref<1x128x64xi32, #tpu.memory_space<vmem>> -> memref<128x64xi32, #tpu.memory_space<vmem>>
    tpu.wait_dma2 semaphore(%arg9 : memref<!tpu.dma_semaphore, #tpu.memory_space<semaphore_mem>>) src(%dma_wait3A_301 : memref<128x64xi32, #tpu.memory_space<vmem>>) dst(%dma_wait3A_297 : memref<128x64xi32, #tpu.memory_space<hbm>>)
    %dma_wait3A_302 = arith.constant 4 : i32
    %dma_wait3A_303 = arith.constant 0 : i32
    %dma_wait3A_304 = arith.constant 0 : i32
    %dma_wait3A_305 = tpu.memref_slice %arg7[%dma_wait3A_302, %dma_wait3A_303, %dma_wait3A_304] : memref<6x128x64xi32, #tpu.memory_space<vmem>> -> memref<1x128x64xi32, #tpu.memory_space<vmem>>
    %dma_wait3A_306 = tpu.memref_squeeze %dma_wait3A_305 : memref<1x128x64xi32, #tpu.memory_space<vmem>> -> memref<128x64xi32, #tpu.memory_space<vmem>>
    %dma_wait3A_307 = arith.constant 0 : i32
    %dma_wait3A_308 = tpu.memref_slice %arg4[%add3A_199, %dma_wait3A_307] : memref<28672x64xi32, #tpu.memory_space<hbm>> -> memref<128x64xi32, #tpu.memory_space<hbm>>
    %dma_wait3A_309 = arith.constant 0 : i32
    %dma_wait3A_310 = tpu.memref_slice %arg4[%add3A_199, %dma_wait3A_309] : memref<28672x64xi32, #tpu.memory_space<hbm>> -> memref<128x64xi32, #tpu.memory_space<hbm>>
    %dma_wait3A_311 = arith.constant 0 : i32
    %dma_wait3A_312 = arith.constant 0 : i32
    %dma_wait3A_313 = tpu.memref_slice %arg7[%dma_wait3A_302, %dma_wait3A_311, %dma_wait3A_312] : memref<6x128x64xi32, #tpu.memory_space<vmem>> -> memref<1x128x64xi32, #tpu.memory_space<vmem>>
    %dma_wait3A_314 = tpu.memref_squeeze %dma_wait3A_313 : memref<1x128x64xi32, #tpu.memory_space<vmem>> -> memref<128x64xi32, #tpu.memory_space<vmem>>
    tpu.wait_dma2 semaphore(%arg9 : memref<!tpu.dma_semaphore, #tpu.memory_space<semaphore_mem>>) src(%dma_wait3A_314 : memref<128x64xi32, #tpu.memory_space<vmem>>) dst(%dma_wait3A_310 : memref<128x64xi32, #tpu.memory_space<hbm>>)
    %dma_wait3A_315 = arith.constant 5 : i32
    %dma_wait3A_316 = arith.constant 0 : i32
    %dma_wait3A_317 = arith.constant 0 : i32
    %dma_wait3A_318 = tpu.memref_slice %arg7[%dma_wait3A_315, %dma_wait3A_316, %dma_wait3A_317] : memref<6x128x64xi32, #tpu.memory_space<vmem>> -> memref<1x128x64xi32, #tpu.memory_space<vmem>>
    %dma_wait3A_319 = tpu.memref_squeeze %dma_wait3A_318 : memref<1x128x64xi32, #tpu.memory_space<vmem>> -> memref<128x64xi32, #tpu.memory_space<vmem>>
    %dma_wait3A_320 = arith.constant 0 : i32
    %dma_wait3A_321 = tpu.memref_slice %arg4[%add3A_224, %dma_wait3A_320] : memref<28672x64xi32, #tpu.memory_space<hbm>> -> memref<128x64xi32, #tpu.memory_space<hbm>>
    %dma_wait3A_322 = arith.constant 0 : i32
    %dma_wait3A_323 = tpu.memref_slice %arg4[%add3A_224, %dma_wait3A_322] : memref<28672x64xi32, #tpu.memory_space<hbm>> -> memref<128x64xi32, #tpu.memory_space<hbm>>
    %dma_wait3A_324 = arith.constant 0 : i32
    %dma_wait3A_325 = arith.constant 0 : i32
    %dma_wait3A_326 = tpu.memref_slice %arg7[%dma_wait3A_315, %dma_wait3A_324, %dma_wait3A_325] : memref<6x128x64xi32, #tpu.memory_space<vmem>> -> memref<1x128x64xi32, #tpu.memory_space<vmem>>
    %dma_wait3A_327 = tpu.memref_squeeze %dma_wait3A_326 : memref<1x128x64xi32, #tpu.memory_space<vmem>> -> memref<128x64xi32, #tpu.memory_space<vmem>>
    tpu.wait_dma2 semaphore(%arg9 : memref<!tpu.dma_semaphore, #tpu.memory_space<semaphore_mem>>) src(%dma_wait3A_327 : memref<128x64xi32, #tpu.memory_space<vmem>>) dst(%dma_wait3A_323 : memref<128x64xi32, #tpu.memory_space<hbm>>)
    %dma_wait3A_328 = arith.constant 0 : i32
    %dma_wait3A_329 = arith.constant 0 : i32
    %dma_wait3A_330 = arith.constant 0 : i32
    %dma_wait3A_331 = tpu.memref_slice %arg7[%dma_wait3A_328, %dma_wait3A_329, %dma_wait3A_330] : memref<6x128x64xi32, #tpu.memory_space<vmem>> -> memref<1x128x64xi32, #tpu.memory_space<vmem>>
    %dma_wait3A_332 = tpu.memref_squeeze %dma_wait3A_331 : memref<1x128x64xi32, #tpu.memory_space<vmem>> -> memref<128x64xi32, #tpu.memory_space<vmem>>
    %dma_wait3A_333 = arith.constant 0 : i32
    %dma_wait3A_334 = tpu.memref_slice %arg4[%add3A_249, %dma_wait3A_333] : memref<28672x64xi32, #tpu.memory_space<hbm>> -> memref<128x64xi32, #tpu.memory_space<hbm>>
    %dma_wait3A_335 = arith.constant 0 : i32
    %dma_wait3A_336 = tpu.memref_slice %arg4[%add3A_249, %dma_wait3A_335] : memref<28672x64xi32, #tpu.memory_space<hbm>> -> memref<128x64xi32, #tpu.memory_space<hbm>>
    %dma_wait3A_337 = arith.constant 0 : i32
    %dma_wait3A_338 = arith.constant 0 : i32
    %dma_wait3A_339 = tpu.memref_slice %arg7[%dma_wait3A_328, %dma_wait3A_337, %dma_wait3A_338] : memref<6x128x64xi32, #tpu.memory_space<vmem>> -> memref<1x128x64xi32, #tpu.memory_space<vmem>>
    %dma_wait3A_340 = tpu.memref_squeeze %dma_wait3A_339 : memref<1x128x64xi32, #tpu.memory_space<vmem>> -> memref<128x64xi32, #tpu.memory_space<vmem>>
    tpu.wait_dma2 semaphore(%arg9 : memref<!tpu.dma_semaphore, #tpu.memory_space<semaphore_mem>>) src(%dma_wait3A_340 : memref<128x64xi32, #tpu.memory_space<vmem>>) dst(%dma_wait3A_336 : memref<128x64xi32, #tpu.memory_space<hbm>>)
    return
  }
}

module attributes {stable_mosaic.version = 14 : i64} {
  func.func @_l3_body(%arg0: memref<6272x128xf32, #tpu.memory_space<vmem>>, %arg1: memref<128x128xf32, #tpu.memory_space<vmem>>, %arg2: memref<6272x64xi32, #tpu.memory_space<vmem>>) attributes {dimension_semantics = [], scalar_prefetch = 0 : i64, scratch_operands = 0 : i64, tpu.core_type = #tpu.core_type<tc>} {
    %get3A = arith.constant 0 : index
    %get3A_0 = arith.constant 0 : index
    %get3A_1 = vector.load %arg0[%get3A, %get3A_0] : memref<6272x128xf32, #tpu.memory_space<vmem>>, vector<6272x128xf32>
    %get3A_2 = arith.constant 0 : index
    %get3A_3 = arith.constant 0 : index
    %get3A_4 = vector.load %arg1[%get3A_2, %get3A_3] : memref<128x128xf32, #tpu.memory_space<vmem>>, vector<128x128xf32>
    %dot_general3A = arith.constant dense<0.000000e+00> : vector<6272x128xf32>
    %dot_general3A_5 = tpu.matmul %get3A_1, %get3A_4, %dot_general3A {dimension_numbers = #tpu.dot_dimension_numbers<[1], [0], [0], [1], [0, 0, 1, 1], [], []>, transpose_lhs_hint = false} : vector<6272x128xf32>, vector<128x128xf32>, vector<6272x128xf32> -> vector<6272x128xf32>
    %slice3A = vector.extract_strided_slice %dot_general3A_5 {offsets = [0, 0], sizes = [6272, 64], strides = [1, 1]} : vector<6272x128xf32> to vector<6272x64xf32>
    %convert_element_type3A = arith.truncf %slice3A : vector<6272x64xf32> to vector<6272x64xbf16>
    %bitcast_convert_type3A = tpu.bitcast %convert_element_type3A : vector<6272x64xbf16> -> vector<6272x64xi16>
    %convert_element_type3A_6 = arith.extui %bitcast_convert_type3A : vector<6272x64xi16> to vector<6272x64xi32>
    %slice3A_7 = vector.extract_strided_slice %dot_general3A_5 {offsets = [0, 64], sizes = [6272, 64], strides = [1, 1]} : vector<6272x128xf32> to vector<6272x64xf32>
    %convert_element_type3A_8 = arith.truncf %slice3A_7 : vector<6272x64xf32> to vector<6272x64xbf16>
    %bitcast_convert_type3A_9 = tpu.bitcast %convert_element_type3A_8 : vector<6272x64xbf16> -> vector<6272x64xi16>
    %convert_element_type3A_10 = arith.extui %bitcast_convert_type3A_9 : vector<6272x64xi16> to vector<6272x64xi32>
    %shift_left3A = arith.constant 16 : i32
    %shift_left3A_11 = vector.broadcast %shift_left3A : i32 to vector<6272x64xi32>
    %shift_left3A_12 = arith.shli %convert_element_type3A_10, %shift_left3A_11 : vector<6272x64xi32>
    %or3A = arith.ori %convert_element_type3A_6, %shift_left3A_12 : vector<6272x64xi32>
    %bitcast_convert_type3A_13 = tpu.bitcast %or3A : vector<6272x64xi32> -> vector<6272x64xi32>
    %swap3A = arith.constant 0 : index
    %swap3A_14 = arith.constant 0 : index
    %swap3A_15 = vector.load %arg2[%swap3A, %swap3A_14] : memref<6272x64xi32, #tpu.memory_space<vmem>>, vector<6272x64xi32>
    tpu.vector_store %arg2[%swap3A, %swap3A_14], %bitcast_convert_type3A_13 {strides = array<i32>} : memref<6272x64xi32, #tpu.memory_space<vmem>>, vector<6272x64xi32>,
    return
  }
}

module attributes {stable_mosaic.version = 14 : i64} {
  func.func @_masked_body(%arg0: i32, %arg1: memref<5000x64xi32, #tpu.memory_space<vmem>>, %arg2: memref<1x1x5000xi32, #tpu.memory_space<vmem>>, %arg3: memref<5000x128xf32, #tpu.memory_space<vmem>>, %arg4: memref<128x128xf32, #tpu.memory_space<vmem>>, %arg5: memref<1024x128xbf16, #tpu.memory_space<vmem>>, %arg6: memref<5000x64xi32, #tpu.memory_space<vmem>>) attributes {dimension_semantics = [#tpu.dimension_semantics<arbitrary>], iteration_bounds = array<i64: 5>, scalar_prefetch = 0 : i64, scratch_operands = 0 : i64, tpu.core_type = #tpu.core_type<tc>, window_params = [{transform_indices = @transform_0, window_bounds = array<i64: 5000, 64>}, {transform_indices = @transform_1, window_bounds = array<i64: 1, 1, 5000>}, {transform_indices = @transform_2, window_bounds = array<i64: 5000, 128>}, {pipeline_mode = #tpu.pipeline_mode<synchronous>, transform_indices = @transform_3, window_bounds = array<i64: 128, 128>}, {pipeline_mode = #tpu.pipeline_mode<synchronous>, transform_indices = @transform_4, window_bounds = array<i64: 1024, 128>}, {transform_indices = @transform_5, window_bounds = array<i64: 5000, 64>}]} {
    %get3A = arith.constant 0 : index
    %get3A_0 = arith.constant 0 : index
    %get3A_1 = vector.load %arg1[%get3A, %get3A_0] : memref<5000x64xi32, #tpu.memory_space<vmem>>, vector<5000x64xi32>
    %bitcast_convert_type3A = tpu.bitcast %get3A_1 : vector<5000x64xi32> -> vector<5000x64xi32>
    %and3A = arith.constant 65535 : i32
    %and3A_2 = vector.broadcast %and3A : i32 to vector<5000x64xi32>
    %and3A_3 = arith.andi %bitcast_convert_type3A, %and3A_2 : vector<5000x64xi32>
    %convert_element_type3A = arith.trunci %and3A_3 : vector<5000x64xi32> to vector<5000x64xi16>
    %bitcast_convert_type3A_4 = tpu.bitcast %convert_element_type3A : vector<5000x64xi16> -> vector<5000x64xbf16>
    %shift_right_logical3A = arith.constant 16 : i32
    %shift_right_logical3A_5 = vector.broadcast %shift_right_logical3A : i32 to vector<5000x64xi32>
    %shift_right_logical3A_6 = arith.shrui %bitcast_convert_type3A, %shift_right_logical3A_5 : vector<5000x64xi32>
    %convert_element_type3A_7 = arith.trunci %shift_right_logical3A_6 : vector<5000x64xi32> to vector<5000x64xi16>
    %bitcast_convert_type3A_8 = tpu.bitcast %convert_element_type3A_7 : vector<5000x64xi16> -> vector<5000x64xbf16>
    %concatenate3A = tpu.concatenate %bitcast_convert_type3A_4, %bitcast_convert_type3A_8 in 1 : vector<5000x64xbf16>, vector<5000x64xbf16> -> vector<5000x128xbf16>
    %get3A_9 = arith.constant 0 : index
    %get3A_10 = arith.constant 0 : index
    %get3A_11 = arith.constant 0 : index
    %get3A_12 = vector.load %arg2[%get3A_9, %get3A_10, %get3A_11] : memref<1x1x5000xi32, #tpu.memory_space<vmem>>, vector<1x1x5000xi32>
    %get3A_13 = vector.shape_cast %get3A_12 : vector<1x1x5000xi32> to vector<1x5000xi32>
    %convert_element_type3A_14 = arith.sitofp %get3A_13 : vector<1x5000xi32> to vector<1x5000xbf16>
    %transpose3A = tpu.transpose %convert_element_type3A_14, [1, 0] : vector<1x5000xbf16> -> vector<5000x1xbf16>
    %broadcast_in_dim3A = vector.shape_cast %transpose3A : vector<5000x1xbf16> to vector<5000x1xbf16>
    %broadcast_in_dim3A_15 = vector.broadcast %broadcast_in_dim3A : vector<5000x1xbf16> to vector<5000x128xbf16>
    %eq3A = arith.constant 0.000000e+00 : bf16
    %eq3A_16 = vector.broadcast %eq3A : bf16 to vector<5000x128xbf16>
    %eq3A_17 = arith.cmpf oeq, %broadcast_in_dim3A_15, %eq3A_16 : vector<5000x128xbf16>
    %jit3A = arith.constant 0 : i32
    %convert_element_type3A_18 = arith.sitofp %jit3A : i32 to bf16
    %broadcast_in_dim3A_19 = vector.broadcast %convert_element_type3A_18 : bf16 to vector<5000x128xbf16>
    %select_n3A = arith.select %eq3A_17, %concatenate3A, %broadcast_in_dim3A_19 : vector<5000x128xi1>, vector<5000x128xbf16>
    %eq3A_20 = arith.constant 1.000000e+00 : bf16
    %eq3A_21 = vector.broadcast %eq3A_20 : bf16 to vector<5000x128xbf16>
    %eq3A_22 = arith.cmpf oeq, %broadcast_in_dim3A_15, %eq3A_21 : vector<5000x128xbf16>
    %jit3A_23 = arith.constant 0 : i32
    %convert_element_type3A_24 = arith.sitofp %jit3A_23 : i32 to bf16
    %broadcast_in_dim3A_25 = vector.broadcast %convert_element_type3A_24 : bf16 to vector<5000x128xbf16>
    %select_n3A_26 = arith.select %eq3A_22, %concatenate3A, %broadcast_in_dim3A_25 : vector<5000x128xi1>, vector<5000x128xbf16>
    %eq3A_27 = arith.constant 2.000000e+00 : bf16
    %eq3A_28 = vector.broadcast %eq3A_27 : bf16 to vector<5000x128xbf16>
    %eq3A_29 = arith.cmpf oeq, %broadcast_in_dim3A_15, %eq3A_28 : vector<5000x128xbf16>
    %jit3A_30 = arith.constant 0 : i32
    %convert_element_type3A_31 = arith.sitofp %jit3A_30 : i32 to bf16
    %broadcast_in_dim3A_32 = vector.broadcast %convert_element_type3A_31 : bf16 to vector<5000x128xbf16>
    %select_n3A_33 = arith.select %eq3A_29, %concatenate3A, %broadcast_in_dim3A_32 : vector<5000x128xi1>, vector<5000x128xbf16>
    %eq3A_34 = arith.constant 3.000000e+00 : bf16
    %eq3A_35 = vector.broadcast %eq3A_34 : bf16 to vector<5000x128xbf16>
    %eq3A_36 = arith.cmpf oeq, %broadcast_in_dim3A_15, %eq3A_35 : vector<5000x128xbf16>
    %jit3A_37 = arith.constant 0 : i32
    %convert_element_type3A_38 = arith.sitofp %jit3A_37 : i32 to bf16
    %broadcast_in_dim3A_39 = vector.broadcast %convert_element_type3A_38 : bf16 to vector<5000x128xbf16>
    %select_n3A_40 = arith.select %eq3A_36, %concatenate3A, %broadcast_in_dim3A_39 : vector<5000x128xi1>, vector<5000x128xbf16>
    %eq3A_41 = arith.constant 4.000000e+00 : bf16
    %eq3A_42 = vector.broadcast %eq3A_41 : bf16 to vector<5000x128xbf16>
    %eq3A_43 = arith.cmpf oeq, %broadcast_in_dim3A_15, %eq3A_42 : vector<5000x128xbf16>
    %jit3A_44 = arith.constant 0 : i32
    %convert_element_type3A_45 = arith.sitofp %jit3A_44 : i32 to bf16
    %broadcast_in_dim3A_46 = vector.broadcast %convert_element_type3A_45 : bf16 to vector<5000x128xbf16>
    %select_n3A_47 = arith.select %eq3A_43, %concatenate3A, %broadcast_in_dim3A_46 : vector<5000x128xi1>, vector<5000x128xbf16>
    %eq3A_48 = arith.constant 5.000000e+00 : bf16
    %eq3A_49 = vector.broadcast %eq3A_48 : bf16 to vector<5000x128xbf16>
    %eq3A_50 = arith.cmpf oeq, %broadcast_in_dim3A_15, %eq3A_49 : vector<5000x128xbf16>
    %jit3A_51 = arith.constant 0 : i32
    %convert_element_type3A_52 = arith.sitofp %jit3A_51 : i32 to bf16
    %broadcast_in_dim3A_53 = vector.broadcast %convert_element_type3A_52 : bf16 to vector<5000x128xbf16>
    %select_n3A_54 = arith.select %eq3A_50, %concatenate3A, %broadcast_in_dim3A_53 : vector<5000x128xi1>, vector<5000x128xbf16>
    %eq3A_55 = arith.constant 6.000000e+00 : bf16
    %eq3A_56 = vector.broadcast %eq3A_55 : bf16 to vector<5000x128xbf16>
    %eq3A_57 = arith.cmpf oeq, %broadcast_in_dim3A_15, %eq3A_56 : vector<5000x128xbf16>
    %jit3A_58 = arith.constant 0 : i32
    %convert_element_type3A_59 = arith.sitofp %jit3A_58 : i32 to bf16
    %broadcast_in_dim3A_60 = vector.broadcast %convert_element_type3A_59 : bf16 to vector<5000x128xbf16>
    %select_n3A_61 = arith.select %eq3A_57, %concatenate3A, %broadcast_in_dim3A_60 : vector<5000x128xi1>, vector<5000x128xbf16>
    %eq3A_62 = arith.constant 7.000000e+00 : bf16
    %eq3A_63 = vector.broadcast %eq3A_62 : bf16 to vector<5000x128xbf16>
    %eq3A_64 = arith.cmpf oeq, %broadcast_in_dim3A_15, %eq3A_63 : vector<5000x128xbf16>
    %jit3A_65 = arith.constant 0 : i32
    %convert_element_type3A_66 = arith.sitofp %jit3A_65 : i32 to bf16
    %broadcast_in_dim3A_67 = vector.broadcast %convert_element_type3A_66 : bf16 to vector<5000x128xbf16>
    %select_n3A_68 = arith.select %eq3A_64, %concatenate3A, %broadcast_in_dim3A_67 : vector<5000x128xi1>, vector<5000x128xbf16>
    %concatenate3A_69 = tpu.concatenate %select_n3A, %select_n3A_26, %select_n3A_33, %select_n3A_40, %select_n3A_47, %select_n3A_54, %select_n3A_61, %select_n3A_68 in 1 : vector<5000x128xbf16>, vector<5000x128xbf16>, vector<5000x128xbf16>, vector<5000x128xbf16>, vector<5000x128xbf16>, vector<5000x128xbf16>, vector<5000x128xbf16>, vector<5000x128xbf16> -> vector<5000x1024xbf16>
    %get3A_70 = arith.constant 0 : index
    %get3A_71 = arith.constant 0 : index
    %get3A_72 = vector.load %arg5[%get3A_70, %get3A_71] : memref<1024x128xbf16, #tpu.memory_space<vmem>>, vector<1024x128xbf16>
    %dot_general3A = arith.constant dense<0.000000e+00> : vector<5000x128xf32>
    %dot_general3A_73 = tpu.matmul %concatenate3A_69, %get3A_72, %dot_general3A {dimension_numbers = #tpu.dot_dimension_numbers<[1], [0], [0], [1], [0, 0, 1, 1], [], []>, transpose_lhs_hint = false} : vector<5000x1024xbf16>, vector<1024x128xbf16>, vector<5000x128xf32> -> vector<5000x128xf32>
    %get3A_74 = arith.constant 0 : index
    %get3A_75 = arith.constant 0 : index
    %get3A_76 = vector.load %arg3[%get3A_74, %get3A_75] : memref<5000x128xf32, #tpu.memory_space<vmem>>, vector<5000x128xf32>
    %get3A_77 = arith.constant 0 : index
    %get3A_78 = arith.constant 0 : index
    %get3A_79 = vector.load %arg4[%get3A_77, %get3A_78] : memref<128x128xf32, #tpu.memory_space<vmem>>, vector<128x128xf32>
    %dot_general3A_80 = arith.constant dense<0.000000e+00> : vector<5000x128xf32>
    %dot_general3A_81 = tpu.matmul %get3A_76, %get3A_79, %dot_general3A_80 {dimension_numbers = #tpu.dot_dimension_numbers<[1], [0], [0], [1], [0, 0, 1, 1], [], []>, transpose_lhs_hint = false} : vector<5000x128xf32>, vector<128x128xf32>, vector<5000x128xf32> -> vector<5000x128xf32>
    %add3A = arith.addf %dot_general3A_73, %dot_general3A_81 : vector<5000x128xf32>
    %slice3A = vector.extract_strided_slice %add3A {offsets = [0, 0], sizes = [5000, 64], strides = [1, 1]} : vector<5000x128xf32> to vector<5000x64xf32>
    %convert_element_type3A_82 = arith.truncf %slice3A : vector<5000x64xf32> to vector<5000x64xbf16>
    %bitcast_convert_type3A_83 = tpu.bitcast %convert_element_type3A_82 : vector<5000x64xbf16> -> vector<5000x64xi16>
    %convert_element_type3A_84 = arith.extui %bitcast_convert_type3A_83 : vector<5000x64xi16> to vector<5000x64xi32>
    %slice3A_85 = vector.extract_strided_slice %add3A {offsets = [0, 64], sizes = [5000, 64], strides = [1, 1]} : vector<5000x128xf32> to vector<5000x64xf32>
    %convert_element_type3A_86 = arith.truncf %slice3A_85 : vector<5000x64xf32> to vector<5000x64xbf16>
    %bitcast_convert_type3A_87 = tpu.bitcast %convert_element_type3A_86 : vector<5000x64xbf16> -> vector<5000x64xi16>
    %convert_element_type3A_88 = arith.extui %bitcast_convert_type3A_87 : vector<5000x64xi16> to vector<5000x64xi32>
    %shift_left3A = arith.constant 16 : i32
    %shift_left3A_89 = vector.broadcast %shift_left3A : i32 to vector<5000x64xi32>
    %shift_left3A_90 = arith.shli %convert_element_type3A_88, %shift_left3A_89 : vector<5000x64xi32>
    %or3A = arith.ori %convert_element_type3A_84, %shift_left3A_90 : vector<5000x64xi32>
    %bitcast_convert_type3A_91 = tpu.bitcast %or3A : vector<5000x64xi32> -> vector<5000x64xi32>
    %swap3A = arith.constant 0 : index
    %swap3A_92 = arith.constant 0 : index
    %swap3A_93 = vector.load %arg6[%swap3A, %swap3A_92] : memref<5000x64xi32, #tpu.memory_space<vmem>>, vector<5000x64xi32>
    tpu.vector_store %arg6[%swap3A, %swap3A_92], %bitcast_convert_type3A_91 {strides = array<i32>} : memref<5000x64xi32, #tpu.memory_space<vmem>>, vector<5000x64xi32>,
    return
  }
  func.func @transform_0(%arg0: i32) -> (i32, i32) {
    %c0_i32 = arith.constant 0 : i32
    %c0_i32_0 = arith.constant 0 : i32
    return %arg0, %c0_i32 : i32, i32
  }
  func.func @transform_1(%arg0: i32) -> (i32, i32, i32) {
    %c0_i32 = arith.constant 0 : i32
    %c0_i32_0 = arith.constant 0 : i32
    %c0_i32_1 = arith.constant 0 : i32
    return %arg0, %c0_i32, %c0_i32_0 : i32, i32, i32
  }
  func.func @transform_2(%arg0: i32) -> (i32, i32) {
    %c0_i32 = arith.constant 0 : i32
    %c0_i32_0 = arith.constant 0 : i32
    return %arg0, %c0_i32 : i32, i32
  }
  func.func @transform_3(%arg0: i32) -> (i32, i32) {
    %c0_i32 = arith.constant 0 : i32
    %c0_i32_0 = arith.constant 0 : i32
    %c0_i32_1 = arith.constant 0 : i32
    return %c0_i32, %c0_i32_0 : i32, i32
  }
  func.func @transform_4(%arg0: i32) -> (i32, i32) {
    %c0_i32 = arith.constant 0 : i32
    %c0_i32_0 = arith.constant 0 : i32
    %c0_i32_1 = arith.constant 0 : i32
    return %c0_i32, %c0_i32_0 : i32, i32
  }
  func.func @transform_5(%arg0: i32) -> (i32, i32) {
    %c0_i32 = arith.constant 0 : i32
    %c0_i32_0 = arith.constant 0 : i32
    return %arg0, %c0_i32 : i32, i32
  }
}

module attributes {stable_mosaic.version = 14 : i64} {
  func.func @_masked_body(%arg0: i32, %arg1: memref<5000x64xi32, #tpu.memory_space<vmem>>, %arg2: memref<1x1x5000xi32, #tpu.memory_space<vmem>>, %arg3: memref<5000x128xf32, #tpu.memory_space<vmem>>, %arg4: memref<128x128xf32, #tpu.memory_space<vmem>>, %arg5: memref<1024x128xbf16, #tpu.memory_space<vmem>>, %arg6: memref<5000x128xf32, #tpu.memory_space<vmem>>) attributes {dimension_semantics = [#tpu.dimension_semantics<arbitrary>], iteration_bounds = array<i64: 20>, scalar_prefetch = 0 : i64, scratch_operands = 0 : i64, tpu.core_type = #tpu.core_type<tc>, window_params = [{transform_indices = @transform_0, window_bounds = array<i64: 5000, 64>}, {transform_indices = @transform_1, window_bounds = array<i64: 1, 1, 5000>}, {transform_indices = @transform_2, window_bounds = array<i64: 5000, 128>}, {pipeline_mode = #tpu.pipeline_mode<synchronous>, transform_indices = @transform_3, window_bounds = array<i64: 128, 128>}, {pipeline_mode = #tpu.pipeline_mode<synchronous>, transform_indices = @transform_4, window_bounds = array<i64: 1024, 128>}, {transform_indices = @transform_5, window_bounds = array<i64: 5000, 128>}]} {
    %get3A = arith.constant 0 : index
    %get3A_0 = arith.constant 0 : index
    %get3A_1 = vector.load %arg1[%get3A, %get3A_0] : memref<5000x64xi32, #tpu.memory_space<vmem>>, vector<5000x64xi32>
    %bitcast_convert_type3A = tpu.bitcast %get3A_1 : vector<5000x64xi32> -> vector<5000x64xi32>
    %and3A = arith.constant 65535 : i32
    %and3A_2 = vector.broadcast %and3A : i32 to vector<5000x64xi32>
    %and3A_3 = arith.andi %bitcast_convert_type3A, %and3A_2 : vector<5000x64xi32>
    %convert_element_type3A = arith.trunci %and3A_3 : vector<5000x64xi32> to vector<5000x64xi16>
    %bitcast_convert_type3A_4 = tpu.bitcast %convert_element_type3A : vector<5000x64xi16> -> vector<5000x64xbf16>
    %shift_right_logical3A = arith.constant 16 : i32
    %shift_right_logical3A_5 = vector.broadcast %shift_right_logical3A : i32 to vector<5000x64xi32>
    %shift_right_logical3A_6 = arith.shrui %bitcast_convert_type3A, %shift_right_logical3A_5 : vector<5000x64xi32>
    %convert_element_type3A_7 = arith.trunci %shift_right_logical3A_6 : vector<5000x64xi32> to vector<5000x64xi16>
    %bitcast_convert_type3A_8 = tpu.bitcast %convert_element_type3A_7 : vector<5000x64xi16> -> vector<5000x64xbf16>
    %concatenate3A = tpu.concatenate %bitcast_convert_type3A_4, %bitcast_convert_type3A_8 in 1 : vector<5000x64xbf16>, vector<5000x64xbf16> -> vector<5000x128xbf16>
    %get3A_9 = arith.constant 0 : index
    %get3A_10 = arith.constant 0 : index
    %get3A_11 = arith.constant 0 : index
    %get3A_12 = vector.load %arg2[%get3A_9, %get3A_10, %get3A_11] : memref<1x1x5000xi32, #tpu.memory_space<vmem>>, vector<1x1x5000xi32>
    %get3A_13 = vector.shape_cast %get3A_12 : vector<1x1x5000xi32> to vector<1x5000xi32>
    %convert_element_type3A_14 = arith.sitofp %get3A_13 : vector<1x5000xi32> to vector<1x5000xbf16>
    %transpose3A = tpu.transpose %convert_element_type3A_14, [1, 0] : vector<1x5000xbf16> -> vector<5000x1xbf16>
    %broadcast_in_dim3A = vector.shape_cast %transpose3A : vector<5000x1xbf16> to vector<5000x1xbf16>
    %broadcast_in_dim3A_15 = vector.broadcast %broadcast_in_dim3A : vector<5000x1xbf16> to vector<5000x128xbf16>
    %eq3A = arith.constant 0.000000e+00 : bf16
    %eq3A_16 = vector.broadcast %eq3A : bf16 to vector<5000x128xbf16>
    %eq3A_17 = arith.cmpf oeq, %broadcast_in_dim3A_15, %eq3A_16 : vector<5000x128xbf16>
    %jit3A = arith.constant 0 : i32
    %convert_element_type3A_18 = arith.sitofp %jit3A : i32 to bf16
    %broadcast_in_dim3A_19 = vector.broadcast %convert_element_type3A_18 : bf16 to vector<5000x128xbf16>
    %select_n3A = arith.select %eq3A_17, %concatenate3A, %broadcast_in_dim3A_19 : vector<5000x128xi1>, vector<5000x128xbf16>
    %eq3A_20 = arith.constant 1.000000e+00 : bf16
    %eq3A_21 = vector.broadcast %eq3A_20 : bf16 to vector<5000x128xbf16>
    %eq3A_22 = arith.cmpf oeq, %broadcast_in_dim3A_15, %eq3A_21 : vector<5000x128xbf16>
    %jit3A_23 = arith.constant 0 : i32
    %convert_element_type3A_24 = arith.sitofp %jit3A_23 : i32 to bf16
    %broadcast_in_dim3A_25 = vector.broadcast %convert_element_type3A_24 : bf16 to vector<5000x128xbf16>
    %select_n3A_26 = arith.select %eq3A_22, %concatenate3A, %broadcast_in_dim3A_25 : vector<5000x128xi1>, vector<5000x128xbf16>
    %eq3A_27 = arith.constant 2.000000e+00 : bf16
    %eq3A_28 = vector.broadcast %eq3A_27 : bf16 to vector<5000x128xbf16>
    %eq3A_29 = arith.cmpf oeq, %broadcast_in_dim3A_15, %eq3A_28 : vector<5000x128xbf16>
    %jit3A_30 = arith.constant 0 : i32
    %convert_element_type3A_31 = arith.sitofp %jit3A_30 : i32 to bf16
    %broadcast_in_dim3A_32 = vector.broadcast %convert_element_type3A_31 : bf16 to vector<5000x128xbf16>
    %select_n3A_33 = arith.select %eq3A_29, %concatenate3A, %broadcast_in_dim3A_32 : vector<5000x128xi1>, vector<5000x128xbf16>
    %eq3A_34 = arith.constant 3.000000e+00 : bf16
    %eq3A_35 = vector.broadcast %eq3A_34 : bf16 to vector<5000x128xbf16>
    %eq3A_36 = arith.cmpf oeq, %broadcast_in_dim3A_15, %eq3A_35 : vector<5000x128xbf16>
    %jit3A_37 = arith.constant 0 : i32
    %convert_element_type3A_38 = arith.sitofp %jit3A_37 : i32 to bf16
    %broadcast_in_dim3A_39 = vector.broadcast %convert_element_type3A_38 : bf16 to vector<5000x128xbf16>
    %select_n3A_40 = arith.select %eq3A_36, %concatenate3A, %broadcast_in_dim3A_39 : vector<5000x128xi1>, vector<5000x128xbf16>
    %eq3A_41 = arith.constant 4.000000e+00 : bf16
    %eq3A_42 = vector.broadcast %eq3A_41 : bf16 to vector<5000x128xbf16>
    %eq3A_43 = arith.cmpf oeq, %broadcast_in_dim3A_15, %eq3A_42 : vector<5000x128xbf16>
    %jit3A_44 = arith.constant 0 : i32
    %convert_element_type3A_45 = arith.sitofp %jit3A_44 : i32 to bf16
    %broadcast_in_dim3A_46 = vector.broadcast %convert_element_type3A_45 : bf16 to vector<5000x128xbf16>
    %select_n3A_47 = arith.select %eq3A_43, %concatenate3A, %broadcast_in_dim3A_46 : vector<5000x128xi1>, vector<5000x128xbf16>
    %eq3A_48 = arith.constant 5.000000e+00 : bf16
    %eq3A_49 = vector.broadcast %eq3A_48 : bf16 to vector<5000x128xbf16>
    %eq3A_50 = arith.cmpf oeq, %broadcast_in_dim3A_15, %eq3A_49 : vector<5000x128xbf16>
    %jit3A_51 = arith.constant 0 : i32
    %convert_element_type3A_52 = arith.sitofp %jit3A_51 : i32 to bf16
    %broadcast_in_dim3A_53 = vector.broadcast %convert_element_type3A_52 : bf16 to vector<5000x128xbf16>
    %select_n3A_54 = arith.select %eq3A_50, %concatenate3A, %broadcast_in_dim3A_53 : vector<5000x128xi1>, vector<5000x128xbf16>
    %eq3A_55 = arith.constant 6.000000e+00 : bf16
    %eq3A_56 = vector.broadcast %eq3A_55 : bf16 to vector<5000x128xbf16>
    %eq3A_57 = arith.cmpf oeq, %broadcast_in_dim3A_15, %eq3A_56 : vector<5000x128xbf16>
    %jit3A_58 = arith.constant 0 : i32
    %convert_element_type3A_59 = arith.sitofp %jit3A_58 : i32 to bf16
    %broadcast_in_dim3A_60 = vector.broadcast %convert_element_type3A_59 : bf16 to vector<5000x128xbf16>
    %select_n3A_61 = arith.select %eq3A_57, %concatenate3A, %broadcast_in_dim3A_60 : vector<5000x128xi1>, vector<5000x128xbf16>
    %eq3A_62 = arith.constant 7.000000e+00 : bf16
    %eq3A_63 = vector.broadcast %eq3A_62 : bf16 to vector<5000x128xbf16>
    %eq3A_64 = arith.cmpf oeq, %broadcast_in_dim3A_15, %eq3A_63 : vector<5000x128xbf16>
    %jit3A_65 = arith.constant 0 : i32
    %convert_element_type3A_66 = arith.sitofp %jit3A_65 : i32 to bf16
    %broadcast_in_dim3A_67 = vector.broadcast %convert_element_type3A_66 : bf16 to vector<5000x128xbf16>
    %select_n3A_68 = arith.select %eq3A_64, %concatenate3A, %broadcast_in_dim3A_67 : vector<5000x128xi1>, vector<5000x128xbf16>
    %concatenate3A_69 = tpu.concatenate %select_n3A, %select_n3A_26, %select_n3A_33, %select_n3A_40, %select_n3A_47, %select_n3A_54, %select_n3A_61, %select_n3A_68 in 1 : vector<5000x128xbf16>, vector<5000x128xbf16>, vector<5000x128xbf16>, vector<5000x128xbf16>, vector<5000x128xbf16>, vector<5000x128xbf16>, vector<5000x128xbf16>, vector<5000x128xbf16> -> vector<5000x1024xbf16>
    %get3A_70 = arith.constant 0 : index
    %get3A_71 = arith.constant 0 : index
    %get3A_72 = vector.load %arg5[%get3A_70, %get3A_71] : memref<1024x128xbf16, #tpu.memory_space<vmem>>, vector<1024x128xbf16>
    %dot_general3A = arith.constant dense<0.000000e+00> : vector<5000x128xf32>
    %dot_general3A_73 = tpu.matmul %concatenate3A_69, %get3A_72, %dot_general3A {dimension_numbers = #tpu.dot_dimension_numbers<[1], [0], [0], [1], [0, 0, 1, 1], [], []>, transpose_lhs_hint = false} : vector<5000x1024xbf16>, vector<1024x128xbf16>, vector<5000x128xf32> -> vector<5000x128xf32>
    %get3A_74 = arith.constant 0 : index
    %get3A_75 = arith.constant 0 : index
    %get3A_76 = vector.load %arg3[%get3A_74, %get3A_75] : memref<5000x128xf32, #tpu.memory_space<vmem>>, vector<5000x128xf32>
    %get3A_77 = arith.constant 0 : index
    %get3A_78 = arith.constant 0 : index
    %get3A_79 = vector.load %arg4[%get3A_77, %get3A_78] : memref<128x128xf32, #tpu.memory_space<vmem>>, vector<128x128xf32>
    %dot_general3A_80 = arith.constant dense<0.000000e+00> : vector<5000x128xf32>
    %dot_general3A_81 = tpu.matmul %get3A_76, %get3A_79, %dot_general3A_80 {dimension_numbers = #tpu.dot_dimension_numbers<[1], [0], [0], [1], [0, 0, 1, 1], [], []>, transpose_lhs_hint = false} : vector<5000x128xf32>, vector<128x128xf32>, vector<5000x128xf32> -> vector<5000x128xf32>
    %add3A = arith.addf %dot_general3A_73, %dot_general3A_81 : vector<5000x128xf32>
    %swap3A = arith.constant 0 : index
    %swap3A_82 = arith.constant 0 : index
    %swap3A_83 = vector.load %arg6[%swap3A, %swap3A_82] : memref<5000x128xf32, #tpu.memory_space<vmem>>, vector<5000x128xf32>
    tpu.vector_store %arg6[%swap3A, %swap3A_82], %add3A {strides = array<i32>} : memref<5000x128xf32, #tpu.memory_space<vmem>>, vector<5000x128xf32>,
    return
  }
  func.func @transform_0(%arg0: i32) -> (i32, i32) {
    %c0_i32 = arith.constant 0 : i32
    %c0_i32_0 = arith.constant 0 : i32
    return %arg0, %c0_i32 : i32, i32
  }
  func.func @transform_1(%arg0: i32) -> (i32, i32, i32) {
    %c0_i32 = arith.constant 0 : i32
    %c0_i32_0 = arith.constant 0 : i32
    %c0_i32_1 = arith.constant 0 : i32
    return %arg0, %c0_i32, %c0_i32_0 : i32, i32, i32
  }
  func.func @transform_2(%arg0: i32) -> (i32, i32) {
    %c0_i32 = arith.constant 0 : i32
    %c0_i32_0 = arith.constant 0 : i32
    return %arg0, %c0_i32 : i32, i32
  }
  func.func @transform_3(%arg0: i32) -> (i32, i32) {
    %c0_i32 = arith.constant 0 : i32
    %c0_i32_0 = arith.constant 0 : i32
    %c0_i32_1 = arith.constant 0 : i32
    return %c0_i32, %c0_i32_0 : i32, i32
  }
  func.func @transform_4(%arg0: i32) -> (i32, i32) {
    %c0_i32 = arith.constant 0 : i32
    %c0_i32_0 = arith.constant 0 : i32
    %c0_i32_1 = arith.constant 0 : i32
    return %c0_i32, %c0_i32_0 : i32, i32
  }
  func.func @transform_5(%arg0: i32) -> (i32, i32) {
    %c0_i32 = arith.constant 0 : i32
    %c0_i32_0 = arith.constant 0 : i32
    return %arg0, %c0_i32 : i32, i32
  }
}

</mosaic_0001>

<sc_bundles>
// kernel: kernel.10.cloned.1.call-start
scs
__scs_entry_jumppad:
0x0: {  	(pc) =	sbr.rel $0x88, $3  }
0x1: {  	(tag) =	ssettag $0x0;
	lr =	simm.s32 $0x1  }
0x2: {  	[smem:$0x3F95] =	sst lr;
	_ =	strace $0xD0000000  }
0x3: {  	_ = 	snop  }
0x4: {  	_ = 	snop  }
0x5: {  	_ = 	snop  }
0x6: {  	_ = 	snop  }
0x7: {  	_ = 	snop  }
__scs_overlays_trampoline_lowered:
0x8: {  	[smem:$0x3FA4] =	sst s0  }
0x9: {  	[smem:$0x3FA5] =	sst s1  }
0xa: {  	[smem:$0x3FA6] =	sst s2  }
0xb: {  	[smem:$0x3FA7] =	sst s3  }
0xc: {  	[smem:$0x3FA8] =	sst s4  }
0xd: {  	[smem:$0x3FA9] =	sst s5  }
0xe: {  	[smem:$0x3FAA] =	sst s6  }
0xf: {  	[smem:$0x3FAB] =	sst s7  }
0x10: {  	[smem:$0x3FAC] =	sst s8  }
0x11: {  	[smem:$0x3FAD] =	sst s9;
	s0 =	simm.s32 @!p0 $0x0  }
0x12: {  	s1 =	sld [smem:$0x3F93];
	s0 =	simm.s32 @p0 $0x1  }
0x13: {  	[smem:$0x3FAE] =	sst s0;
	s0 =	simm.s32 @!p1 $0x0  }
0x14: {  	s2 =	sld [smem:$0x3F92];
	s0 =	simm.s32 @p1 $0x1  }
0x15: {  	[smem:$0x3FAF] =	sst s0;
	s0 =	simm.s32 @!p2 $0x0  }
0x16: {  	s3 =	sld [smem:$0x3FDB];
	s0 =	simm.s32 @p2 $0x1  }
0x17: {  	s4 =	simm.s32 $0x1BF5;
	[smem:$0x3FB1] =	sst s0  }
0x18: {  	s0 =	sld [smem:$0x3F94];
	_ =	swait.ge [sflag:s4], $0x0  }
0x19: {  	s7 =	sld [smem:$0x3F95]  }
0x1a: {  	s8 =	sadd.s32 $0xFFFFE003, lr  }
0x1b: {  	s9 =	sadd.s32 $0xFFFFFEF7, lr;
	s5 =	simm.s32 $0xFFFFFFFF;
	p2 =	slt.u32 s8, $0xFFFFF086  }
0x1c: {  	p1 =	slt.u32 s9, $0xF7A;
	s5 =	simm.s32 @!p2 $0x0  }
0x1d: {  	s5 =	simm.s32 @p1 $0x1;
	p0 =	seq.s32 s7, s2  }
0x1e: {  	s7 =	smul.u32 @!p0 $0xF7A, s2;
	p2 =	seq.s32 @!p0 s5, $0x0  }
0x1f: {  	s9 =	smul.u32 $0xF7A, s1;
	s8 =	simm.s32 @!p0 $0x1BF5;
	p2 =	por !p2, p0  }
0x20: {  	[sflag:s8] =	ssyncset.s32 @!p0 $0xFFFFF086;
	s6 =	sadd.s32 @!p0 s3, s7;
	s7 =	simm.s32 @!p0 $0x108  }
0x21: {  	s3 =	sadd.s32 s3, s9;
	s6 =	sadd.s32 @!p0 $0x88, s6;
	s7 =	simm.s32 @p2 $0x1082  }
0x22: {  	[simem:s7], [sflag:s8] =	dma.local @!p0 [hbm:s6], $0xF7A  }
0x23: {  	s9 =	sor.u32 $0xD0000000, s2;
	s6 =	simm.s32 $0x108;
	_ =	swait.ge @!p0 [sflag:s8], $0x0  }
0x24: {  	s3 =	sadd.s32 $0x88, s3;
	s6 =	simm.s32 @!p1 $0x1082;
	[sflag:s4] =	ssyncset.s32 $0xFFFFF086  }
0x25: {  	[simem:s6], [sflag:s4] =	dma.local [hbm:s3], $0xF7A  }
0x26: {  	[smem:$0x3F95] =	sst s1;
	(tag) =	ssettag s2;
	_ =	strace s9  }
0x27: {  	s1 =	sld [smem:$0x3FA5]  }
0x28: {  	s2 =	sld [smem:$0x3FA6]  }
0x29: {  	s4 =	sld [smem:$0x3FA8]  }
0x2a: {  	p0 =	seq.s32 s5, $0x0;
	s5 =	sld [smem:$0x3FA9]  }
0x2b: {  	s6 =	sld [smem:$0x3FAA]  }
0x2c: {  	s7 =	sld [smem:$0x3FAB]  }
0x2d: {  	s3 =	simm.s32 $0x108;
	s8 =	sld [smem:$0x3FAC]  }
0x2e: {  	s3 =	simm.s32 @!p0 $0x1082;
	s9 =	sld [smem:$0x3FAD]  }
0x2f: {  	lr =	sadd.s32 s0, s3;
	s0 =	sld [smem:$0x3FA4]  }
0x30: {  	s3 =	sld [smem:$0x3FA7]  }
0x31: {  	[smem:$0x3FB0] =	sst s10  }
0x32: {  	s10 =	sld [smem:$0x3FAE];
	_ =	sdelay $0x3  }
0x33: {  	p0 =	seq.s32 s10, $0x1;
	s10 =	sld [smem:$0x3FB0];
	_ =	sdelay $0x3  }
0x34: {  	[smem:$0x3FB0] =	sst s10  }
0x35: {  	s10 =	sld [smem:$0x3FAF];
	_ =	sdelay $0x3  }
0x36: {  	p1 =	seq.s32 s10, $0x1;
	s10 =	sld [smem:$0x3FB0];
	_ =	sdelay $0x3  }
0x37: {  	[smem:$0x3FB0] =	sst s10  }
0x38: {  	s10 =	sld [smem:$0x3FB1]  }
0x39: {  	_ = 	snop;
	(pc) =	sbr.ind lr, $3  }
0x3a: {  	_ = 	snop  }
0x3b: {  	_ = 	snop  }
0x3c: {  	p2 =	seq.s32 s10, $0x1;
	s10 =	sld [smem:$0x3FB0]  }
0x3d: {  	_ =	shalt  }
0x3e: {  	_ =	shalt  }
0x3f: {  	_ =	shalt  }
0x40: {  	_ =	shalt  }
0x41: {  	_ =	shalt  }
0x42: {  	_ =	shalt  }
0x43: {  	_ =	shalt  }
0x44: {  	_ =	shalt  }
0x45: {  	_ =	shalt  }
0x46: {  	_ =	shalt  }
0x47: {  	_ =	shalt  }
0x48: {  	_ =	shalt  }
0x49: {  	_ =	shalt  }
0x4a: {  	_ =	shalt  }
0x4b: {  	_ =	shalt  }
0x4c: {  	_ =	shalt  }
0x4d: {  	_ =	shalt  }
0x4e: {  	_ =	shalt  }
0x4f: {  	_ =	shalt  }
0x50: {  	_ =	shalt  }
0x51: {  	_ =	shalt  }
0x52: {  	_ =	shalt  }
0x53: {  	_ =	shalt  }
0x54: {  	_ =	shalt  }
0x55: {  	_ =	shalt  }
0x56: {  	_ =	shalt  }
0x57: {  	_ =	shalt  }
0x58: {  	_ =	shalt  }
0x59: {  	_ =	shalt  }
0x5a: {  	_ =	shalt  }
0x5b: {  	_ =	shalt  }
0x5c: {  	_ =	shalt  }
0x5d: {  	_ =	shalt  }
0x5e: {  	_ =	shalt  }
0x5f: {  	_ =	shalt  }
0x60: {  	_ =	shalt  }
0x61: {  	_ =	shalt  }
0x62: {  	_ =	shalt  }
0x63: {  	_ =	shalt  }
0x64: {  	_ =	shalt  }
0x65: {  	_ =	shalt  }
0x66: {  	_ =	shalt  }
0x67: {  	_ =	shalt  }
0x68: {  	_ =	shalt  }
0x69: {  	_ =	shalt  }
0x6a: {  	_ =	shalt  }
0x6b: {  	_ =	shalt  }
0x6c: {  	_ =	shalt  }
0x6d: {  	_ =	shalt  }
0x6e: {  	_ =	shalt  }
0x6f: {  	_ =	shalt  }
0x70: {  	_ =	shalt  }
0x71: {  	_ =	shalt  }
0x72: {  	_ =	shalt  }
0x73: {  	_ =	shalt  }
0x74: {  	_ =	shalt  }
0x75: {  	_ =	shalt  }
0x76: {  	_ =	shalt  }
0x77: {  	_ =	shalt  }
0x78: {  	_ =	shalt  }
0x79: {  	_ =	shalt  }
0x7a: {  	_ =	shalt  }
0x7b: {  	_ =	shalt  }
0x7c: {  	_ =	shalt  }
0x7d: {  	_ =	shalt  }
0x7e: {  	_ =	shalt  }
0x7f: {  	_ =	shalt  }
0x80: {  	_ =	shalt  }
0x81: {  	_ =	shalt  }
0x82: {  	_ =	shalt  }
0x83: {  	_ =	shalt  }
0x84: {  	_ =	shalt  }
0x85: {  	_ =	shalt  }
0x86: {  	_ =	shalt  }
0x87: {  	_ =	shalt  }
.Lfunc_end0:
.L_simem_size_0:
called_computation.1_lowered:
.L_overlay_start_0:
0x88: {  	s2 =	sld [smem:$0x3FD9]  }
0x89: {  	s3 =	sld [smem:$0x3FFE];
	_ =	sdelay $0x1  }
0x8a: {  	s1 =	srdreg.scid  }
0x8b: {  	s0 =	sand.u32 $0x1, s1  }
0x8c: {  	s17 =	sshll.u32 s0, $0xA;
	s2 =	sadd.s32 s3, s2  }
0x8d: {  	s2 =	sadd.s32 s2, s17  }
0x8e: {  	[smem:$0x3FBC] =	sst s2  }
0x8f: {  	_ = 	snop  }
0x90: {  	s2 =	sld [smem:$0x3FD0];
	(tm) =	ssettm $0x1  }
0x91: {  	s18 =	sld [smem:$0x3FFB];
	_ =	sdelay $0x3  }
0x92: {  	_ =	strace s18  }
0x93: {  	s3 =	sld [smem:$0x3FFC];
	_ =	sdelay $0x3  }
0x94: {  	_ =	strace s3  }
0x95: {  	s3 =	sld [smem:$0x3FFD];
	_ =	sdelay $0x3  }
0x96: {  	_ =	strace s3  }
0x97: {  	_ =	strace $0x8FFFFFFF  }
0x98: {  	s19 =	sld [smem:$0x3FDB];
	_ =	sdelay $0x1  }
0x99: {  	s4 =	simm.s32 $_scs_section_size  }
0x9a: {  	s5 =	simm.s32 $_size__tile_overlayer_lowered;
	s6 =	simm.s32 $_tile_overlayer_lowered  }
0x9b: {  	s22 =	simm.s32 $0x1BFF;
	s21 =	sshll.u32 s6, $0x1;
	s3 =	sadd.s32 s4, s19  }
0x9c: {  	s7 =	simm.s32 $0x0;
	s20 =	sshll.u32 s5, $0x1;
	s5 =	sadd.s32 s21, s3  }
0x9d: {  	[timem:s7], [sflag:s22] =	dma.local [hbm:s5], s20  }
0x9e: {  	_ =	swait.ge [sflag:s22], s20  }
0x9f: {  	s4 =	ssub.s32 $0x0, s20;
	[sflag:s22] =	ssyncset.done $0x0  }
0xa0: {  	[sflag:s22] =	ssyncadd.s32 s4;
	_ =	sdelay $0x1  }
0xa1: {  	s23 =	simm.s32 $0x1B8B  }
0xa2: {  	_ =	swait.ge [sflag:s23], $0x1  }
0xa3: {  	[sflag:s23] =	ssyncset.done $0x0  }
0xa4: {  	s25 =	simm.s32 $0x1B8E;
	s24 =	sld [smem:$0x3FFE];
	[sflag:s23] =	ssyncadd.s32 $0xFFFFFFFF  }
0xa5: {  	s26 =	simm.s32 $execute0_lowered;
	[smem:$0x3FD2] =	sst s25  }
0xa6: {  	s5 =	sshll.u32 s26, $0x1;
	_ =	strace $0x80000049;
	[dreg:$0x1] =	wrdreg $0xFFFFFFFF  }
0xa7: {  	s28 =	simm.s32 $_size_execute0_lowered;
	s3 =	sadd.s32 s3, s5;
	[dreg:$0x0] =	wrdreg $0x0  }
0xa8: {  	s5 =	sshll.u32 s28, $0x1;
	[dreg:$0x2] =	wrdreg s3  }
0xa9: {  	[dreg:$0x3] =	wrdreg s5  }
0xaa: {  	[dreg:$0x4] =	wrdreg $0xC0  }
0xab: {  	_ =	task [dreg:s7], $0x5FFFF  }
0xac: {  	[dreg:$0x1] =	wrdreg $0xFFFFFFFF  }
0xad: {  	[dreg:$0x0] =	wrdreg $0x60  }
0xae: {  	[dreg:$0x2] =	wrdreg s24  }
0xaf: {  	[dreg:$0x3] =	wrdreg s2  }
0xb0: {  	[dreg:$0x4] =	wrdreg $0x0  }
0xb1: {  	[dreg:$0x5] =	wrdreg $0x9  }
0xb2: {  	_ =	task.clear_ibuf [dreg:s7], $0x6FFFF;
	_ =	strace $0x90000049  }
0xb3: {  	s29 =	simm.s32 $0x9;
	_ =	strace $0x8000004B  }
0xb4: {  	_ =	swait.ge [sflag:s29], $0x1  }
0xb5: {  	[sflag:s29] =	ssyncadd.s32 $0xFFFFFFFF  }
0xb6: {  	_ =	strace $0x9000004B  }
0xb7: {  	_ =	sfence  }
0xb8: {  	s30 =	sld [smem:$0x0];
	_ =	sdelay $0x2  }
0xb9: {  	s31 =	sshll.u32 s1, $0xD;
	s1 =	sshrl.u32 s1, $0x2  }
0xba: {  	s3 =	sand.u32 $0x4000, s31;
	s1 =	sadd.s32 s1, s30  }
0xbb: {  	s0 =	sor.u32 s3, s0;
	s1 =	sshll.u32 s1, $0x11  }
0xbc: {  	s0 =	sor.u32 s1, s0  }
0xbd: {  	s0 =	sadd.s32 $0x8F2B, s0  }
0xbe: {  	[sflag:s0] =	ssyncadd.remote.s32 $0x1  }
0xbf: {  	_ =	sfence.sel $0xFFFF  }
0xc0: {  	[dreg:$0x0] =	wrdreg $0xFFFFFFFF;
	(pc) =	sbr.abs _section_cstart, $3  }
0xc1: {  	[dreg:$0x1] =	wrdreg $0xFFFFFFFF  }
0xc2: {  	_ =	task.clear_ibuf [dreg:s7], $0x2FFFF;
	_ =	strace $0x9FFFFFFF  }
0xc3: {  	(tm) =	ssettm $0x7FFFFFFF  }
tec
execute0_lowered:
.L_overlay_start_1:
0x0: {  	(tag) =	ssettag $0x1  }
0x1: {  	s5 =	rddreg [dreg:$0x0];
	s0 =	stileid.u32  }
0x2: {  	s1 =	srdreg.scid;
	s6 =	rddreg [dreg:$0x1]  }
0x3: {  	s2 =	rddreg [dreg:$0x2];
	s1 =	sand.u32 $0x1, s1;
	s3 =	sshll.u32 s0, $0x1  }
0x4: {  	s4 =	smul.u32 $0x18800, s0;
	s25 =	sshll.u32 s0, $0x6;
	s7 =	sor.u32 s1, s3  }
0x5: {  	s3 =	simm.s32 $0x0;
	s26 =	sor.u32 $0x1C03, s25;
	s8 =	smul.u32 $0x190, s7  }
0x6: {  	[smem:$0x7FF] =	sst s3;
	s9 =	sshrl.u32 s4, $0x3;
	s10 =	smul.u32 $0x32000, s7  }
0x7: {  	s7 =	smul.u32 $0x6400, s7;
	s4 =	sadd.s32 s4, s2;
	_ =	strace $0x8000004A  }
0x8: {  	s9 =	sadd.s32 s9, s5;
	[dreg:$0x5] =	wrdreg s26;
	s4 =	sshrl.u32 s4, $0x3  }
0x9: {  	s5 =	sadd.s32 s8, s5;
	s24 =	sadd.s32 $0x2A00, s9;
	[smem:$0x7F9] =	sst s4  }
0xa: {  	s0 =	sshrl.u32 s10, $0x3;
	s7 =	sadd.s32 s6, s7;
	[dreg:$0x4] =	wrdreg s24  }
0xb: {  	s5 =	sadd.s32 $0x3B800, s5;
	s6 =	sadd.s32 s6, s0;
	[dreg:$0x7] =	wrdreg s7  }
0xc: {  	[dreg:$0x6] =	wrdreg s5;
	s8 =	sadd.s32 $0x400, s6  }
0xd: {  	s9 =	sadd.s32 $0x800, s6;
	[dreg:$0x8] =	wrdreg s8  }
0xe: {  	s10 =	sadd.s32 $0xC00, s6;
	[dreg:$0x9] =	wrdreg s9  }
0xf: {  	s11 =	sadd.s32 $0x1000, s6;
	[dreg:$0xa] =	wrdreg s10  }
0x10: {  	s12 =	sadd.s32 $0x1400, s6;
	[dreg:$0xb] =	wrdreg s11  }
0x11: {  	s13 =	sadd.s32 $0x1800, s6;
	[dreg:$0xc] =	wrdreg s12  }
0x12: {  	s14 =	sadd.s32 $0x1C00, s6;
	[dreg:$0xd] =	wrdreg s13  }
0x13: {  	s15 =	sadd.s32 $0x2000, s6;
	[dreg:$0xe] =	wrdreg s14  }
0x14: {  	s16 =	sadd.s32 $0x2400, s6;
	[dreg:$0xf] =	wrdreg s15  }
0x15: {  	s17 =	sadd.s32 $0x2800, s6;
	[dreg:$0x10] =	wrdreg s16  }
0x16: {  	s18 =	sadd.s32 $0x2C00, s6;
	[dreg:$0x11] =	wrdreg s17  }
0x17: {  	s19 =	sadd.s32 $0x3000, s6;
	[dreg:$0x12] =	wrdreg s18  }
0x18: {  	s20 =	sadd.s32 $0x3400, s6;
	[dreg:$0x13] =	wrdreg s19  }
0x19: {  	s21 =	sadd.s32 $0x3800, s6;
	[dreg:$0x14] =	wrdreg s20  }
0x1a: {  	s22 =	sadd.s32 $0x3C00, s6;
	[dreg:$0x15] =	wrdreg s21  }
0x1b: {  	s23 =	sadd.s32 $0x4000, s6;
	[dreg:$0x16] =	wrdreg s22  }
0x1c: {  	s24 =	sadd.s32 $0x4400, s6;
	[dreg:$0x17] =	wrdreg s23  }
0x1d: {  	s25 =	sadd.s32 $0x4800, s6;
	[dreg:$0x18] =	wrdreg s24  }
0x1e: {  	s26 =	sadd.s32 $0x4C00, s6;
	[dreg:$0x19] =	wrdreg s25  }
0x1f: {  	s0 =	sadd.s32 $0x5000, s6;
	[dreg:$0x1a] =	wrdreg s26  }
0x20: {  	s7 =	sadd.s32 $0x5400, s6;
	[dreg:$0x1b] =	wrdreg s0  }
0x21: {  	[dreg:$0x1c] =	wrdreg s7  }
0x22: {  	s13 =	sld [smem:$0x7F9]  }
0x23: {  	s14 =	rddreg [dreg:$0x5]  }
0x24: {  	s8 =	sadd.s32 $0x5800, s6;
	s16 =	rddreg [dreg:$0x4]  }
0x25: {  	s9 =	sadd.s32 $0x5C00, s6;
	[dreg:$0x1d] =	wrdreg s8  }
0x26: {  	s10 =	sadd.s32 $0x6000, s6;
	[dreg:$0x1e] =	wrdreg s9  }
0x27: {  	s11 =	simm.s32 $0x18880;
	[dreg:$0x1f] =	wrdreg s10  }
0x28: {  	s12 =	simm.s32 $0x18900;
	[smem:$0x7FA] =	sst s11  }
0x29: {  	s15 =	simm.s32 $0x18980;
	[smem:$0x7FB] =	sst s12  }
0x2a: {  	s17 =	simm.s32 $0x18A00;
	[smem:$0x7FC] =	sst s15  }
0x2b: {  	s4 =	simm.s32 $0x3;
	[smem:$0x7FD] =	sst s17  }
0x2c: {  	[spmem:s13], [sflag:s14] =	dma.local [hbm:s16], $0x3100  }
0x2d: {  	_ =	swait.ge [sflag:s4], $0x3100  }
0x2e: {  	[sflag:s4] =	ssyncset.done $0x0  }
0x2f: {  	s5 =	simm.s32 $0x18800;
	s18 =	rddreg [dreg:$0x6];
	[sflag:s4] =	ssyncadd.s32 $0xFFFFCF00  }
0x30: {  	[tilespmem:s5], [sflag:$0x3] =	stream.linear.gather [hbm4b:s18+s3], $0xC80, $0x38;
	[tilespmem:$0x1D480] =	vst v63  }
0x31: {  	_ =	swait.ge [sflag:s4], $0xC80  }
0x32: {  	[sflag:s4] =	ssyncset.done $0x0  }
0x33: {  	[sflag:s4] =	ssyncadd.s32 $0xFFFFF380  }
0x34: {  	[bflag:$0x0] =	sbarrier.arrive $0xFFFF  }
0x35: {  	s6 =	simm.s32 $0x80;
	s7 =	simm.s32 $0x19480;
	s19 =	sld [smem:$0x7FA]  }
0x36: {  	[tilespmem:s7], [sflag:$0x1] =	stream.indirect.gather [spmem:s2], $0x40, s5, s6, $0xb8;
	[tilespmem:$0x1D480] =	vst v63  }
0x37: {  	s8 =	simm.s32 $0x1B480;
	s9 =	simm.s32 $0x1  }
0x38: {  	[tilespmem:s8], [sflag:$0x1] =	stream.indirect.gather [spmem:s2], $0x40, s19, s6, $0xb8;
	[tilespmem:$0x1D480] =	vst v63  }
0x39: {  	_ =	swait.ge [sflag:s9], $0x2000  }
0x3a: {  	[sflag:s9] =	ssyncset.done $0x0  }
0x3b: {  	s10 =	simm.s32 $0x2;
	s11 =	rddreg [dreg:$0x7];
	[sflag:s9] =	ssyncadd.s32 $0xFFFFE000  }
0x3c: {  	[hbm4b:s11+s3] =	stream.linear.scatter [tilespmem:s7], [sflag:$0x2], $0x2000, $0x38;
	[tilespmem:$0x1D480] =	vst v63  }
0x3d: {  	_ =	swait.ge [sflag:s10], $0x2000  }
0x3e: {  	s20 =	sld [smem:$0x7FB]  }
0x3f: {  	[sflag:s10] =	ssyncset.done $0x0  }
0x40: {  	[sflag:s10] =	ssyncadd.s32 $0xFFFFE000  }
0x41: {  	[tilespmem:s7], [sflag:$0x1] =	stream.indirect.gather [spmem:s2], $0x40, s20, s6, $0xb8;
	[tilespmem:$0x1D480] =	vst v63  }
0x42: {  	_ =	swait.ge [sflag:s9], $0x2000  }
0x43: {  	[sflag:s9] =	ssyncset.done $0x0  }
0x44: {  	s21 =	rddreg [dreg:$0x8];
	[sflag:s9] =	ssyncadd.s32 $0xFFFFE000  }
0x45: {  	[hbm4b:s21+s3] =	stream.linear.scatter [tilespmem:s8], [sflag:$0x2], $0x2000, $0x38;
	[tilespmem:$0x1D480] =	vst v63  }
0x46: {  	_ =	swait.ge [sflag:s10], $0x2000  }
0x47: {  	s22 =	sld [smem:$0x7FC]  }
0x48: {  	[sflag:s10] =	ssyncset.done $0x0  }
0x49: {  	[sflag:s10] =	ssyncadd.s32 $0xFFFFE000  }
0x4a: {  	[tilespmem:s8], [sflag:$0x1] =	stream.indirect.gather [spmem:s2], $0x40, s22, s6, $0xb8;
	[tilespmem:$0x1D480] =	vst v63  }
0x4b: {  	_ =	swait.ge [sflag:s9], $0x2000  }
0x4c: {  	[sflag:s9] =	ssyncset.done $0x0  }
0x4d: {  	s23 =	rddreg [dreg:$0x9];
	[sflag:s9] =	ssyncadd.s32 $0xFFFFE000  }
0x4e: {  	[hbm4b:s23+s3] =	stream.linear.scatter [tilespmem:s7], [sflag:$0x2], $0x2000, $0x38;
	[tilespmem:$0x1D480] =	vst v63  }
0x4f: {  	_ =	swait.ge [sflag:s10], $0x2000  }
0x50: {  	s24 =	sld [smem:$0x7FD]  }
0x51: {  	[sflag:s10] =	ssyncset.done $0x0  }
0x52: {  	[sflag:s10] =	ssyncadd.s32 $0xFFFFE000  }
0x53: {  	[tilespmem:s7], [sflag:$0x1] =	stream.indirect.gather [spmem:s2], $0x40, s24, s6, $0xb8;
	[tilespmem:$0x1D480] =	vst v63  }
0x54: {  	_ =	swait.ge [sflag:s9], $0x2000  }
0x55: {  	[sflag:s9] =	ssyncset.done $0x0  }
0x56: {  	s25 =	rddreg [dreg:$0xa];
	[sflag:s9] =	ssyncadd.s32 $0xFFFFE000  }
0x57: {  	[hbm4b:s25+s3] =	stream.linear.scatter [tilespmem:s8], [sflag:$0x2], $0x2000, $0x38;
	[tilespmem:$0x1D480] =	vst v63  }
0x58: {  	_ =	swait.ge [sflag:s10], $0x2000  }
0x59: {  	[sflag:s10] =	ssyncset.done $0x0  }
0x5a: {  	s26 =	simm.s32 $0x18A80;
	[sflag:s10] =	ssyncadd.s32 $0xFFFFE000  }
0x5b: {  	[tilespmem:s8], [sflag:$0x1] =	stream.indirect.gather [spmem:s2], $0x40, s26, s6, $0xb8;
	[tilespmem:$0x1D480] =	vst v63  }
0x5c: {  	_ =	swait.ge [sflag:s9], $0x2000  }
0x5d: {  	[sflag:s9] =	ssyncset.done $0x0  }
0x5e: {  	s12 =	rddreg [dreg:$0xb];
	[sflag:s9] =	ssyncadd.s32 $0xFFFFE000  }
0x5f: {  	[hbm4b:s12+s3] =	stream.linear.scatter [tilespmem:s7], [sflag:$0x2], $0x2000, $0x38;
	[tilespmem:$0x1D480] =	vst v63  }
0x60: {  	_ =	swait.ge [sflag:s10], $0x2000  }
0x61: {  	[sflag:s10] =	ssyncset.done $0x0  }
0x62: {  	s11 =	simm.s32 $0x18B00;
	[sflag:s10] =	ssyncadd.s32 $0xFFFFE000  }
0x63: {  	[tilespmem:s7], [sflag:$0x1] =	stream.indirect.gather [spmem:s2], $0x40, s11, s6, $0xb8;
	[tilespmem:$0x1D480] =	vst v63  }
0x64: {  	_ =	swait.ge [sflag:s9], $0x2000  }
0x65: {  	[sflag:s9] =	ssyncset.done $0x0  }
0x66: {  	s13 =	rddreg [dreg:$0xc];
	[sflag:s9] =	ssyncadd.s32 $0xFFFFE000  }
0x67: {  	[hbm4b:s13+s3] =	stream.linear.scatter [tilespmem:s8], [sflag:$0x2], $0x2000, $0x38;
	[tilespmem:$0x1D480] =	vst v63  }
0x68: {  	_ =	swait.ge [sflag:s10], $0x2000  }
0x69: {  	[sflag:s10] =	ssyncset.done $0x0  }
0x6a: {  	s13 =	simm.s32 $0x18B80;
	[sflag:s10] =	ssyncadd.s32 $0xFFFFE000  }
0x6b: {  	[tilespmem:s8], [sflag:$0x1] =	stream.indirect.gather [spmem:s2], $0x40, s13, s6, $0xb8;
	[tilespmem:$0x1D480] =	vst v63  }
0x6c: {  	_ =	swait.ge [sflag:s9], $0x2000  }
0x6d: {  	[sflag:s9] =	ssyncset.done $0x0  }
0x6e: {  	s14 =	rddreg [dreg:$0xd];
	[sflag:s9] =	ssyncadd.s32 $0xFFFFE000  }
0x6f: {  	[hbm4b:s14+s3] =	stream.linear.scatter [tilespmem:s7], [sflag:$0x2], $0x2000, $0x38;
	[tilespmem:$0x1D480] =	vst v63  }
0x70: {  	_ =	swait.ge [sflag:s10], $0x2000  }
0x71: {  	[sflag:s10] =	ssyncset.done $0x0  }
0x72: {  	s14 =	simm.s32 $0x18C00;
	[sflag:s10] =	ssyncadd.s32 $0xFFFFE000  }
0x73: {  	[tilespmem:s7], [sflag:$0x1] =	stream.indirect.gather [spmem:s2], $0x40, s14, s6, $0xb8;
	[tilespmem:$0x1D480] =	vst v63  }
0x74: {  	_ =	swait.ge [sflag:s9], $0x2000  }
0x75: {  	[sflag:s9] =	ssyncset.done $0x0  }
0x76: {  	s15 =	rddreg [dreg:$0xe];
	[sflag:s9] =	ssyncadd.s32 $0xFFFFE000  }
0x77: {  	[hbm4b:s15+s3] =	stream.linear.scatter [tilespmem:s8], [sflag:$0x2], $0x2000, $0x38;
	[tilespmem:$0x1D480] =	vst v63  }
0x78: {  	_ =	swait.ge [sflag:s10], $0x2000  }
0x79: {  	[sflag:s10] =	ssyncset.done $0x0  }
0x7a: {  	s15 =	simm.s32 $0x18C80;
	[sflag:s10] =	ssyncadd.s32 $0xFFFFE000  }
0x7b: {  	[tilespmem:s8], [sflag:$0x1] =	stream.indirect.gather [spmem:s2], $0x40, s15, s6, $0xb8;
	[tilespmem:$0x1D480] =	vst v63  }
0x7c: {  	_ =	swait.ge [sflag:s9], $0x2000  }
0x7d: {  	[sflag:s9] =	ssyncset.done $0x0  }
0x7e: {  	s16 =	rddreg [dreg:$0xf];
	[sflag:s9] =	ssyncadd.s32 $0xFFFFE000  }
0x7f: {  	[hbm4b:s16+s3] =	stream.linear.scatter [tilespmem:s7], [sflag:$0x2], $0x2000, $0x38;
	[tilespmem:$0x1D480] =	vst v63  }
0x80: {  	_ =	swait.ge [sflag:s10], $0x2000  }
0x81: {  	[sflag:s10] =	ssyncset.done $0x0  }
0x82: {  	s16 =	simm.s32 $0x18D00;
	[sflag:s10] =	ssyncadd.s32 $0xFFFFE000  }
0x83: {  	[tilespmem:s7], [sflag:$0x1] =	stream.indirect.gather [spmem:s2], $0x40, s16, s6, $0xb8;
	[tilespmem:$0x1D480] =	vst v63  }
0x84: {  	_ =	swait.ge [sflag:s9], $0x2000  }
0x85: {  	[sflag:s9] =	ssyncset.done $0x0  }
0x86: {  	s17 =	rddreg [dreg:$0x10];
	[sflag:s9] =	ssyncadd.s32 $0xFFFFE000  }
0x87: {  	[hbm4b:s17+s3] =	stream.linear.scatter [tilespmem:s8], [sflag:$0x2], $0x2000, $0x38;
	[tilespmem:$0x1D480] =	vst v63  }
0x88: {  	_ =	swait.ge [sflag:s10], $0x2000  }
0x89: {  	[sflag:s10] =	ssyncset.done $0x0  }
0x8a: {  	s17 =	simm.s32 $0x18D80;
	[sflag:s10] =	ssyncadd.s32 $0xFFFFE000  }
0x8b: {  	[tilespmem:s8], [sflag:$0x1] =	stream.indirect.gather [spmem:s2], $0x40, s17, s6, $0xb8;
	[tilespmem:$0x1D480] =	vst v63  }
0x8c: {  	_ =	swait.ge [sflag:s9], $0x2000  }
0x8d: {  	[sflag:s9] =	ssyncset.done $0x0  }
0x8e: {  	s18 =	rddreg [dreg:$0x11];
	[sflag:s9] =	ssyncadd.s32 $0xFFFFE000  }
0x8f: {  	[hbm4b:s18+s3] =	stream.linear.scatter [tilespmem:s7], [sflag:$0x2], $0x2000, $0x38;
	[tilespmem:$0x1D480] =	vst v63  }
0x90: {  	_ =	swait.ge [sflag:s10], $0x2000  }
0x91: {  	[sflag:s10] =	ssyncset.done $0x0  }
0x92: {  	s18 =	simm.s32 $0x18E00;
	[sflag:s10] =	ssyncadd.s32 $0xFFFFE000  }
0x93: {  	[tilespmem:s7], [sflag:$0x1] =	stream.indirect.gather [spmem:s2], $0x40, s18, s6, $0xb8;
	[tilespmem:$0x1D480] =	vst v63  }
0x94: {  	_ =	swait.ge [sflag:s9], $0x2000  }
0x95: {  	[sflag:s9] =	ssyncset.done $0x0  }
0x96: {  	s19 =	rddreg [dreg:$0x12];
	[sflag:s9] =	ssyncadd.s32 $0xFFFFE000  }
0x97: {  	[hbm4b:s19+s3] =	stream.linear.scatter [tilespmem:s8], [sflag:$0x2], $0x2000, $0x38;
	[tilespmem:$0x1D480] =	vst v63  }
0x98: {  	_ =	swait.ge [sflag:s10], $0x2000  }
0x99: {  	[sflag:s10] =	ssyncset.done $0x0  }
0x9a: {  	s19 =	simm.s32 $0x18E80;
	[sflag:s10] =	ssyncadd.s32 $0xFFFFE000  }
0x9b: {  	[tilespmem:s8], [sflag:$0x1] =	stream.indirect.gather [spmem:s2], $0x40, s19, s6, $0xb8;
	[tilespmem:$0x1D480] =	vst v63  }
0x9c: {  	_ =	swait.ge [sflag:s9], $0x2000  }
0x9d: {  	[sflag:s9] =	ssyncset.done $0x0  }
0x9e: {  	s20 =	rddreg [dreg:$0x13];
	[sflag:s9] =	ssyncadd.s32 $0xFFFFE000  }
0x9f: {  	[hbm4b:s20+s3] =	stream.linear.scatter [tilespmem:s7], [sflag:$0x2], $0x2000, $0x38;
	[tilespmem:$0x1D480] =	vst v63  }
0xa0: {  	_ =	swait.ge [sflag:s10], $0x2000  }
0xa1: {  	[sflag:s10] =	ssyncset.done $0x0  }
0xa2: {  	s20 =	simm.s32 $0x18F00;
	[sflag:s10] =	ssyncadd.s32 $0xFFFFE000  }
0xa3: {  	[tilespmem:s7], [sflag:$0x1] =	stream.indirect.gather [spmem:s2], $0x40, s20, s6, $0xb8;
	[tilespmem:$0x1D480] =	vst v63  }
0xa4: {  	_ =	swait.ge [sflag:s9], $0x2000  }
0xa5: {  	[sflag:s9] =	ssyncset.done $0x0  }
0xa6: {  	s21 =	rddreg [dreg:$0x14];
	[sflag:s9] =	ssyncadd.s32 $0xFFFFE000  }
0xa7: {  	[hbm4b:s21+s3] =	stream.linear.scatter [tilespmem:s8], [sflag:$0x2], $0x2000, $0x38;
	[tilespmem:$0x1D480] =	vst v63  }
0xa8: {  	_ =	swait.ge [sflag:s10], $0x2000  }
0xa9: {  	[sflag:s10] =	ssyncset.done $0x0  }
0xaa: {  	s21 =	simm.s32 $0x18F80;
	[sflag:s10] =	ssyncadd.s32 $0xFFFFE000  }
0xab: {  	[tilespmem:s8], [sflag:$0x1] =	stream.indirect.gather [spmem:s2], $0x40, s21, s6, $0xb8;
	[tilespmem:$0x1D480] =	vst v63  }
0xac: {  	_ =	swait.ge [sflag:s9], $0x2000  }
0xad: {  	[sflag:s9] =	ssyncset.done $0x0  }
0xae: {  	s22 =	rddreg [dreg:$0x15];
	[sflag:s9] =	ssyncadd.s32 $0xFFFFE000  }
0xaf: {  	[hbm4b:s22+s3] =	stream.linear.scatter [tilespmem:s7], [sflag:$0x2], $0x2000, $0x38;
	[tilespmem:$0x1D480] =	vst v63  }
0xb0: {  	_ =	swait.ge [sflag:s10], $0x2000  }
0xb1: {  	[sflag:s10] =	ssyncset.done $0x0  }
0xb2: {  	s22 =	simm.s32 $0x19000;
	[sflag:s10] =	ssyncadd.s32 $0xFFFFE000  }
0xb3: {  	[tilespmem:s7], [sflag:$0x1] =	stream.indirect.gather [spmem:s2], $0x40, s22, s6, $0xb8;
	[tilespmem:$0x1D480] =	vst v63  }
0xb4: {  	_ =	swait.ge [sflag:s9], $0x2000  }
0xb5: {  	[sflag:s9] =	ssyncset.done $0x0  }
0xb6: {  	s23 =	rddreg [dreg:$0x16];
	[sflag:s9] =	ssyncadd.s32 $0xFFFFE000  }
0xb7: {  	[hbm4b:s23+s3] =	stream.linear.scatter [tilespmem:s8], [sflag:$0x2], $0x2000, $0x38;
	[tilespmem:$0x1D480] =	vst v63  }
0xb8: {  	_ =	swait.ge [sflag:s10], $0x2000  }
0xb9: {  	[sflag:s10] =	ssyncset.done $0x0  }
0xba: {  	s23 =	simm.s32 $0x19080;
	[sflag:s10] =	ssyncadd.s32 $0xFFFFE000  }
0xbb: {  	[tilespmem:s8], [sflag:$0x1] =	stream.indirect.gather [spmem:s2], $0x40, s23, s6, $0xb8;
	[tilespmem:$0x1D480] =	vst v63  }
0xbc: {  	_ =	swait.ge [sflag:s9], $0x2000  }
0xbd: {  	[sflag:s9] =	ssyncset.done $0x0  }
0xbe: {  	s24 =	rddreg [dreg:$0x17];
	[sflag:s9] =	ssyncadd.s32 $0xFFFFE000  }
0xbf: {  	[hbm4b:s24+s3] =	stream.linear.scatter [tilespmem:s7], [sflag:$0x2], $0x2000, $0x38;
	[tilespmem:$0x1D480] =	vst v63  }
0xc0: {  	_ =	swait.ge [sflag:s10], $0x2000  }
0xc1: {  	[sflag:s10] =	ssyncset.done $0x0  }
0xc2: {  	s24 =	simm.s32 $0x19100;
	[sflag:s10] =	ssyncadd.s32 $0xFFFFE000  }
0xc3: {  	[tilespmem:s7], [sflag:$0x1] =	stream.indirect.gather [spmem:s2], $0x40, s24, s6, $0xb8;
	[tilespmem:$0x1D480] =	vst v63  }
0xc4: {  	_ =	swait.ge [sflag:s9], $0x2000  }
0xc5: {  	[sflag:s9] =	ssyncset.done $0x0  }
0xc6: {  	s25 =	rddreg [dreg:$0x18];
	[sflag:s9] =	ssyncadd.s32 $0xFFFFE000  }
0xc7: {  	[hbm4b:s25+s3] =	stream.linear.scatter [tilespmem:s8], [sflag:$0x2], $0x2000, $0x38;
	[tilespmem:$0x1D480] =	vst v63  }
0xc8: {  	_ =	swait.ge [sflag:s10], $0x2000  }
0xc9: {  	[sflag:s10] =	ssyncset.done $0x0  }
0xca: {  	s25 =	simm.s32 $0x19180;
	[sflag:s10] =	ssyncadd.s32 $0xFFFFE000  }
0xcb: {  	[tilespmem:s8], [sflag:$0x1] =	stream.indirect.gather [spmem:s2], $0x40, s25, s6, $0xb8;
	[tilespmem:$0x1D480] =	vst v63  }
0xcc: {  	_ =	swait.ge [sflag:s9], $0x2000  }
0xcd: {  	[sflag:s9] =	ssyncset.done $0x0  }
0xce: {  	s26 =	rddreg [dreg:$0x19];
	[sflag:s9] =	ssyncadd.s32 $0xFFFFE000  }
0xcf: {  	[hbm4b:s26+s3] =	stream.linear.scatter [tilespmem:s7], [sflag:$0x2], $0x2000, $0x38;
	[tilespmem:$0x1D480] =	vst v63  }
0xd0: {  	_ =	swait.ge [sflag:s10], $0x2000  }
0xd1: {  	[sflag:s10] =	ssyncset.done $0x0  }
0xd2: {  	s26 =	simm.s32 $0x19200;
	[sflag:s10] =	ssyncadd.s32 $0xFFFFE000  }
0xd3: {  	[tilespmem:s7], [sflag:$0x1] =	stream.indirect.gather [spmem:s2], $0x40, s26, s6, $0xb8;
	[tilespmem:$0x1D480] =	vst v63  }
0xd4: {  	_ =	swait.ge [sflag:s9], $0x2000  }
0xd5: {  	[sflag:s9] =	ssyncset.done $0x0  }
0xd6: {  	s28 =	rddreg [dreg:$0x1a];
	[sflag:s9] =	ssyncadd.s32 $0xFFFFE000  }
0xd7: {  	[hbm4b:s28+s3] =	stream.linear.scatter [tilespmem:s8], [sflag:$0x2], $0x2000, $0x38;
	[tilespmem:$0x1D480] =	vst v63  }
0xd8: {  	_ =	swait.ge [sflag:s10], $0x2000  }
0xd9: {  	[sflag:s10] =	ssyncset.done $0x0  }
0xda: {  	s28 =	simm.s32 $0x19280;
	[sflag:s10] =	ssyncadd.s32 $0xFFFFE000  }
0xdb: {  	[tilespmem:s8], [sflag:$0x1] =	stream.indirect.gather [spmem:s2], $0x40, s28, s6, $0xb8;
	[tilespmem:$0x1D480] =	vst v63  }
0xdc: {  	_ =	swait.ge [sflag:s9], $0x2000  }
0xdd: {  	[sflag:s9] =	ssyncset.done $0x0  }
0xde: {  	s29 =	rddreg [dreg:$0x1b];
	[sflag:s9] =	ssyncadd.s32 $0xFFFFE000  }
0xdf: {  	[hbm4b:s29+s3] =	stream.linear.scatter [tilespmem:s7], [sflag:$0x2], $0x2000, $0x38;
	[tilespmem:$0x1D480] =	vst v63  }
0xe0: {  	_ =	swait.ge [sflag:s10], $0x2000  }
0xe1: {  	[sflag:s10] =	ssyncset.done $0x0  }
0xe2: {  	s29 =	simm.s32 $0x19300;
	[sflag:s10] =	ssyncadd.s32 $0xFFFFE000  }
0xe3: {  	[tilespmem:s7], [sflag:$0x1] =	stream.indirect.gather [spmem:s2], $0x40, s29, s6, $0xb8;
	[tilespmem:$0x1D480] =	vst v63  }
0xe4: {  	_ =	swait.ge [sflag:s9], $0x2000  }
0xe5: {  	[sflag:s9] =	ssyncset.done $0x0  }
0xe6: {  	s30 =	rddreg [dreg:$0x1c];
	[sflag:s9] =	ssyncadd.s32 $0xFFFFE000  }
0xe7: {  	[hbm4b:s30+s3] =	stream.linear.scatter [tilespmem:s8], [sflag:$0x2], $0x2000, $0x38;
	[tilespmem:$0x1D480] =	vst v63  }
0xe8: {  	_ =	swait.ge [sflag:s10], $0x2000  }
0xe9: {  	[sflag:s10] =	ssyncset.done $0x0  }
0xea: {  	s30 =	simm.s32 $0x19380;
	[sflag:s10] =	ssyncadd.s32 $0xFFFFE000  }
0xeb: {  	[tilespmem:s8], [sflag:$0x1] =	stream.indirect.gather [spmem:s2], $0x40, s30, s6, $0xb8;
	[tilespmem:$0x1D480] =	vst v63  }
0xec: {  	_ =	swait.ge [sflag:s9], $0x2000  }
0xed: {  	[sflag:s9] =	ssyncset.done $0x0  }
0xee: {  	s31 =	rddreg [dreg:$0x1d];
	[sflag:s9] =	ssyncadd.s32 $0xFFFFE000  }
0xef: {  	[hbm4b:s31+s3] =	stream.linear.scatter [tilespmem:s7], [sflag:$0x2], $0x2000, $0x38;
	[tilespmem:$0x1D480] =	vst v63  }
0xf0: {  	_ =	swait.ge [sflag:s10], $0x2000  }
0xf1: {  	[sflag:s10] =	ssyncset.done $0x0  }
0xf2: {  	s31 =	simm.s32 $0x19400;
	[sflag:s10] =	ssyncadd.s32 $0xFFFFE000  }
0xf3: {  	[tilespmem:s7], [sflag:$0x1] =	stream.indirect.gather [spmem:s2], $0x40, s31, s6, $0xb8;
	[tilespmem:$0x1D480] =	vst v63  }
0xf4: {  	_ =	swait.ge [sflag:s9], $0x2000  }
0xf5: {  	[sflag:s9] =	ssyncset.done $0x0  }
0xf6: {  	s12 =	rddreg [dreg:$0x1e];
	[sflag:s9] =	ssyncadd.s32 $0xFFFFE000  }
0xf7: {  	[hbm4b:s12+s3] =	stream.linear.scatter [tilespmem:s8], [sflag:$0x2], $0x2000, $0x38;
	[tilespmem:$0x1D480] =	vst v63  }
0xf8: {  	s12 =	ssub.s32 $0x2, s1  }
0xf9: {  	_ =	swait.ge [sflag:s9], $0x2000;
	s1 =	sshrl.u32 s12, $0x1  }
0xfa: {  	[sflag:s9] =	ssyncset.done $0x0;
	s0 =	ssub.s32 s12, s1  }
0xfb: {  	s11 =	rddreg [dreg:$0x1f];
	[sflag:s9] =	ssyncadd.s32 $0xFFFFE000;
	s0 =	smax.u32 s0, $0x1  }
0xfc: {  	[hbm4b:s11+s3] =	stream.linear.scatter [tilespmem:s7], [sflag:$0x2], $0x2000, $0x38;
	[tilespmem:$0x1D480] =	vst v63  }
0xfd: {  	p0 =	sne.s32 s0, $0x1  }
.Ltmp0:
0xfe: {  	_ = 	snop;
	(pc) =	sbr.rel @!p0 .LBB2_2-.Ltmp0, $4  }
0xff: {  	_ =	swait.ge [sflag:s10], $0x2000  }
0x100: {  	[sflag:s10] =	ssyncset.done $0x0  }
0x101: {  	[sflag:s10] =	ssyncadd.s32 $0xFFFFE000  }
0x102: {  	s1 =	sadd.s32 $0xFFFFFFFF, s0;
	_ =	swait.ge [sflag:s10], $0x2000  }
.LBB2_1:
0x103: {  	s0 =	sld [smem:$0x7F9]  }
0x104: {  	[sflag:s10] =	ssyncset.done $0x0;
	s11 =	rddreg [dreg:$0x5]  }
0x105: {  	s12 =	rddreg [dreg:$0x4];
	[sflag:s10] =	ssyncadd.s32 $0xFFFFE000  }
0x106: {  	[spmem:s0], [sflag:s11] =	dma.local [hbm:s12], $0x3100  }
0x107: {  	_ =	swait.ge [sflag:s4], $0x3100  }
0x108: {  	[sflag:s4] =	ssyncset.done $0x0  }
0x109: {  	s11 =	rddreg [dreg:$0x6];
	[sflag:s4] =	ssyncadd.s32 $0xFFFFCF00  }
0x10a: {  	[tilespmem:s5], [sflag:$0x3] =	stream.linear.gather [hbm4b:s11+s3], $0xC80, $0x38;
	[tilespmem:$0x1D480] =	vst v63  }
0x10b: {  	_ =	swait.ge [sflag:s4], $0xC80  }
0x10c: {  	[sflag:s4] =	ssyncset.done $0x0  }
0x10d: {  	[sflag:s4] =	ssyncadd.s32 $0xFFFFF380  }
0x10e: {  	[bflag:$0x0] =	sbarrier.arrive $0xFFFF  }
0x10f: {  	s12 =	sld [smem:$0x7FA]  }
0x110: {  	[tilespmem:s7], [sflag:$0x1] =	stream.indirect.gather [spmem:s2], $0x40, s5, s6, $0xb8;
	[tilespmem:$0x1D480] =	vst v63  }
0x111: {  	_ = 	snop  }
0x112: {  	[tilespmem:s8], [sflag:$0x1] =	stream.indirect.gather [spmem:s2], $0x40, s12, s6, $0xb8;
	[tilespmem:$0x1D480] =	vst v63  }
0x113: {  	_ =	swait.ge [sflag:s9], $0x2000  }
0x114: {  	[sflag:s9] =	ssyncset.done $0x0  }
0x115: {  	s11 =	rddreg [dreg:$0x7];
	[sflag:s9] =	ssyncadd.s32 $0xFFFFE000  }
0x116: {  	[hbm4b:s11+s3] =	stream.linear.scatter [tilespmem:s7], [sflag:$0x2], $0x2000, $0x38;
	[tilespmem:$0x1D480] =	vst v63  }
0x117: {  	_ =	swait.ge [sflag:s10], $0x2000  }
0x118: {  	s12 =	sld [smem:$0x7FB]  }
0x119: {  	[sflag:s10] =	ssyncset.done $0x0  }
0x11a: {  	[sflag:s10] =	ssyncadd.s32 $0xFFFFE000  }
0x11b: {  	[tilespmem:s7], [sflag:$0x1] =	stream.indirect.gather [spmem:s2], $0x40, s12, s6, $0xb8;
	[tilespmem:$0x1D480] =	vst v63  }
0x11c: {  	_ =	swait.ge [sflag:s9], $0x2000  }
0x11d: {  	[sflag:s9] =	ssyncset.done $0x0  }
0x11e: {  	s11 =	rddreg [dreg:$0x8];
	[sflag:s9] =	ssyncadd.s32 $0xFFFFE000  }
0x11f: {  	[hbm4b:s11+s3] =	stream.linear.scatter [tilespmem:s8], [sflag:$0x2], $0x2000, $0x38;
	[tilespmem:$0x1D480] =	vst v63  }
0x120: {  	_ =	swait.ge [sflag:s10], $0x2000  }
0x121: {  	s12 =	sld [smem:$0x7FC]  }
0x122: {  	[sflag:s10] =	ssyncset.done $0x0  }
0x123: {  	[sflag:s10] =	ssyncadd.s32 $0xFFFFE000  }
0x124: {  	[tilespmem:s8], [sflag:$0x1] =	stream.indirect.gather [spmem:s2], $0x40, s12, s6, $0xb8;
	[tilespmem:$0x1D480] =	vst v63  }
0x125: {  	_ =	swait.ge [sflag:s9], $0x2000  }
0x126: {  	[sflag:s9] =	ssyncset.done $0x0  }
0x127: {  	s11 =	rddreg [dreg:$0x9];
	[sflag:s9] =	ssyncadd.s32 $0xFFFFE000  }
0x128: {  	[hbm4b:s11+s3] =	stream.linear.scatter [tilespmem:s7], [sflag:$0x2], $0x2000, $0x38;
	[tilespmem:$0x1D480] =	vst v63  }
0x129: {  	_ =	swait.ge [sflag:s10], $0x2000  }
0x12a: {  	s12 =	sld [smem:$0x7FD]  }
0x12b: {  	[sflag:s10] =	ssyncset.done $0x0  }
0x12c: {  	[sflag:s10] =	ssyncadd.s32 $0xFFFFE000  }
0x12d: {  	[tilespmem:s7], [sflag:$0x1] =	stream.indirect.gather [spmem:s2], $0x40, s12, s6, $0xb8;
	[tilespmem:$0x1D480] =	vst v63  }
0x12e: {  	_ =	swait.ge [sflag:s9], $0x2000  }
0x12f: {  	[sflag:s9] =	ssyncset.done $0x0  }
0x130: {  	s11 =	rddreg [dreg:$0xa];
	[sflag:s9] =	ssyncadd.s32 $0xFFFFE000  }
0x131: {  	[hbm4b:s11+s3] =	stream.linear.scatter [tilespmem:s8], [sflag:$0x2], $0x2000, $0x38;
	[tilespmem:$0x1D480] =	vst v63  }
0x132: {  	_ =	swait.ge [sflag:s10], $0x2000  }
0x133: {  	[sflag:s10] =	ssyncset.done $0x0  }
0x134: {  	s12 =	simm.s32 $0x18A80;
	[sflag:s10] =	ssyncadd.s32 $0xFFFFE000  }
0x135: {  	[tilespmem:s8], [sflag:$0x1] =	stream.indirect.gather [spmem:s2], $0x40, s12, s6, $0xb8;
	[tilespmem:$0x1D480] =	vst v63  }
0x136: {  	_ =	swait.ge [sflag:s9], $0x2000  }
0x137: {  	[sflag:s9] =	ssyncset.done $0x0  }
0x138: {  	s11 =	rddreg [dreg:$0xb];
	[sflag:s9] =	ssyncadd.s32 $0xFFFFE000  }
0x139: {  	[hbm4b:s11+s3] =	stream.linear.scatter [tilespmem:s7], [sflag:$0x2], $0x2000, $0x38;
	[tilespmem:$0x1D480] =	vst v63  }
0x13a: {  	_ =	swait.ge [sflag:s10], $0x2000  }
0x13b: {  	[sflag:s10] =	ssyncset.done $0x0  }
0x13c: {  	s12 =	simm.s32 $0x18B00;
	[sflag:s10] =	ssyncadd.s32 $0xFFFFE000  }
0x13d: {  	[tilespmem:s7], [sflag:$0x1] =	stream.indirect.gather [spmem:s2], $0x40, s12, s6, $0xb8;
	[tilespmem:$0x1D480] =	vst v63  }
0x13e: {  	_ =	swait.ge [sflag:s9], $0x2000  }
0x13f: {  	[sflag:s9] =	ssyncset.done $0x0  }
0x140: {  	s11 =	rddreg [dreg:$0xc];
	[sflag:s9] =	ssyncadd.s32 $0xFFFFE000  }
0x141: {  	[hbm4b:s11+s3] =	stream.linear.scatter [tilespmem:s8], [sflag:$0x2], $0x2000, $0x38;
	[tilespmem:$0x1D480] =	vst v63  }
0x142: {  	_ =	swait.ge [sflag:s10], $0x2000  }
0x143: {  	[sflag:s10] =	ssyncset.done $0x0  }
0x144: {  	[sflag:s10] =	ssyncadd.s32 $0xFFFFE000  }
0x145: {  	[tilespmem:s8], [sflag:$0x1] =	stream.indirect.gather [spmem:s2], $0x40, s13, s6, $0xb8;
	[tilespmem:$0x1D480] =	vst v63  }
0x146: {  	_ =	swait.ge [sflag:s9], $0x2000  }
0x147: {  	[sflag:s9] =	ssyncset.done $0x0  }
0x148: {  	s12 =	rddreg [dreg:$0xd];
	[sflag:s9] =	ssyncadd.s32 $0xFFFFE000  }
0x149: {  	[hbm4b:s12+s3] =	stream.linear.scatter [tilespmem:s7], [sflag:$0x2], $0x2000, $0x38;
	[tilespmem:$0x1D480] =	vst v63  }
0x14a: {  	_ =	swait.ge [sflag:s10], $0x2000  }
0x14b: {  	[sflag:s10] =	ssyncset.done $0x0  }
0x14c: {  	[sflag:s10] =	ssyncadd.s32 $0xFFFFE000  }
0x14d: {  	[tilespmem:s7], [sflag:$0x1] =	stream.indirect.gather [spmem:s2], $0x40, s14, s6, $0xb8;
	[tilespmem:$0x1D480] =	vst v63  }
0x14e: {  	_ =	swait.ge [sflag:s9], $0x2000  }
0x14f: {  	[sflag:s9] =	ssyncset.done $0x0  }
0x150: {  	s11 =	rddreg [dreg:$0xe];
	[sflag:s9] =	ssyncadd.s32 $0xFFFFE000  }
0x151: {  	[hbm4b:s11+s3] =	stream.linear.scatter [tilespmem:s8], [sflag:$0x2], $0x2000, $0x38;
	[tilespmem:$0x1D480] =	vst v63  }
0x152: {  	_ =	swait.ge [sflag:s10], $0x2000  }
0x153: {  	[sflag:s10] =	ssyncset.done $0x0  }
0x154: {  	[sflag:s10] =	ssyncadd.s32 $0xFFFFE000  }
0x155: {  	[tilespmem:s8], [sflag:$0x1] =	stream.indirect.gather [spmem:s2], $0x40, s15, s6, $0xb8;
	[tilespmem:$0x1D480] =	vst v63  }
0x156: {  	_ =	swait.ge [sflag:s9], $0x2000  }
0x157: {  	[sflag:s9] =	ssyncset.done $0x0  }
0x158: {  	s12 =	rddreg [dreg:$0xf];
	[sflag:s9] =	ssyncadd.s32 $0xFFFFE000  }
0x159: {  	[hbm4b:s12+s3] =	stream.linear.scatter [tilespmem:s7], [sflag:$0x2], $0x2000, $0x38;
	[tilespmem:$0x1D480] =	vst v63  }
0x15a: {  	_ =	swait.ge [sflag:s10], $0x2000  }
0x15b: {  	[sflag:s10] =	ssyncset.done $0x0  }
0x15c: {  	[sflag:s10] =	ssyncadd.s32 $0xFFFFE000  }
0x15d: {  	[tilespmem:s7], [sflag:$0x1] =	stream.indirect.gather [spmem:s2], $0x40, s16, s6, $0xb8;
	[tilespmem:$0x1D480] =	vst v63  }
0x15e: {  	_ =	swait.ge [sflag:s9], $0x2000  }
0x15f: {  	[sflag:s9] =	ssyncset.done $0x0  }
0x160: {  	s11 =	rddreg [dreg:$0x10];
	[sflag:s9] =	ssyncadd.s32 $0xFFFFE000  }
0x161: {  	[hbm4b:s11+s3] =	stream.linear.scatter [tilespmem:s8], [sflag:$0x2], $0x2000, $0x38;
	[tilespmem:$0x1D480] =	vst v63  }
0x162: {  	_ =	swait.ge [sflag:s10], $0x2000  }
0x163: {  	[sflag:s10] =	ssyncset.done $0x0  }
0x164: {  	[sflag:s10] =	ssyncadd.s32 $0xFFFFE000  }
0x165: {  	[tilespmem:s8], [sflag:$0x1] =	stream.indirect.gather [spmem:s2], $0x40, s17, s6, $0xb8;
	[tilespmem:$0x1D480] =	vst v63  }
0x166: {  	_ =	swait.ge [sflag:s9], $0x2000  }
0x167: {  	[sflag:s9] =	ssyncset.done $0x0  }
0x168: {  	s12 =	rddreg [dreg:$0x11];
	[sflag:s9] =	ssyncadd.s32 $0xFFFFE000  }
0x169: {  	[hbm4b:s12+s3] =	stream.linear.scatter [tilespmem:s7], [sflag:$0x2], $0x2000, $0x38;
	[tilespmem:$0x1D480] =	vst v63  }
0x16a: {  	_ =	swait.ge [sflag:s10], $0x2000  }
0x16b: {  	[sflag:s10] =	ssyncset.done $0x0  }
0x16c: {  	[sflag:s10] =	ssyncadd.s32 $0xFFFFE000  }
0x16d: {  	[tilespmem:s7], [sflag:$0x1] =	stream.indirect.gather [spmem:s2], $0x40, s18, s6, $0xb8;
	[tilespmem:$0x1D480] =	vst v63  }
0x16e: {  	_ =	swait.ge [sflag:s9], $0x2000  }
0x16f: {  	[sflag:s9] =	ssyncset.done $0x0  }
0x170: {  	s11 =	rddreg [dreg:$0x12];
	[sflag:s9] =	ssyncadd.s32 $0xFFFFE000  }
0x171: {  	[hbm4b:s11+s3] =	stream.linear.scatter [tilespmem:s8], [sflag:$0x2], $0x2000, $0x38;
	[tilespmem:$0x1D480] =	vst v63  }
0x172: {  	_ =	swait.ge [sflag:s10], $0x2000  }
0x173: {  	[sflag:s10] =	ssyncset.done $0x0  }
0x174: {  	[sflag:s10] =	ssyncadd.s32 $0xFFFFE000  }
0x175: {  	[tilespmem:s8], [sflag:$0x1] =	stream.indirect.gather [spmem:s2], $0x40, s19, s6, $0xb8;
	[tilespmem:$0x1D480] =	vst v63  }
0x176: {  	_ =	swait.ge [sflag:s9], $0x2000  }
0x177: {  	[sflag:s9] =	ssyncset.done $0x0  }
0x178: {  	s12 =	rddreg [dreg:$0x13];
	[sflag:s9] =	ssyncadd.s32 $0xFFFFE000  }
0x179: {  	[hbm4b:s12+s3] =	stream.linear.scatter [tilespmem:s7], [sflag:$0x2], $0x2000, $0x38;
	[tilespmem:$0x1D480] =	vst v63  }
0x17a: {  	_ =	swait.ge [sflag:s10], $0x2000  }
0x17b: {  	[sflag:s10] =	ssyncset.done $0x0  }
0x17c: {  	[sflag:s10] =	ssyncadd.s32 $0xFFFFE000  }
0x17d: {  	[tilespmem:s7], [sflag:$0x1] =	stream.indirect.gather [spmem:s2], $0x40, s20, s6, $0xb8;
	[tilespmem:$0x1D480] =	vst v63  }
0x17e: {  	_ =	swait.ge [sflag:s9], $0x2000  }
0x17f: {  	[sflag:s9] =	ssyncset.done $0x0  }
0x180: {  	s11 =	rddreg [dreg:$0x14];
	[sflag:s9] =	ssyncadd.s32 $0xFFFFE000  }
0x181: {  	[hbm4b:s11+s3] =	stream.linear.scatter [tilespmem:s8], [sflag:$0x2], $0x2000, $0x38;
	[tilespmem:$0x1D480] =	vst v63  }
0x182: {  	_ =	swait.ge [sflag:s10], $0x2000  }
0x183: {  	[sflag:s10] =	ssyncset.done $0x0  }
0x184: {  	[sflag:s10] =	ssyncadd.s32 $0xFFFFE000  }
0x185: {  	[tilespmem:s8], [sflag:$0x1] =	stream.indirect.gather [spmem:s2], $0x40, s21, s6, $0xb8;
	[tilespmem:$0x1D480] =	vst v63  }
0x186: {  	_ =	swait.ge [sflag:s9], $0x2000  }
0x187: {  	[sflag:s9] =	ssyncset.done $0x0  }
0x188: {  	s12 =	rddreg [dreg:$0x15];
	[sflag:s9] =	ssyncadd.s32 $0xFFFFE000  }
0x189: {  	[hbm4b:s12+s3] =	stream.linear.scatter [tilespmem:s7], [sflag:$0x2], $0x2000, $0x38;
	[tilespmem:$0x1D480] =	vst v63  }
0x18a: {  	_ =	swait.ge [sflag:s10], $0x2000  }
0x18b: {  	[sflag:s10] =	ssyncset.done $0x0  }
0x18c: {  	[sflag:s10] =	ssyncadd.s32 $0xFFFFE000  }
0x18d: {  	[tilespmem:s7], [sflag:$0x1] =	stream.indirect.gather [spmem:s2], $0x40, s22, s6, $0xb8;
	[tilespmem:$0x1D480] =	vst v63  }
0x18e: {  	_ =	swait.ge [sflag:s9], $0x2000  }
0x18f: {  	[sflag:s9] =	ssyncset.done $0x0  }
0x190: {  	s11 =	rddreg [dreg:$0x16];
	[sflag:s9] =	ssyncadd.s32 $0xFFFFE000  }
0x191: {  	[hbm4b:s11+s3] =	stream.linear.scatter [tilespmem:s8], [sflag:$0x2], $0x2000, $0x38;
	[tilespmem:$0x1D480] =	vst v63  }
0x192: {  	_ =	swait.ge [sflag:s10], $0x2000  }
0x193: {  	[sflag:s10] =	ssyncset.done $0x0  }
0x194: {  	[sflag:s10] =	ssyncadd.s32 $0xFFFFE000  }
0x195: {  	[tilespmem:s8], [sflag:$0x1] =	stream.indirect.gather [spmem:s2], $0x40, s23, s6, $0xb8;
	[tilespmem:$0x1D480] =	vst v63  }
0x196: {  	_ =	swait.ge [sflag:s9], $0x2000  }
0x197: {  	[sflag:s9] =	ssyncset.done $0x0  }
0x198: {  	s12 =	rddreg [dreg:$0x17];
	[sflag:s9] =	ssyncadd.s32 $0xFFFFE000  }
0x199: {  	[hbm4b:s12+s3] =	stream.linear.scatter [tilespmem:s7], [sflag:$0x2], $0x2000, $0x38;
	[tilespmem:$0x1D480] =	vst v63  }
0x19a: {  	_ =	swait.ge [sflag:s10], $0x2000  }
0x19b: {  	[sflag:s10] =	ssyncset.done $0x0  }
0x19c: {  	[sflag:s10] =	ssyncadd.s32 $0xFFFFE000  }
0x19d: {  	[tilespmem:s7], [sflag:$0x1] =	stream.indirect.gather [spmem:s2], $0x40, s24, s6, $0xb8;
	[tilespmem:$0x1D480] =	vst v63  }
0x19e: {  	_ =	swait.ge [sflag:s9], $0x2000  }
0x19f: {  	[sflag:s9] =	ssyncset.done $0x0  }
0x1a0: {  	s11 =	rddreg [dreg:$0x18];
	[sflag:s9] =	ssyncadd.s32 $0xFFFFE000  }
0x1a1: {  	[hbm4b:s11+s3] =	stream.linear.scatter [tilespmem:s8], [sflag:$0x2], $0x2000, $0x38;
	[tilespmem:$0x1D480] =	vst v63  }
0x1a2: {  	_ =	swait.ge [sflag:s10], $0x2000  }
0x1a3: {  	[sflag:s10] =	ssyncset.done $0x0  }
0x1a4: {  	[sflag:s10] =	ssyncadd.s32 $0xFFFFE000  }
0x1a5: {  	[tilespmem:s8], [sflag:$0x1] =	stream.indirect.gather [spmem:s2], $0x40, s25, s6, $0xb8;
	[tilespmem:$0x1D480] =	vst v63  }
0x1a6: {  	_ =	swait.ge [sflag:s9], $0x2000  }
0x1a7: {  	[sflag:s9] =	ssyncset.done $0x0  }
0x1a8: {  	s12 =	rddreg [dreg:$0x19];
	[sflag:s9] =	ssyncadd.s32 $0xFFFFE000  }
0x1a9: {  	[hbm4b:s12+s3] =	stream.linear.scatter [tilespmem:s7], [sflag:$0x2], $0x2000, $0x38;
	[tilespmem:$0x1D480] =	vst v63  }
0x1aa: {  	_ =	swait.ge [sflag:s10], $0x2000  }
0x1ab: {  	[sflag:s10] =	ssyncset.done $0x0  }
0x1ac: {  	[sflag:s10] =	ssyncadd.s32 $0xFFFFE000  }
0x1ad: {  	[tilespmem:s7], [sflag:$0x1] =	stream.indirect.gather [spmem:s2], $0x40, s26, s6, $0xb8;
	[tilespmem:$0x1D480] =	vst v63  }
0x1ae: {  	_ =	swait.ge [sflag:s9], $0x2000  }
0x1af: {  	[sflag:s9] =	ssyncset.done $0x0  }
0x1b0: {  	s11 =	rddreg [dreg:$0x1a];
	[sflag:s9] =	ssyncadd.s32 $0xFFFFE000  }
0x1b1: {  	[hbm4b:s11+s3] =	stream.linear.scatter [tilespmem:s8], [sflag:$0x2], $0x2000, $0x38;
	[tilespmem:$0x1D480] =	vst v63  }
0x1b2: {  	_ =	swait.ge [sflag:s10], $0x2000  }
0x1b3: {  	[sflag:s10] =	ssyncset.done $0x0  }
0x1b4: {  	[sflag:s10] =	ssyncadd.s32 $0xFFFFE000  }
0x1b5: {  	[tilespmem:s8], [sflag:$0x1] =	stream.indirect.gather [spmem:s2], $0x40, s28, s6, $0xb8;
	[tilespmem:$0x1D480] =	vst v63  }
0x1b6: {  	_ =	swait.ge [sflag:s9], $0x2000  }
0x1b7: {  	[sflag:s9] =	ssyncset.done $0x0  }
0x1b8: {  	s12 =	rddreg [dreg:$0x1b];
	[sflag:s9] =	ssyncadd.s32 $0xFFFFE000  }
0x1b9: {  	[hbm4b:s12+s3] =	stream.linear.scatter [tilespmem:s7], [sflag:$0x2], $0x2000, $0x38;
	[tilespmem:$0x1D480] =	vst v63  }
0x1ba: {  	_ =	swait.ge [sflag:s10], $0x2000  }
0x1bb: {  	[sflag:s10] =	ssyncset.done $0x0  }
0x1bc: {  	[sflag:s10] =	ssyncadd.s32 $0xFFFFE000  }
0x1bd: {  	[tilespmem:s7], [sflag:$0x1] =	stream.indirect.gather [spmem:s2], $0x40, s29, s6, $0xb8;
	[tilespmem:$0x1D480] =	vst v63  }
0x1be: {  	_ =	swait.ge [sflag:s9], $0x2000  }
0x1bf: {  	[sflag:s9] =	ssyncset.done $0x0  }
0x1c0: {  	s11 =	rddreg [dreg:$0x1c];
	[sflag:s9] =	ssyncadd.s32 $0xFFFFE000  }
0x1c1: {  	[hbm4b:s11+s3] =	stream.linear.scatter [tilespmem:s8], [sflag:$0x2], $0x2000, $0x38;
	[tilespmem:$0x1D480] =	vst v63  }
0x1c2: {  	_ =	swait.ge [sflag:s10], $0x2000  }
0x1c3: {  	[sflag:s10] =	ssyncset.done $0x0  }
0x1c4: {  	[sflag:s10] =	ssyncadd.s32 $0xFFFFE000  }
0x1c5: {  	[tilespmem:s8], [sflag:$0x1] =	stream.indirect.gather [spmem:s2], $0x40, s30, s6, $0xb8;
	[tilespmem:$0x1D480] =	vst v63  }
0x1c6: {  	_ =	swait.ge [sflag:s9], $0x2000  }
0x1c7: {  	[sflag:s9] =	ssyncset.done $0x0  }
0x1c8: {  	s12 =	rddreg [dreg:$0x1d];
	[sflag:s9] =	ssyncadd.s32 $0xFFFFE000  }
0x1c9: {  	[hbm4b:s12+s3] =	stream.linear.scatter [tilespmem:s7], [sflag:$0x2], $0x2000, $0x38;
	[tilespmem:$0x1D480] =	vst v63  }
0x1ca: {  	_ =	swait.ge [sflag:s10], $0x2000  }
0x1cb: {  	[sflag:s10] =	ssyncset.done $0x0  }
0x1cc: {  	[sflag:s10] =	ssyncadd.s32 $0xFFFFE000  }
0x1cd: {  	[tilespmem:s7], [sflag:$0x1] =	stream.indirect.gather [spmem:s2], $0x40, s31, s6, $0xb8;
	[tilespmem:$0x1D480] =	vst v63  }
0x1ce: {  	_ =	swait.ge [sflag:s9], $0x2000  }
0x1cf: {  	[sflag:s9] =	ssyncset.done $0x0  }
0x1d0: {  	s11 =	rddreg [dreg:$0x1e];
	[sflag:s9] =	ssyncadd.s32 $0xFFFFE000  }
0x1d1: {  	[hbm4b:s11+s3] =	stream.linear.scatter [tilespmem:s8], [sflag:$0x2], $0x2000, $0x38;
	[tilespmem:$0x1D480] =	vst v63  }
0x1d2: {  	_ =	swait.ge [sflag:s9], $0x2000  }
0x1d3: {  	[sflag:s9] =	ssyncset.done $0x0  }
0x1d4: {  	p0 =	sne.s32 s1, $0x1;
	s12 =	rddreg [dreg:$0x1f];
	[sflag:s9] =	ssyncadd.s32 $0xFFFFE000  }
0x1d5: {  	[hbm4b:s12+s3] =	stream.linear.scatter [tilespmem:s7], [sflag:$0x2], $0x2000, $0x38;
	[tilespmem:$0x1D480] =	vst v63  }
.Ltmp1:
0x1d6: {  	_ = 	snop;
	(pc) =	sbr.rel @p0 .LBB2_1-.Ltmp1, $4  }
0x1d7: {  	_ =	swait.ge [sflag:s10], $0x2000  }
0x1d8: {  	[sflag:s10] =	ssyncset.done $0x0  }
0x1d9: {  	[sflag:s10] =	ssyncadd.s32 $0xFFFFE000  }
0x1da: {  	s1 =	sadd.s32 $0xFFFFFFFF, s1;
	_ =	swait.ge [sflag:s10], $0x2000  }
.LBB2_2:
0x1db: {  	[sflag:s10] =	ssyncset.done $0x0  }
0x1dc: {  	[sflag:s10] =	ssyncadd.s32 $0xFFFFE000  }
0x1dd: {  	_ =	sfence.sel $0x180000  }
0x1de: {  	[bflag:$0x0] =	sbarrier.arrive $0xFFFF  }
0x1df: {  	_ =	strace $0x9000004A  }
0x1e0: {  	s0 =	stileid.u32;
	[bflag:$0x2] =	sbarrier.arrive $0xFFFF  }
0x1e1: {  	p0 =	sne.s32 s0, $0x0;
	s0 =	rddreg [dreg:$0x3]  }
0x1e2: {  	s0 =	sadd.s32 @!p0 $0x100000, s0  }
0x1e3: {  	[sflag:s0] =	ssyncadd.tile.s32 @!p0 $0x1;
	_ =	shalt  }
.Lfunc_end2:
_tile_overlayer_lowered:
.L_overlay_start_2:
0x1e4: {  	(tag) =	ssettag $0x2  }
0x1e5: {  	s0 =	rddreg [dreg:$0x0];
	s2 =	stileid.u32  }
0x1e6: {  	s1 =	rddreg [dreg:$0x1];
	p0 =	sne.s32 s2, $0x0  }
0x1e7: {  	s3 =	rddreg [dreg:$0x2];
	[bflag:$0x3] =	sbarrier.arrive $0xFFFF;
	s2 =	simm.s32 @!p0 $0x1C03  }
0x1e8: {  	[timem:s3], [sflag:s2] =	dma.local @!p0 [hbm:s0], s1  }
0x1e9: {  	s0 =	simm.s32 @!p0 $0x3  }
0x1ea: {  	_ =	swait.ge @!p0 [sflag:s0], s1  }
0x1eb: {  	s1 =	ssub.s32 @!p0 $0x0, s1;
	[sflag:s0] =	ssyncset.done @!p0 $0x0  }
0x1ec: {  	[sflag:s0] =	ssyncadd.s32 @!p0 s1  }
0x1ed: {  	[bflag:$0x3] =	sbarrier.arrive $0xFFFF  }
0x1ee: {  	_ =	shalt  }

// kernel: kernel.7.cloned.1.call-start
scs
__scs_entry_jumppad:
0x0: {  	(pc) =	sbr.rel $0x88, $3  }
0x1: {  	(tag) =	ssettag $0x0;
	lr =	simm.s32 $0x1  }
0x2: {  	[smem:$0x3F95] =	sst lr;
	_ =	strace $0xD0000000  }
0x3: {  	_ = 	snop  }
0x4: {  	_ = 	snop  }
0x5: {  	_ = 	snop  }
0x6: {  	_ = 	snop  }
0x7: {  	_ = 	snop  }
__scs_overlays_trampoline_lowered:
0x8: {  	[smem:$0x3FA4] =	sst s0  }
0x9: {  	[smem:$0x3FA5] =	sst s1  }
0xa: {  	[smem:$0x3FA6] =	sst s2  }
0xb: {  	[smem:$0x3FA7] =	sst s3  }
0xc: {  	[smem:$0x3FA8] =	sst s4  }
0xd: {  	[smem:$0x3FA9] =	sst s5  }
0xe: {  	[smem:$0x3FAA] =	sst s6  }
0xf: {  	[smem:$0x3FAB] =	sst s7  }
0x10: {  	[smem:$0x3FAC] =	sst s8  }
0x11: {  	[smem:$0x3FAD] =	sst s9;
	s0 =	simm.s32 @!p0 $0x0  }
0x12: {  	s1 =	sld [smem:$0x3F93];
	s0 =	simm.s32 @p0 $0x1  }
0x13: {  	[smem:$0x3FAE] =	sst s0;
	s0 =	simm.s32 @!p1 $0x0  }
0x14: {  	s2 =	sld [smem:$0x3F92];
	s0 =	simm.s32 @p1 $0x1  }
0x15: {  	[smem:$0x3FAF] =	sst s0;
	s0 =	simm.s32 @!p2 $0x0  }
0x16: {  	s3 =	sld [smem:$0x3FDB];
	s0 =	simm.s32 @p2 $0x1  }
0x17: {  	s4 =	simm.s32 $0x1BF5;
	[smem:$0x3FB1] =	sst s0  }
0x18: {  	s0 =	sld [smem:$0x3F94];
	_ =	swait.ge [sflag:s4], $0x0  }
0x19: {  	s7 =	sld [smem:$0x3F95]  }
0x1a: {  	s8 =	sadd.s32 $0xFFFFE003, lr  }
0x1b: {  	s9 =	sadd.s32 $0xFFFFFEF7, lr;
	s5 =	simm.s32 $0xFFFFFFFF;
	p2 =	slt.u32 s8, $0xFFFFF086  }
0x1c: {  	p1 =	slt.u32 s9, $0xF7A;
	s5 =	simm.s32 @!p2 $0x0  }
0x1d: {  	s5 =	simm.s32 @p1 $0x1;
	p0 =	seq.s32 s7, s2  }
0x1e: {  	s7 =	smul.u32 @!p0 $0xF7A, s2;
	p2 =	seq.s32 @!p0 s5, $0x0  }
0x1f: {  	s9 =	smul.u32 $0xF7A, s1;
	s8 =	simm.s32 @!p0 $0x1BF5;
	p2 =	por !p2, p0  }
0x20: {  	[sflag:s8] =	ssyncset.s32 @!p0 $0xFFFFF086;
	s6 =	sadd.s32 @!p0 s3, s7;
	s7 =	simm.s32 @!p0 $0x108  }
0x21: {  	s3 =	sadd.s32 s3, s9;
	s6 =	sadd.s32 @!p0 $0x88, s6;
	s7 =	simm.s32 @p2 $0x1082  }
0x22: {  	[simem:s7], [sflag:s8] =	dma.local @!p0 [hbm:s6], $0xF7A  }
0x23: {  	s9 =	sor.u32 $0xD0000000, s2;
	s6 =	simm.s32 $0x108;
	_ =	swait.ge @!p0 [sflag:s8], $0x0  }
0x24: {  	s3 =	sadd.s32 $0x88, s3;
	s6 =	simm.s32 @!p1 $0x1082;
	[sflag:s4] =	ssyncset.s32 $0xFFFFF086  }
0x25: {  	[simem:s6], [sflag:s4] =	dma.local [hbm:s3], $0xF7A  }
0x26: {  	[smem:$0x3F95] =	sst s1;
	(tag) =	ssettag s2;
	_ =	strace s9  }
0x27: {  	s1 =	sld [smem:$0x3FA5]  }
0x28: {  	s2 =	sld [smem:$0x3FA6]  }
0x29: {  	s4 =	sld [smem:$0x3FA8]  }
0x2a: {  	p0 =	seq.s32 s5, $0x0;
	s5 =	sld [smem:$0x3FA9]  }
0x2b: {  	s6 =	sld [smem:$0x3FAA]  }
0x2c: {  	s7 =	sld [smem:$0x3FAB]  }
0x2d: {  	s3 =	simm.s32 $0x108;
	s8 =	sld [smem:$0x3FAC]  }
0x2e: {  	s3 =	simm.s32 @!p0 $0x1082;
	s9 =	sld [smem:$0x3FAD]  }
0x2f: {  	lr =	sadd.s32 s0, s3;
	s0 =	sld [smem:$0x3FA4]  }
0x30: {  	s3 =	sld [smem:$0x3FA7]  }
0x31: {  	[smem:$0x3FB0] =	sst s10  }
0x32: {  	s10 =	sld [smem:$0x3FAE];
	_ =	sdelay $0x3  }
0x33: {  	p0 =	seq.s32 s10, $0x1;
	s10 =	sld [smem:$0x3FB0];
	_ =	sdelay $0x3  }
0x34: {  	[smem:$0x3FB0] =	sst s10  }
0x35: {  	s10 =	sld [smem:$0x3FAF];
	_ =	sdelay $0x3  }
0x36: {  	p1 =	seq.s32 s10, $0x1;
	s10 =	sld [smem:$0x3FB0];
	_ =	sdelay $0x3  }
0x37: {  	[smem:$0x3FB0] =	sst s10  }
0x38: {  	s10 =	sld [smem:$0x3FB1]  }
0x39: {  	_ = 	snop;
	(pc) =	sbr.ind lr, $3  }
0x3a: {  	_ = 	snop  }
0x3b: {  	_ = 	snop  }
0x3c: {  	p2 =	seq.s32 s10, $0x1;
	s10 =	sld [smem:$0x3FB0]  }
0x3d: {  	_ =	shalt  }
0x3e: {  	_ =	shalt  }
0x3f: {  	_ =	shalt  }
0x40: {  	_ =	shalt  }
0x41: {  	_ =	shalt  }
0x42: {  	_ =	shalt  }
0x43: {  	_ =	shalt  }
0x44: {  	_ =	shalt  }
0x45: {  	_ =	shalt  }
0x46: {  	_ =	shalt  }
0x47: {  	_ =	shalt  }
0x48: {  	_ =	shalt  }
0x49: {  	_ =	shalt  }
0x4a: {  	_ =	shalt  }
0x4b: {  	_ =	shalt  }
0x4c: {  	_ =	shalt  }
0x4d: {  	_ =	shalt  }
0x4e: {  	_ =	shalt  }
0x4f: {  	_ =	shalt  }
0x50: {  	_ =	shalt  }
0x51: {  	_ =	shalt  }
0x52: {  	_ =	shalt  }
0x53: {  	_ =	shalt  }
0x54: {  	_ =	shalt  }
0x55: {  	_ =	shalt  }
0x56: {  	_ =	shalt  }
0x57: {  	_ =	shalt  }
0x58: {  	_ =	shalt  }
0x59: {  	_ =	shalt  }
0x5a: {  	_ =	shalt  }
0x5b: {  	_ =	shalt  }
0x5c: {  	_ =	shalt  }
0x5d: {  	_ =	shalt  }
0x5e: {  	_ =	shalt  }
0x5f: {  	_ =	shalt  }
0x60: {  	_ =	shalt  }
0x61: {  	_ =	shalt  }
0x62: {  	_ =	shalt  }
0x63: {  	_ =	shalt  }
0x64: {  	_ =	shalt  }
0x65: {  	_ =	shalt  }
0x66: {  	_ =	shalt  }
0x67: {  	_ =	shalt  }
0x68: {  	_ =	shalt  }
0x69: {  	_ =	shalt  }
0x6a: {  	_ =	shalt  }
0x6b: {  	_ =	shalt  }
0x6c: {  	_ =	shalt  }
0x6d: {  	_ =	shalt  }
0x6e: {  	_ =	shalt  }
0x6f: {  	_ =	shalt  }
0x70: {  	_ =	shalt  }
0x71: {  	_ =	shalt  }
0x72: {  	_ =	shalt  }
0x73: {  	_ =	shalt  }
0x74: {  	_ =	shalt  }
0x75: {  	_ =	shalt  }
0x76: {  	_ =	shalt  }
0x77: {  	_ =	shalt  }
0x78: {  	_ =	shalt  }
0x79: {  	_ =	shalt  }
0x7a: {  	_ =	shalt  }
0x7b: {  	_ =	shalt  }
0x7c: {  	_ =	shalt  }
0x7d: {  	_ =	shalt  }
0x7e: {  	_ =	shalt  }
0x7f: {  	_ =	shalt  }
0x80: {  	_ =	shalt  }
0x81: {  	_ =	shalt  }
0x82: {  	_ =	shalt  }
0x83: {  	_ =	shalt  }
0x84: {  	_ =	shalt  }
0x85: {  	_ =	shalt  }
0x86: {  	_ =	shalt  }
0x87: {  	_ =	shalt  }
.Lfunc_end0:
.L_simem_size_0:
called_computation_lowered:
.L_overlay_start_0:
0x88: {  	s2 =	sld [smem:$0x3FD9]  }
0x89: {  	s3 =	sld [smem:$0x3FFE];
	_ =	sdelay $0x1  }
0x8a: {  	s1 =	srdreg.scid  }
0x8b: {  	s0 =	sand.u32 $0x1, s1  }
0x8c: {  	s17 =	sshll.u32 s0, $0xA;
	s2 =	sadd.s32 s3, s2  }
0x8d: {  	s2 =	sadd.s32 s2, s17  }
0x8e: {  	[smem:$0x3FBC] =	sst s2  }
0x8f: {  	_ = 	snop  }
0x90: {  	s2 =	sld [smem:$0x3FD0];
	(tm) =	ssettm $0x1  }
0x91: {  	s18 =	sld [smem:$0x3FFB];
	_ =	sdelay $0x3  }
0x92: {  	_ =	strace s18  }
0x93: {  	s3 =	sld [smem:$0x3FFC];
	_ =	sdelay $0x3  }
0x94: {  	_ =	strace s3  }
0x95: {  	s3 =	sld [smem:$0x3FFD];
	_ =	sdelay $0x3  }
0x96: {  	_ =	strace s3  }
0x97: {  	_ =	strace $0x8FFFFFFF  }
0x98: {  	s19 =	sld [smem:$0x3FDB];
	_ =	sdelay $0x1  }
0x99: {  	s4 =	simm.s32 $_scs_section_size  }
0x9a: {  	s5 =	simm.s32 $_size__tile_overlayer_lowered;
	s6 =	simm.s32 $_tile_overlayer_lowered  }
0x9b: {  	s22 =	simm.s32 $0x1BFF;
	s21 =	sshll.u32 s6, $0x1;
	s3 =	sadd.s32 s4, s19  }
0x9c: {  	s7 =	simm.s32 $0x0;
	s20 =	sshll.u32 s5, $0x1;
	s5 =	sadd.s32 s21, s3  }
0x9d: {  	[timem:s7], [sflag:s22] =	dma.local [hbm:s5], s20  }
0x9e: {  	_ =	swait.ge [sflag:s22], s20  }
0x9f: {  	s4 =	ssub.s32 $0x0, s20;
	[sflag:s22] =	ssyncset.done $0x0  }
0xa0: {  	[sflag:s22] =	ssyncadd.s32 s4;
	_ =	sdelay $0x1  }
0xa1: {  	s23 =	simm.s32 $0x1B8B  }
0xa2: {  	_ =	swait.ge [sflag:s23], $0x1  }
0xa3: {  	[sflag:s23] =	ssyncset.done $0x0  }
0xa4: {  	s25 =	simm.s32 $0x1B8E;
	s24 =	sld [smem:$0x3FFE];
	[sflag:s23] =	ssyncadd.s32 $0xFFFFFFFF  }
0xa5: {  	s26 =	simm.s32 $execute0_lowered;
	[smem:$0x3FD2] =	sst s25  }
0xa6: {  	s5 =	sshll.u32 s26, $0x1;
	_ =	strace $0x80000046;
	[dreg:$0x1] =	wrdreg $0xFFFFFFFF  }
0xa7: {  	s28 =	simm.s32 $_size_execute0_lowered;
	s3 =	sadd.s32 s3, s5;
	[dreg:$0x0] =	wrdreg $0x0  }
0xa8: {  	s5 =	sshll.u32 s28, $0x1;
	[dreg:$0x2] =	wrdreg s3  }
0xa9: {  	[dreg:$0x3] =	wrdreg s5  }
0xaa: {  	[dreg:$0x4] =	wrdreg $0xC0  }
0xab: {  	_ =	task [dreg:s7], $0x5FFFF  }
0xac: {  	[dreg:$0x1] =	wrdreg $0xFFFFFFFF  }
0xad: {  	[dreg:$0x0] =	wrdreg $0x60  }
0xae: {  	[dreg:$0x2] =	wrdreg s2  }
0xaf: {  	[dreg:$0x3] =	wrdreg s24  }
0xb0: {  	[dreg:$0x4] =	wrdreg $0x0  }
0xb1: {  	[dreg:$0x5] =	wrdreg $0x9  }
0xb2: {  	_ =	task.clear_ibuf [dreg:s7], $0x6FFFF;
	_ =	strace $0x90000046  }
0xb3: {  	s29 =	simm.s32 $0x9;
	_ =	strace $0x80000048  }
0xb4: {  	_ =	swait.ge [sflag:s29], $0x1  }
0xb5: {  	[sflag:s29] =	ssyncadd.s32 $0xFFFFFFFF  }
0xb6: {  	_ =	strace $0x90000048  }
0xb7: {  	_ =	sfence  }
0xb8: {  	s30 =	sld [smem:$0x0];
	_ =	sdelay $0x2  }
0xb9: {  	s31 =	sshll.u32 s1, $0xD;
	s1 =	sshrl.u32 s1, $0x2  }
0xba: {  	s3 =	sand.u32 $0x4000, s31;
	s1 =	sadd.s32 s1, s30  }
0xbb: {  	s0 =	sor.u32 s3, s0;
	s1 =	sshll.u32 s1, $0x11  }
0xbc: {  	s0 =	sor.u32 s1, s0  }
0xbd: {  	s0 =	sadd.s32 $0x8F2B, s0  }
0xbe: {  	[sflag:s0] =	ssyncadd.remote.s32 $0x1  }
0xbf: {  	_ =	sfence.sel $0xFFFF  }
0xc0: {  	[dreg:$0x0] =	wrdreg $0xFFFFFFFF;
	(pc) =	sbr.abs _section_cstart, $3  }
0xc1: {  	[dreg:$0x1] =	wrdreg $0xFFFFFFFF  }
0xc2: {  	_ =	task.clear_ibuf [dreg:s7], $0x2FFFF;
	_ =	strace $0x9FFFFFFF  }
0xc3: {  	(tm) =	ssettm $0x7FFFFFFF  }
tec
execute0_lowered:
.L_overlay_start_1:
0x0: {  	(tag) =	ssettag $0x1  }
0x1: {  	s1 =	rddreg [dreg:$0x0]  }
0x2: {  	s20 =	rddreg [dreg:$0x1]  }
0x3: {  	s0 =	stileid.u32;
	s2 =	rddreg [dreg:$0x2]  }
0x4: {  	s3 =	simm.s32 $0x0;
	s6 =	srdreg.scid;
	s4 =	smul.u32 $0x6200, s0  }
0x5: {  	[smem:$0x7FF] =	sst s3;
	s23 =	sshll.u32 s0, $0x1;
	s25 =	sshll.u32 s0, $0x6  }
0x6: {  	_ =	strace $0x80000047;
	s5 =	sshrl.u32 s4, $0x3;
	s24 =	sadd.s32 s4, s2  }
0x7: {  	s4 =	sor.u32 $0x1C03, s25;
	s5 =	sadd.s32 s1, s5;
	s1 =	sand.u32 $0x1, s6  }
0x8: {  	s6 =	simm.s32 $0x3;
	[dreg:$0x4] =	wrdreg s5;
	s21 =	sor.u32 s1, s23  }
0x9: {  	s5 =	sshrl.u32 s24, $0x3;
	s7 =	rddreg [dreg:$0x4];
	s8 =	smul.u32 $0x70, s21  }
0xa: {  	[spmem:s5], [sflag:s4] =	dma.local [hbm:s7], $0xC40  }
0xb: {  	_ =	swait.ge [sflag:s6], $0xC40  }
0xc: {  	s26 =	sadd.s32 s8, s20;
	[sflag:s6] =	ssyncset.done $0x0  }
0xd: {  	s8 =	simm.s32 $0x6200;
	s7 =	sadd.s32 $0x2A00, s26;
	[sflag:s6] =	ssyncadd.s32 $0xFFFFF3C0  }
0xe: {  	[tilespmem:s8], [sflag:$0x3] =	stream.linear.gather [hbm4b:s7+s3], $0x380, $0x38;
	[tilespmem:$0x12580] =	vst v63  }
0xf: {  	_ =	swait.ge [sflag:s6], $0x380  }
0x10: {  	[sflag:s6] =	ssyncset.done $0x0  }
0x11: {  	[sflag:s6] =	ssyncadd.s32 $0xFFFFFC80  }
0x12: {  	s9 =	simm.s32 $0x80;
	s10 =	simm.s32 $0x6580;
	[bflag:$0x0] =	sbarrier.arrive $0xFFFF  }
0x13: {  	[tilespmem:s10], [sflag:$0x1] =	stream.indirect.gather [spmem:s2], $0x40, s8, s9, $0xb8;
	[tilespmem:$0x12580] =	vst v63  }
0x14: {  	s11 =	simm.s32 $0x6280;
	s12 =	simm.s32 $0x8580  }
0x15: {  	[tilespmem:s12], [sflag:$0x1] =	stream.indirect.gather [spmem:s2], $0x40, s11, s9, $0xb8;
	[tilespmem:$0x12580] =	vst v63  }
0x16: {  	s13 =	simm.s32 $0x6300;
	s14 =	simm.s32 $0xA580  }
0x17: {  	[tilespmem:s14], [sflag:$0x1] =	stream.indirect.gather [spmem:s2], $0x40, s13, s9, $0xb8;
	[tilespmem:$0x12580] =	vst v63  }
0x18: {  	s15 =	simm.s32 $0x6380;
	s16 =	simm.s32 $0xC580  }
0x19: {  	[tilespmem:s16], [sflag:$0x1] =	stream.indirect.gather [spmem:s2], $0x40, s15, s9, $0xb8;
	[tilespmem:$0x12580] =	vst v63  }
0x1a: {  	s17 =	simm.s32 $0x6400;
	s18 =	simm.s32 $0xE580;
	s19 =	simm.s32 $0x1  }
0x1b: {  	[tilespmem:s18], [sflag:$0x1] =	stream.indirect.gather [spmem:s2], $0x40, s17, s9, $0xb8;
	[tilespmem:$0x12580] =	vst v63  }
0x1c: {  	s22 =	smul.u32 $0x1C00, s21;
	_ =	swait.ge [sflag:s19], $0x2000  }
0x1d: {  	s23 =	sadd.s32 $0x3800, s20;
	[sflag:s19] =	ssyncset.done $0x0  }
0x1e: {  	s20 =	sadd.s32 s23, s22;
	[sflag:s19] =	ssyncadd.s32 $0xFFFFE000  }
0x1f: {  	[hbm4b:s20+s3] =	stream.linear.scatter [tilespmem:s10], [sflag:$0x2], $0x2000, $0x38;
	[tilespmem:$0x12580] =	vst v63  }
0x20: {  	s24 =	smul.u32 $0xE000, s21;
	s21 =	simm.s32 $0x6480;
	s22 =	simm.s32 $0x10580  }
0x21: {  	[tilespmem:s22], [sflag:$0x1] =	stream.indirect.gather [spmem:s2], $0x40, s21, s9, $0xb8;
	[tilespmem:$0x12580] =	vst v63  }
0x22: {  	s24 =	sshrl.u32 s24, $0x3;
	_ =	swait.ge [sflag:s19], $0x2000  }
0x23: {  	s31 =	sadd.s32 s23, s24;
	[sflag:s19] =	ssyncset.done $0x0  }
0x24: {  	s24 =	simm.s32 $0x2;
	s23 =	sadd.s32 $0x400, s31;
	[sflag:s19] =	ssyncadd.s32 $0xFFFFE000  }
0x25: {  	[hbm4b:s23+s3] =	stream.linear.scatter [tilespmem:s12], [sflag:$0x2], $0x2000, $0x38;
	[tilespmem:$0x12580] =	vst v63  }
0x26: {  	_ =	swait.ge [sflag:s24], $0x2000  }
0x27: {  	[sflag:s24] =	ssyncset.done $0x0  }
0x28: {  	s25 =	simm.s32 $0x6500;
	[sflag:s24] =	ssyncadd.s32 $0xFFFFE000  }
0x29: {  	[tilespmem:s10], [sflag:$0x1] =	stream.indirect.gather [spmem:s2], $0x40, s25, s9, $0xb8;
	[tilespmem:$0x12580] =	vst v63  }
0x2a: {  	_ =	swait.ge [sflag:s19], $0x2000  }
0x2b: {  	[sflag:s19] =	ssyncset.done $0x0  }
0x2c: {  	s26 =	sadd.s32 $0x800, s31;
	[sflag:s19] =	ssyncadd.s32 $0xFFFFE000  }
0x2d: {  	[hbm4b:s26+s3] =	stream.linear.scatter [tilespmem:s14], [sflag:$0x2], $0x2000, $0x38;
	[tilespmem:$0x12580] =	vst v63  }
0x2e: {  	_ =	swait.ge [sflag:s19], $0x2000  }
0x2f: {  	[sflag:s19] =	ssyncset.done $0x0  }
0x30: {  	s28 =	sadd.s32 $0xC00, s31;
	[sflag:s19] =	ssyncadd.s32 $0xFFFFE000  }
0x31: {  	[hbm4b:s28+s3] =	stream.linear.scatter [tilespmem:s16], [sflag:$0x2], $0x2000, $0x38;
	[tilespmem:$0x12580] =	vst v63  }
0x32: {  	_ =	swait.ge [sflag:s19], $0x2000  }
0x33: {  	[sflag:s19] =	ssyncset.done $0x0  }
0x34: {  	s29 =	sadd.s32 $0x1000, s31;
	[sflag:s19] =	ssyncadd.s32 $0xFFFFE000  }
0x35: {  	[hbm4b:s29+s3] =	stream.linear.scatter [tilespmem:s18], [sflag:$0x2], $0x2000, $0x38;
	[tilespmem:$0x12580] =	vst v63  }
0x36: {  	_ =	swait.ge [sflag:s19], $0x2000  }
0x37: {  	[sflag:s19] =	ssyncset.done $0x0  }
0x38: {  	s30 =	sadd.s32 $0x1400, s31;
	[sflag:s19] =	ssyncadd.s32 $0xFFFFE000  }
0x39: {  	[hbm4b:s30+s3] =	stream.linear.scatter [tilespmem:s22], [sflag:$0x2], $0x2000, $0x38;
	[tilespmem:$0x12580] =	vst v63  }
0x3a: {  	_ =	swait.ge [sflag:s19], $0x2000  }
0x3b: {  	[sflag:s19] =	ssyncset.done $0x0  }
0x3c: {  	s31 =	sadd.s32 $0x1800, s31;
	[sflag:s19] =	ssyncadd.s32 $0xFFFFE000  }
0x3d: {  	[hbm4b:s31+s3] =	stream.linear.scatter [tilespmem:s10], [sflag:$0x2], $0x2000, $0x38;
	[tilespmem:$0x12580] =	vst v63  }
0x3e: {  	_ =	swait.ge [sflag:s24], $0x2000  }
0x3f: {  	[sflag:s24] =	ssyncset.done $0x0  }
0x40: {  	[sflag:s24] =	ssyncadd.s32 $0xFFFFE000  }
0x41: {  	_ =	swait.ge [sflag:s24], $0x2000  }
0x42: {  	[sflag:s24] =	ssyncset.done $0x0  }
0x43: {  	[sflag:s24] =	ssyncadd.s32 $0xFFFFE000  }
0x44: {  	s1 =	ssub.s32 $0x2, s1;
	_ =	swait.ge [sflag:s24], $0x2000  }
0x45: {  	s0 =	sshrl.u32 s1, $0x1;
	[sflag:s24] =	ssyncset.done $0x0  }
0x46: {  	s0 =	ssub.s32 s1, s0;
	[sflag:s24] =	ssyncadd.s32 $0xFFFFE000  }
0x47: {  	s0 =	smax.u32 s0, $0x1;
	_ =	swait.ge [sflag:s24], $0x2000  }
0x48: {  	p0 =	sne.s32 s0, $0x1;
	[sflag:s24] =	ssyncset.done $0x0  }
.Ltmp0:
0x49: {  	[sflag:s24] =	ssyncadd.s32 $0xFFFFE000;
	(pc) =	sbr.rel @!p0 .LBB2_2-.Ltmp0, $4  }
0x4a: {  	_ =	swait.ge [sflag:s24], $0x2000  }
0x4b: {  	[sflag:s24] =	ssyncset.done $0x0  }
0x4c: {  	[sflag:s24] =	ssyncadd.s32 $0xFFFFE000  }
0x4d: {  	s1 =	sadd.s32 $0xFFFFFFFF, s0;
	_ =	swait.ge [sflag:s24], $0x2000  }
.LBB2_1:
0x4e: {  	[sflag:s24] =	ssyncset.done $0x0  }
0x4f: {  	s0 =	rddreg [dreg:$0x4];
	[sflag:s24] =	ssyncadd.s32 $0xFFFFE000  }
0x50: {  	[spmem:s5], [sflag:s4] =	dma.local [hbm:s0], $0xC40  }
0x51: {  	_ =	swait.ge [sflag:s6], $0xC40  }
0x52: {  	[sflag:s6] =	ssyncset.done $0x0  }
0x53: {  	[sflag:s6] =	ssyncadd.s32 $0xFFFFF3C0  }
0x54: {  	[tilespmem:s8], [sflag:$0x3] =	stream.linear.gather [hbm4b:s7+s3], $0x380, $0x38;
	[tilespmem:$0x12580] =	vst v63  }
0x55: {  	_ =	swait.ge [sflag:s6], $0x380  }
0x56: {  	[sflag:s6] =	ssyncset.done $0x0  }
0x57: {  	[sflag:s6] =	ssyncadd.s32 $0xFFFFFC80  }
0x58: {  	[bflag:$0x0] =	sbarrier.arrive $0xFFFF  }
0x59: {  	[tilespmem:s10], [sflag:$0x1] =	stream.indirect.gather [spmem:s2], $0x40, s8, s9, $0xb8;
	[tilespmem:$0x12580] =	vst v63  }
0x5a: {  	_ = 	snop  }
0x5b: {  	[tilespmem:s12], [sflag:$0x1] =	stream.indirect.gather [spmem:s2], $0x40, s11, s9, $0xb8;
	[tilespmem:$0x12580] =	vst v63  }
0x5c: {  	_ = 	snop  }
0x5d: {  	[tilespmem:s14], [sflag:$0x1] =	stream.indirect.gather [spmem:s2], $0x40, s13, s9, $0xb8;
	[tilespmem:$0x12580] =	vst v63  }
0x5e: {  	_ = 	snop  }
0x5f: {  	[tilespmem:s16], [sflag:$0x1] =	stream.indirect.gather [spmem:s2], $0x40, s15, s9, $0xb8;
	[tilespmem:$0x12580] =	vst v63  }
0x60: {  	_ = 	snop  }
0x61: {  	[tilespmem:s18], [sflag:$0x1] =	stream.indirect.gather [spmem:s2], $0x40, s17, s9, $0xb8;
	[tilespmem:$0x12580] =	vst v63  }
0x62: {  	_ =	swait.ge [sflag:s19], $0x2000  }
0x63: {  	[sflag:s19] =	ssyncset.done $0x0  }
0x64: {  	[sflag:s19] =	ssyncadd.s32 $0xFFFFE000  }
0x65: {  	[hbm4b:s20+s3] =	stream.linear.scatter [tilespmem:s10], [sflag:$0x2], $0x2000, $0x38;
	[tilespmem:$0x12580] =	vst v63  }
0x66: {  	_ = 	snop  }
0x67: {  	[tilespmem:s22], [sflag:$0x1] =	stream.indirect.gather [spmem:s2], $0x40, s21, s9, $0xb8;
	[tilespmem:$0x12580] =	vst v63  }
0x68: {  	_ =	swait.ge [sflag:s19], $0x2000  }
0x69: {  	[sflag:s19] =	ssyncset.done $0x0  }
0x6a: {  	[sflag:s19] =	ssyncadd.s32 $0xFFFFE000  }
0x6b: {  	[hbm4b:s23+s3] =	stream.linear.scatter [tilespmem:s12], [sflag:$0x2], $0x2000, $0x38;
	[tilespmem:$0x12580] =	vst v63  }
0x6c: {  	_ =	swait.ge [sflag:s24], $0x2000  }
0x6d: {  	[sflag:s24] =	ssyncset.done $0x0  }
0x6e: {  	[sflag:s24] =	ssyncadd.s32 $0xFFFFE000  }
0x6f: {  	[tilespmem:s10], [sflag:$0x1] =	stream.indirect.gather [spmem:s2], $0x40, s25, s9, $0xb8;
	[tilespmem:$0x12580] =	vst v63  }
0x70: {  	_ =	swait.ge [sflag:s19], $0x2000  }
0x71: {  	[sflag:s19] =	ssyncset.done $0x0  }
0x72: {  	[sflag:s19] =	ssyncadd.s32 $0xFFFFE000  }
0x73: {  	[hbm4b:s26+s3] =	stream.linear.scatter [tilespmem:s14], [sflag:$0x2], $0x2000, $0x38;
	[tilespmem:$0x12580] =	vst v63  }
0x74: {  	_ =	swait.ge [sflag:s19], $0x2000  }
0x75: {  	[sflag:s19] =	ssyncset.done $0x0  }
0x76: {  	[sflag:s19] =	ssyncadd.s32 $0xFFFFE000  }
0x77: {  	[hbm4b:s28+s3] =	stream.linear.scatter [tilespmem:s16], [sflag:$0x2], $0x2000, $0x38;
	[tilespmem:$0x12580] =	vst v63  }
0x78: {  	_ =	swait.ge [sflag:s19], $0x2000  }
0x79: {  	[sflag:s19] =	ssyncset.done $0x0  }
0x7a: {  	[sflag:s19] =	ssyncadd.s32 $0xFFFFE000  }
0x7b: {  	[hbm4b:s29+s3] =	stream.linear.scatter [tilespmem:s18], [sflag:$0x2], $0x2000, $0x38;
	[tilespmem:$0x12580] =	vst v63  }
0x7c: {  	_ =	swait.ge [sflag:s19], $0x2000  }
0x7d: {  	[sflag:s19] =	ssyncset.done $0x0  }
0x7e: {  	[sflag:s19] =	ssyncadd.s32 $0xFFFFE000  }
0x7f: {  	[hbm4b:s30+s3] =	stream.linear.scatter [tilespmem:s22], [sflag:$0x2], $0x2000, $0x38;
	[tilespmem:$0x12580] =	vst v63  }
0x80: {  	_ =	swait.ge [sflag:s19], $0x2000  }
0x81: {  	[sflag:s19] =	ssyncset.done $0x0  }
0x82: {  	[sflag:s19] =	ssyncadd.s32 $0xFFFFE000  }
0x83: {  	[hbm4b:s31+s3] =	stream.linear.scatter [tilespmem:s10], [sflag:$0x2], $0x2000, $0x38;
	[tilespmem:$0x12580] =	vst v63  }
0x84: {  	_ =	swait.ge [sflag:s24], $0x2000  }
0x85: {  	[sflag:s24] =	ssyncset.done $0x0  }
0x86: {  	[sflag:s24] =	ssyncadd.s32 $0xFFFFE000  }
0x87: {  	_ =	swait.ge [sflag:s24], $0x2000  }
0x88: {  	[sflag:s24] =	ssyncset.done $0x0  }
0x89: {  	[sflag:s24] =	ssyncadd.s32 $0xFFFFE000  }
0x8a: {  	_ =	swait.ge [sflag:s24], $0x2000  }
0x8b: {  	[sflag:s24] =	ssyncset.done $0x0  }
0x8c: {  	[sflag:s24] =	ssyncadd.s32 $0xFFFFE000  }
0x8d: {  	_ =	swait.ge [sflag:s24], $0x2000  }
0x8e: {  	p0 =	sne.s32 s1, $0x1;
	[sflag:s24] =	ssyncset.done $0x0  }
.Ltmp1:
0x8f: {  	[sflag:s24] =	ssyncadd.s32 $0xFFFFE000;
	(pc) =	sbr.rel @p0 .LBB2_1-.Ltmp1, $4  }
0x90: {  	_ =	swait.ge [sflag:s24], $0x2000  }
0x91: {  	[sflag:s24] =	ssyncset.done $0x0  }
0x92: {  	[sflag:s24] =	ssyncadd.s32 $0xFFFFE000  }
0x93: {  	s1 =	sadd.s32 $0xFFFFFFFF, s1;
	_ =	swait.ge [sflag:s24], $0x2000  }
.LBB2_2:
0x94: {  	[sflag:s24] =	ssyncset.done $0x0  }
0x95: {  	[sflag:s24] =	ssyncadd.s32 $0xFFFFE000  }
0x96: {  	_ =	sfence.sel $0x180000  }
0x97: {  	[bflag:$0x0] =	sbarrier.arrive $0xFFFF  }
0x98: {  	_ =	strace $0x90000047  }
0x99: {  	s0 =	stileid.u32;
	[bflag:$0x2] =	sbarrier.arrive $0xFFFF  }
0x9a: {  	p0 =	sne.s32 s0, $0x0;
	s0 =	rddreg [dreg:$0x3]  }
0x9b: {  	s0 =	sadd.s32 @!p0 $0x100000, s0  }
0x9c: {  	[sflag:s0] =	ssyncadd.tile.s32 @!p0 $0x1;
	_ =	shalt  }
.Lfunc_end2:
_tile_overlayer_lowered:
.L_overlay_start_2:
0x9d: {  	(tag) =	ssettag $0x2  }
0x9e: {  	s0 =	rddreg [dreg:$0x0];
	s2 =	stileid.u32  }
0x9f: {  	s1 =	rddreg [dreg:$0x1];
	p0 =	sne.s32 s2, $0x0  }
0xa0: {  	s3 =	rddreg [dreg:$0x2];
	[bflag:$0x3] =	sbarrier.arrive $0xFFFF;
	s2 =	simm.s32 @!p0 $0x1C03  }
0xa1: {  	[timem:s3], [sflag:s2] =	dma.local @!p0 [hbm:s0], s1  }
0xa2: {  	s0 =	simm.s32 @!p0 $0x3  }
0xa3: {  	_ =	swait.ge @!p0 [sflag:s0], s1  }
0xa4: {  	s1 =	ssub.s32 @!p0 $0x0, s1;
	[sflag:s0] =	ssyncset.done @!p0 $0x0  }
0xa5: {  	[sflag:s0] =	ssyncadd.s32 @!p0 s1  }
0xa6: {  	[bflag:$0x3] =	sbarrier.arrive $0xFFFF  }
0xa7: {  	_ =	shalt  }

</sc_bundles>
